<compile_context>
chip_gen: v7x
topology: tpu7x:2x2x1
jax: 0.10.2.dev20260603
libtpu: 0.0.44.dev20260713+nightly
codegen_flags: <defaults>
</compile_context>

<pallas_src>
import functools

import jax
import jax.numpy as jnp
from jax import lax
from jax.experimental import pallas as pl
from jax.experimental.pallas import tpu as pltpu
from jax.experimental.pallas import tpu_sc as plsc

B = 16384
D = 32
L = 16
NC = 2
NS = 16
NW = NC * NS
BPW = B // NW
NB = 2
ROUNDS = BPW // L
BPR = L // NB

_mesh = plsc.VectorSubcoreMesh(core_axis_name="c", subcore_axis_name="s")


@functools.partial(
    pl.kernel,
    mesh=_mesh,
    out_type=jax.ShapeDtypeStruct((B,), jnp.float32),
    compiler_params=pltpu.CompilerParams(needs_layout_passes=False),
    scratch_types=[
        pltpu.VMEM((BPW,), jnp.int32),
        pltpu.VMEM((BPW,), jnp.int32),
        pltpu.VMEM((2, NB, D, 128), jnp.float32),
        pltpu.VMEM((2, NB, D, 128), jnp.float32),
        pltpu.VMEM((BPW, L), jnp.float32),
        pltpu.VMEM((BPW,), jnp.float32),
        pltpu.VMEM((BPW,), jnp.float32),
        pltpu.VMEM((BPW,), jnp.float32),
        pltpu.SemaphoreType.DMA,
        pltpu.SemaphoreType.DMA,
        pltpu.SemaphoreType.DMA,
        pltpu.SemaphoreType.DMA,
        pltpu.SemaphoreType.DMA,
        pltpu.SemaphoreType.DMA,
    ],
)
def _mf_sc(users_hbm, items_hbm, utt_hbm, itt_hbm, ub_hbm, ib_hbm, out_hbm,
           uidx, iidx, ublk, iblk, psum, ubv, ibv, res,
           sem_ua, sem_ia, sem_ub_blk, sem_ib_blk, sem_ubias, sem_ibias):
    wid = lax.axis_index("s") * NC + lax.axis_index("c")
    base = wid * BPW

    pltpu.sync_copy(users_hbm.at[pl.ds(base, BPW)], uidx)
    pltpu.sync_copy(items_hbm.at[pl.ds(base, BPW)], iidx)

    pltpu.async_copy(ub_hbm.at[uidx], ubv, sem_ubias)
    pltpu.async_copy(ib_hbm.at[iidx], ibv, sem_ibias)

    iota = lax.iota(jnp.int32, L)
    c_lo = iota
    c_hi = iota + L
    sems = ((sem_ua, sem_ia), (sem_ub_blk, sem_ib_blk))

    def load_round_vecs(t):
        uvec = uidx[pl.ds(t * L, L)]
        ivec = iidx[pl.ds(t * L, L)]
        return ((uvec >> 7) << 7, uvec & 127, (ivec >> 7) << 7, ivec & 127)

    def fire_batch(vecs, k, slot):
        uoffv, _, ioffv, _ = vecs
        sem_u, sem_i = sems[slot]
        for b in range(NB):
            j = k * NB + b
            uoff = pl.multiple_of(uoffv[j], 128)
            ioff = pl.multiple_of(ioffv[j], 128)
            pltpu.async_copy(
                utt_hbm.at[:, pl.ds(uoff, 128)], ublk.at[slot, b], sem_u
            )
            pltpu.async_copy(
                itt_hbm.at[:, pl.ds(ioff, 128)], iblk.at[slot, b], sem_i
            )

    def drain(slot):
        sem_u, sem_i = sems[slot]
        for b in range(NB):
            pltpu.make_async_copy(
                utt_hbm.at[:, pl.ds(0, 128)], ublk.at[slot, b], sem_u
            ).wait()
            pltpu.make_async_copy(
                itt_hbm.at[:, pl.ds(0, 128)], iblk.at[slot, b], sem_i
            ).wait()

    def extract_batch(e0, vecs, k, slot):
        _, ulanev, _, ilanev = vecs
        ss = jnp.full((L,), slot, jnp.int32)
        for b in range(NB):
            j = k * NB + b
            ulane = jnp.full((L,), ulanev[j], jnp.int32)
            vlane = jnp.full((L,), ilanev[j], jnp.int32)
            bb = jnp.full((L,), b, jnp.int32)
            u0 = plsc.load_gather(ublk, [ss, bb, c_lo, ulane])
            u1 = plsc.load_gather(ublk, [ss, bb, c_hi, ulane])
            v0 = plsc.load_gather(iblk, [ss, bb, c_lo, vlane])
            v1 = plsc.load_gather(iblk, [ss, bb, c_hi, vlane])
            psum[e0 + j, pl.ds(0, L)] = u0 * v0 + u1 * v1

    fire_batch(load_round_vecs(0), 0, 0)

    def round_body(t, carry):
        e0 = t * L
        vecs = load_round_vecs(t)
        for k in range(BPR):
            cur = k % 2
            nxt = 1 - cur
            if k + 1 < BPR:
                fire_batch(vecs, k + 1, nxt)
            else:
                @pl.when(t < ROUNDS - 1)
                def _():
                    fire_batch(load_round_vecs(t + 1), 0, nxt)

            drain(cur)
            extract_batch(e0, vecs, k, cur)
        return carry

    lax.fori_loop(0, ROUNDS, round_body, 0)

    pltpu.make_async_copy(ub_hbm.at[pl.ds(0, BPW)], ubv, sem_ubias).wait()
    pltpu.make_async_copy(ib_hbm.at[pl.ds(0, BPW)], ibv, sem_ibias).wait()

    def group_body(g, carry):
        off = g * L
        rows = iota + off
        acc = ubv[pl.ds(off, L)] + ibv[pl.ds(off, L)]
        for j in range(L):
            col = jnp.full((L,), j, jnp.int32)
            acc = acc + plsc.load_gather(psum, [rows, col])
        res[pl.ds(off, L)] = acc
        return carry

    lax.fori_loop(0, ROUNDS, group_body, 0)

    pltpu.sync_copy(res, out_hbm.at[pl.ds(base, BPW)])


def kernel(users, items, user_table, item_table, user_bias, item_bias):
    return _mf_sc(users, items, user_table.T, item_table.T,
                  user_bias, item_bias)

# --- scband reference (transcript-rebuilt; emitter-appended) ---
"""Pipeline reference for scband-mf-12412455485583 (READ-ONLY COPY).

The authoritative reference and input builder live on the scoring server;
editing this copy changes nothing except your own understanding.
"""

import jax, jax.numpy as jnp
import numpy as np

NUM_USERS = 1000000
NUM_ITEMS = 1000000
N_FACTORS = 32
BATCH = 16384


def setup_inputs(seed: int = 0) -> dict:
    key = jax.random.key(seed)
    k1, k2, k3, k4 = jax.random.split(key, 4)
    users = jax.random.randint(k1, (BATCH,), 0, NUM_USERS, dtype=jnp.int64 if jax.config.jax_enable_x64 else jnp.int32).astype(jnp.int32)
    items = jax.random.randint(k2, (BATCH,), 0, NUM_ITEMS, dtype=jnp.int64 if jax.config.jax_enable_x64 else jnp.int32).astype(jnp.int32)
    # kaiming_normal_ with mode='fan_out' on an [N, d] weight: std = sqrt(2 / d)
    std = float(np.sqrt(2.0 / N_FACTORS))
    user_table = jax.random.normal(k3, (NUM_USERS, N_FACTORS), dtype=jnp.float32) * std
    item_table = jax.random.normal(k4, (NUM_ITEMS, N_FACTORS), dtype=jnp.float32) * std
    user_bias = jnp.zeros((NUM_USERS,), dtype=jnp.float32)
    item_bias = jnp.zeros((NUM_ITEMS,), dtype=jnp.float32)
    return {
        "users": users,
        "items": items,
        "user_table": user_table,
        "item_table": item_table,
        "user_bias": user_bias,
        "item_bias": item_bias,
    }


def reference(users, items, user_table, item_table, user_bias, item_bias):
    # users_emb = embedding_user(users); items_emb = embedding_item(items)
    users_emb = jnp.take(user_table, users, axis=0)
    items_emb = jnp.take(item_table, items, axis=0)
    # inner_pro = users_emb * items_emb; predictions = sum over factor dim
    inner_pro = users_emb * items_emb
    predictions = jnp.sum(inner_pro, axis=1)
    # x_biases = cat([user_bias[users][:, None], item_bias[items][:, None]], -1).sum(1)
    x_biases = jnp.concatenate(
        [user_bias[users][:, None], item_bias[items][:, None]], axis=-1
    ).sum(axis=1)
    predictions = predictions + x_biases
    return predictions

if __name__ == "__main__":
    import jax
    _d = setup_inputs()
    print(jax.jit(kernel)(*tuple(_d.values())))

</pallas_src>

<mosaic_0001>
#map = affine_map<(d0, d1) -> (0)>
#map1 = affine_map<(d0, d1) -> (0, 0)>
module attributes {stable_mosaic.version = 14 : i64} {
  func.func @_mf_sc(%arg0: i32, %arg1: i32, %arg2: memref<16384xi32, #tpu.memory_space<hbm>>, %arg3: memref<16384xi32, #tpu.memory_space<hbm>>, %arg4: memref<32x1000000xf32, #tpu.memory_space<hbm>>, %arg5: memref<32x1000000xf32, #tpu.memory_space<hbm>>, %arg6: memref<1000000xf32, #tpu.memory_space<hbm>>, %arg7: memref<1000000xf32, #tpu.memory_space<hbm>>, %arg8: memref<16384xf32, #tpu.memory_space<hbm>>, %arg9: memref<512xi32, #tpu.memory_space<vmem>>, %arg10: memref<512xi32, #tpu.memory_space<vmem>>, %arg11: memref<2x2x32x128xf32, #tpu.memory_space<vmem>>, %arg12: memref<2x2x32x128xf32, #tpu.memory_space<vmem>>, %arg13: memref<512x16xf32, #tpu.memory_space<vmem>>, %arg14: memref<512xf32, #tpu.memory_space<vmem>>, %arg15: memref<512xf32, #tpu.memory_space<vmem>>, %arg16: memref<512xf32, #tpu.memory_space<vmem>>, %arg17: memref<!tpu.dma_semaphore, #tpu.memory_space<semaphore_mem>>, %arg18: memref<!tpu.dma_semaphore, #tpu.memory_space<semaphore_mem>>, %arg19: memref<!tpu.dma_semaphore, #tpu.memory_space<semaphore_mem>>, %arg20: memref<!tpu.dma_semaphore, #tpu.memory_space<semaphore_mem>>, %arg21: memref<!tpu.dma_semaphore, #tpu.memory_space<semaphore_mem>>, %arg22: memref<!tpu.dma_semaphore, #tpu.memory_space<semaphore_mem>>) attributes {dimension_semantics = [#tpu.dimension_semantics<core_parallel>, #tpu.dimension_semantics<subcore_parallel>], iteration_bounds = array<i64: 2, 16>, scalar_prefetch = 0 : i64, scratch_operands = 14 : i64, tpu.core_type = #tpu.core_type<sc_vector_subcore>, window_params = [{transform_indices = #map}, {transform_indices = #map}, {transform_indices = #map1}, {transform_indices = #map1}, {transform_indices = #map}, {transform_indices = #map}, {transform_indices = #map}]} {
    %mul3A = arith.constant 2 : i32
    %mul3A_0 = arith.muli %arg1, %mul3A : i32
    %add3A = arith.addi %mul3A_0, %arg0 : i32
    %mul3A_1 = arith.constant 512 : i32
    %mul3A_2 = arith.muli %add3A, %mul3A_1 : i32
    "tpu.region"() ({
      %run_scoped3A = tpu.sem_alloc : memref<!tpu.dma_semaphore, #tpu.memory_space<semaphore_mem>>
      %dma_start3A_110 = tpu.memref_slice %arg2[%mul3A_2] : memref<16384xi32, #tpu.memory_space<hbm>> -> memref<512xi32, #tpu.memory_space<hbm>>
      %dma_start3A_111 = tpu.memref_slice %arg2[%mul3A_2] : memref<16384xi32, #tpu.memory_space<hbm>> -> memref<512xi32, #tpu.memory_space<hbm>>
      tpu.enqueue_dma source(%dma_start3A_111 : memref<512xi32, #tpu.memory_space<hbm>>) target(%arg9 : memref<512xi32, #tpu.memory_space<vmem>>) target_semaphore(%run_scoped3A : memref<!tpu.dma_semaphore, #tpu.memory_space<semaphore_mem>>)
      %dma_wait3A_112 = tpu.memref_slice %arg2[%mul3A_2] : memref<16384xi32, #tpu.memory_space<hbm>> -> memref<512xi32, #tpu.memory_space<hbm>>
      %dma_wait3A_113 = tpu.memref_slice %arg2[%mul3A_2] : memref<16384xi32, #tpu.memory_space<hbm>> -> memref<512xi32, #tpu.memory_space<hbm>>
      tpu.wait_dma2 semaphore(%run_scoped3A : memref<!tpu.dma_semaphore, #tpu.memory_space<semaphore_mem>>) src(%dma_wait3A_113 : memref<512xi32, #tpu.memory_space<hbm>>) dst(%arg9 : memref<512xi32, #tpu.memory_space<vmem>>)
      tpu.yield
    }) : () -> ()
    "tpu.region"() ({
      %run_scoped3A = tpu.sem_alloc : memref<!tpu.dma_semaphore, #tpu.memory_space<semaphore_mem>>
      %dma_start3A_110 = tpu.memref_slice %arg3[%mul3A_2] : memref<16384xi32, #tpu.memory_space<hbm>> -> memref<512xi32, #tpu.memory_space<hbm>>
      %dma_start3A_111 = tpu.memref_slice %arg3[%mul3A_2] : memref<16384xi32, #tpu.memory_space<hbm>> -> memref<512xi32, #tpu.memory_space<hbm>>
      tpu.enqueue_dma source(%dma_start3A_111 : memref<512xi32, #tpu.memory_space<hbm>>) target(%arg10 : memref<512xi32, #tpu.memory_space<vmem>>) target_semaphore(%run_scoped3A : memref<!tpu.dma_semaphore, #tpu.memory_space<semaphore_mem>>)
      %dma_wait3A_112 = tpu.memref_slice %arg3[%mul3A_2] : memref<16384xi32, #tpu.memory_space<hbm>> -> memref<512xi32, #tpu.memory_space<hbm>>
      %dma_wait3A_113 = tpu.memref_slice %arg3[%mul3A_2] : memref<16384xi32, #tpu.memory_space<hbm>> -> memref<512xi32, #tpu.memory_space<hbm>>
      tpu.wait_dma2 semaphore(%run_scoped3A : memref<!tpu.dma_semaphore, #tpu.memory_space<semaphore_mem>>) src(%dma_wait3A_113 : memref<512xi32, #tpu.memory_space<hbm>>) dst(%arg10 : memref<512xi32, #tpu.memory_space<vmem>>)
      tpu.yield
    }) : () -> ()
    %dma_start3A = arith.constant 0 : i32
    %dma_start3A_3 = tpu.memref_slice %arg6[%dma_start3A] : memref<1000000xf32, #tpu.memory_space<hbm>> -> memref<1000000xf32, #tpu.memory_space<hbm>>
    tpu.enqueue_indirect_dma source(%dma_start3A_3 : memref<1000000xf32, #tpu.memory_space<hbm>>) target(%arg14 : memref<512xf32, #tpu.memory_space<vmem>>) offsets(%arg9 : memref<512xi32, #tpu.memory_space<vmem>>) semaphore(%arg21 : memref<!tpu.dma_semaphore, #tpu.memory_space<semaphore_mem>>)
    %dma_start3A_4 = arith.constant 0 : i32
    %dma_start3A_5 = tpu.memref_slice %arg7[%dma_start3A_4] : memref<1000000xf32, #tpu.memory_space<hbm>> -> memref<1000000xf32, #tpu.memory_space<hbm>>
    tpu.enqueue_indirect_dma source(%dma_start3A_5 : memref<1000000xf32, #tpu.memory_space<hbm>>) target(%arg15 : memref<512xf32, #tpu.memory_space<vmem>>) offsets(%arg10 : memref<512xi32, #tpu.memory_space<vmem>>) semaphore(%arg22 : memref<!tpu.dma_semaphore, #tpu.memory_space<semaphore_mem>>)
    %iota3A = tpu.iota {dimensions = array<i32: 0>} : vector<16xi32>
    %add3A_6 = arith.constant 16 : i32
    %add3A_7 = vector.broadcast %add3A_6 : i32 to vector<16xi32>
    %add3A_8 = arith.addi %iota3A, %add3A_7 : vector<16xi32>
    %get3A = arith.constant 0 : index
    %get3A_9 = tpu.vector_load %arg9[%get3A] {strides = array<i32>} : memref<512xi32, #tpu.memory_space<vmem>>, vector<16xi32>,
    %get3A_10 = arith.constant 0 : index
    %get3A_11 = tpu.vector_load %arg10[%get3A_10] {strides = array<i32>} : memref<512xi32, #tpu.memory_space<vmem>>, vector<16xi32>,
    %shift_right_arithmetic3A = arith.constant 7 : i32
    %shift_right_arithmetic3A_12 = vector.broadcast %shift_right_arithmetic3A : i32 to vector<16xi32>
    %shift_right_arithmetic3A_13 = arith.shrsi %get3A_9, %shift_right_arithmetic3A_12 : vector<16xi32>
    %shift_left3A = arith.constant 7 : i32
    %shift_left3A_14 = vector.broadcast %shift_left3A : i32 to vector<16xi32>
    %shift_left3A_15 = arith.shli %shift_right_arithmetic3A_13, %shift_left3A_14 : vector<16xi32>
    %and3A = arith.constant 127 : i32
    %and3A_16 = vector.broadcast %and3A : i32 to vector<16xi32>
    %and3A_17 = arith.andi %get3A_9, %and3A_16 : vector<16xi32>
    %shift_right_arithmetic3A_18 = arith.constant 7 : i32
    %shift_right_arithmetic3A_19 = vector.broadcast %shift_right_arithmetic3A_18 : i32 to vector<16xi32>
    %shift_right_arithmetic3A_20 = arith.shrsi %get3A_11, %shift_right_arithmetic3A_19 : vector<16xi32>
    %shift_left3A_21 = arith.constant 7 : i32
    %shift_left3A_22 = vector.broadcast %shift_left3A_21 : i32 to vector<16xi32>
    %shift_left3A_23 = arith.shli %shift_right_arithmetic3A_20, %shift_left3A_22 : vector<16xi32>
    %and3A_24 = arith.constant 127 : i32
    %and3A_25 = vector.broadcast %and3A_24 : i32 to vector<16xi32>
    %and3A_26 = arith.andi %get3A_11, %and3A_25 : vector<16xi32>
    %slice3A = vector.extract_strided_slice %shift_left3A_15 {offsets = [0], sizes = [1], strides = [1]} : vector<16xi32> to vector<1xi32>
    %squeeze3A = vector.extract %slice3A[0] : i32 from vector<1xi32>
    %multiple_of3A = tpu.assume_multiple %squeeze3A, 128 : i32
    %slice3A_27 = vector.extract_strided_slice %shift_left3A_23 {offsets = [0], sizes = [1], strides = [1]} : vector<16xi32> to vector<1xi32>
    %squeeze3A_28 = vector.extract %slice3A_27[0] : i32 from vector<1xi32>
    %multiple_of3A_29 = tpu.assume_multiple %squeeze3A_28, 128 : i32
    %dma_start3A_30 = arith.constant 0 : i32
    %dma_start3A_31 = arith.constant 0 : i32
    %dma_start3A_32 = arith.constant 0 : i32
    %dma_start3A_33 = arith.constant 0 : i32
    %dma_start3A_34 = tpu.memref_slice %arg11[%dma_start3A_30, %dma_start3A_31, %dma_start3A_32, %dma_start3A_33] : memref<2x2x32x128xf32, #tpu.memory_space<vmem>> -> memref<1x1x32x128xf32, #tpu.memory_space<vmem>>
    %dma_start3A_35 = tpu.memref_squeeze %dma_start3A_34 : memref<1x1x32x128xf32, #tpu.memory_space<vmem>> -> memref<32x128xf32, #tpu.memory_space<vmem>>
    %dma_start3A_36 = arith.constant 0 : i32
    %dma_start3A_37 = tpu.memref_slice %arg4[%dma_start3A_36, %multiple_of3A] : memref<32x1000000xf32, #tpu.memory_space<hbm>> -> memref<32x128xf32, #tpu.memory_space<hbm>>
    %dma_start3A_38 = arith.constant 0 : i32
    %dma_start3A_39 = arith.constant 0 : i32
    %dma_start3A_40 = tpu.memref_slice %arg11[%dma_start3A_30, %dma_start3A_31, %dma_start3A_38, %dma_start3A_39] : memref<2x2x32x128xf32, #tpu.memory_space<vmem>> -> memref<1x1x32x128xf32, #tpu.memory_space<vmem>>
    %dma_start3A_41 = tpu.memref_squeeze %dma_start3A_40 : memref<1x1x32x128xf32, #tpu.memory_space<vmem>> -> memref<32x128xf32, #tpu.memory_space<vmem>>
    %dma_start3A_42 = arith.constant 0 : i32
    %dma_start3A_43 = tpu.memref_slice %arg4[%dma_start3A_42, %multiple_of3A] : memref<32x1000000xf32, #tpu.memory_space<hbm>> -> memref<32x128xf32, #tpu.memory_space<hbm>>
    tpu.enqueue_dma source(%dma_start3A_43 : memref<32x128xf32, #tpu.memory_space<hbm>>) target(%dma_start3A_41 : memref<32x128xf32, #tpu.memory_space<vmem>>) target_semaphore(%arg17 : memref<!tpu.dma_semaphore, #tpu.memory_space<semaphore_mem>>)
    %dma_start3A_44 = arith.constant 0 : i32
    %dma_start3A_45 = arith.constant 0 : i32
    %dma_start3A_46 = arith.constant 0 : i32
    %dma_start3A_47 = arith.constant 0 : i32
    %dma_start3A_48 = tpu.memref_slice %arg12[%dma_start3A_44, %dma_start3A_45, %dma_start3A_46, %dma_start3A_47] : memref<2x2x32x128xf32, #tpu.memory_space<vmem>> -> memref<1x1x32x128xf32, #tpu.memory_space<vmem>>
    %dma_start3A_49 = tpu.memref_squeeze %dma_start3A_48 : memref<1x1x32x128xf32, #tpu.memory_space<vmem>> -> memref<32x128xf32, #tpu.memory_space<vmem>>
    %dma_start3A_50 = arith.constant 0 : i32
    %dma_start3A_51 = tpu.memref_slice %arg5[%dma_start3A_50, %multiple_of3A_29] : memref<32x1000000xf32, #tpu.memory_space<hbm>> -> memref<32x128xf32, #tpu.memory_space<hbm>>
    %dma_start3A_52 = arith.constant 0 : i32
    %dma_start3A_53 = arith.constant 0 : i32
    %dma_start3A_54 = tpu.memref_slice %arg12[%dma_start3A_44, %dma_start3A_45, %dma_start3A_52, %dma_start3A_53] : memref<2x2x32x128xf32, #tpu.memory_space<vmem>> -> memref<1x1x32x128xf32, #tpu.memory_space<vmem>>
    %dma_start3A_55 = tpu.memref_squeeze %dma_start3A_54 : memref<1x1x32x128xf32, #tpu.memory_space<vmem>> -> memref<32x128xf32, #tpu.memory_space<vmem>>
    %dma_start3A_56 = arith.constant 0 : i32
    %dma_start3A_57 = tpu.memref_slice %arg5[%dma_start3A_56, %multiple_of3A_29] : memref<32x1000000xf32, #tpu.memory_space<hbm>> -> memref<32x128xf32, #tpu.memory_space<hbm>>
    tpu.enqueue_dma source(%dma_start3A_57 : memref<32x128xf32, #tpu.memory_space<hbm>>) target(%dma_start3A_55 : memref<32x128xf32, #tpu.memory_space<vmem>>) target_semaphore(%arg18 : memref<!tpu.dma_semaphore, #tpu.memory_space<semaphore_mem>>)
    %slice3A_58 = vector.extract_strided_slice %shift_left3A_15 {offsets = [1], sizes = [1], strides = [1]} : vector<16xi32> to vector<1xi32>
    %squeeze3A_59 = vector.extract %slice3A_58[0] : i32 from vector<1xi32>
    %multiple_of3A_60 = tpu.assume_multiple %squeeze3A_59, 128 : i32
    %slice3A_61 = vector.extract_strided_slice %shift_left3A_23 {offsets = [1], sizes = [1], strides = [1]} : vector<16xi32> to vector<1xi32>
    %squeeze3A_62 = vector.extract %slice3A_61[0] : i32 from vector<1xi32>
    %multiple_of3A_63 = tpu.assume_multiple %squeeze3A_62, 128 : i32
    %dma_start3A_64 = arith.constant 0 : i32
    %dma_start3A_65 = arith.constant 1 : i32
    %dma_start3A_66 = arith.constant 0 : i32
    %dma_start3A_67 = arith.constant 0 : i32
    %dma_start3A_68 = tpu.memref_slice %arg11[%dma_start3A_64, %dma_start3A_65, %dma_start3A_66, %dma_start3A_67] : memref<2x2x32x128xf32, #tpu.memory_space<vmem>> -> memref<1x1x32x128xf32, #tpu.memory_space<vmem>>
    %dma_start3A_69 = tpu.memref_squeeze %dma_start3A_68 : memref<1x1x32x128xf32, #tpu.memory_space<vmem>> -> memref<32x128xf32, #tpu.memory_space<vmem>>
    %dma_start3A_70 = arith.constant 0 : i32
    %dma_start3A_71 = tpu.memref_slice %arg4[%dma_start3A_70, %multiple_of3A_60] : memref<32x1000000xf32, #tpu.memory_space<hbm>> -> memref<32x128xf32, #tpu.memory_space<hbm>>
    %dma_start3A_72 = arith.constant 0 : i32
    %dma_start3A_73 = arith.constant 0 : i32
    %dma_start3A_74 = tpu.memref_slice %arg11[%dma_start3A_64, %dma_start3A_65, %dma_start3A_72, %dma_start3A_73] : memref<2x2x32x128xf32, #tpu.memory_space<vmem>> -> memref<1x1x32x128xf32, #tpu.memory_space<vmem>>
    %dma_start3A_75 = tpu.memref_squeeze %dma_start3A_74 : memref<1x1x32x128xf32, #tpu.memory_space<vmem>> -> memref<32x128xf32, #tpu.memory_space<vmem>>
    %dma_start3A_76 = arith.constant 0 : i32
    %dma_start3A_77 = tpu.memref_slice %arg4[%dma_start3A_76, %multiple_of3A_60] : memref<32x1000000xf32, #tpu.memory_space<hbm>> -> memref<32x128xf32, #tpu.memory_space<hbm>>
    tpu.enqueue_dma source(%dma_start3A_77 : memref<32x128xf32, #tpu.memory_space<hbm>>) target(%dma_start3A_75 : memref<32x128xf32, #tpu.memory_space<vmem>>) target_semaphore(%arg17 : memref<!tpu.dma_semaphore, #tpu.memory_space<semaphore_mem>>)
    %dma_start3A_78 = arith.constant 0 : i32
    %dma_start3A_79 = arith.constant 1 : i32
    %dma_start3A_80 = arith.constant 0 : i32
    %dma_start3A_81 = arith.constant 0 : i32
    %dma_start3A_82 = tpu.memref_slice %arg12[%dma_start3A_78, %dma_start3A_79, %dma_start3A_80, %dma_start3A_81] : memref<2x2x32x128xf32, #tpu.memory_space<vmem>> -> memref<1x1x32x128xf32, #tpu.memory_space<vmem>>
    %dma_start3A_83 = tpu.memref_squeeze %dma_start3A_82 : memref<1x1x32x128xf32, #tpu.memory_space<vmem>> -> memref<32x128xf32, #tpu.memory_space<vmem>>
    %dma_start3A_84 = arith.constant 0 : i32
    %dma_start3A_85 = tpu.memref_slice %arg5[%dma_start3A_84, %multiple_of3A_63] : memref<32x1000000xf32, #tpu.memory_space<hbm>> -> memref<32x128xf32, #tpu.memory_space<hbm>>
    %dma_start3A_86 = arith.constant 0 : i32
    %dma_start3A_87 = arith.constant 0 : i32
    %dma_start3A_88 = tpu.memref_slice %arg12[%dma_start3A_78, %dma_start3A_79, %dma_start3A_86, %dma_start3A_87] : memref<2x2x32x128xf32, #tpu.memory_space<vmem>> -> memref<1x1x32x128xf32, #tpu.memory_space<vmem>>
    %dma_start3A_89 = tpu.memref_squeeze %dma_start3A_88 : memref<1x1x32x128xf32, #tpu.memory_space<vmem>> -> memref<32x128xf32, #tpu.memory_space<vmem>>
    %dma_start3A_90 = arith.constant 0 : i32
    %dma_start3A_91 = tpu.memref_slice %arg5[%dma_start3A_90, %multiple_of3A_63] : memref<32x1000000xf32, #tpu.memory_space<hbm>> -> memref<32x128xf32, #tpu.memory_space<hbm>>
    tpu.enqueue_dma source(%dma_start3A_91 : memref<32x128xf32, #tpu.memory_space<hbm>>) target(%dma_start3A_89 : memref<32x128xf32, #tpu.memory_space<vmem>>) target_semaphore(%arg18 : memref<!tpu.dma_semaphore, #tpu.memory_space<semaphore_mem>>)
    %scan3A = arith.constant 0 : i32
    %scan3A_92 = arith.constant 0 : i32
    %scan3A_93 = arith.constant 32 : i32
    %scan3A_94 = arith.addi %scan3A_92, %scan3A_93 : i32
    %scan3A_95 = arith.constant 1 : i32
    scf.for %scan3A_110 = %scan3A_92 to %scan3A_94 step %scan3A_95  : i32 {
      %mul3A_111 = arith.constant 16 : i32
      %mul3A_112 = arith.muli %scan3A_110, %mul3A_111 : i32
      %mul3A_113 = arith.constant 16 : i32
      %mul3A_114 = arith.muli %scan3A_110, %mul3A_113 : i32
      %get3A_115 = arith.index_cast %mul3A_114 : i32 to index
      %get3A_116 = tpu.vector_load %arg9[%get3A_115] {strides = array<i32>} : memref<512xi32, #tpu.memory_space<vmem>>, vector<16xi32>,
      %mul3A_117 = arith.constant 16 : i32
      %mul3A_118 = arith.muli %scan3A_110, %mul3A_117 : i32
      %get3A_119 = arith.index_cast %mul3A_118 : i32 to index
      %get3A_120 = tpu.vector_load %arg10[%get3A_119] {strides = array<i32>} : memref<512xi32, #tpu.memory_space<vmem>>, vector<16xi32>,
      %shift_right_arithmetic3A_121 = arith.constant 7 : i32
      %shift_right_arithmetic3A_122 = vector.broadcast %shift_right_arithmetic3A_121 : i32 to vector<16xi32>
      %shift_right_arithmetic3A_123 = arith.shrsi %get3A_116, %shift_right_arithmetic3A_122 : vector<16xi32>
      %shift_left3A_124 = arith.constant 7 : i32
      %shift_left3A_125 = vector.broadcast %shift_left3A_124 : i32 to vector<16xi32>
      %shift_left3A_126 = arith.shli %shift_right_arithmetic3A_123, %shift_left3A_125 : vector<16xi32>
      %and3A_127 = arith.constant 127 : i32
      %and3A_128 = vector.broadcast %and3A_127 : i32 to vector<16xi32>
      %and3A_129 = arith.andi %get3A_116, %and3A_128 : vector<16xi32>
      %shift_right_arithmetic3A_130 = arith.constant 7 : i32
      %shift_right_arithmetic3A_131 = vector.broadcast %shift_right_arithmetic3A_130 : i32 to vector<16xi32>
      %shift_right_arithmetic3A_132 = arith.shrsi %get3A_120, %shift_right_arithmetic3A_131 : vector<16xi32>
      %shift_left3A_133 = arith.constant 7 : i32
      %shift_left3A_134 = vector.broadcast %shift_left3A_133 : i32 to vector<16xi32>
      %shift_left3A_135 = arith.shli %shift_right_arithmetic3A_132, %shift_left3A_134 : vector<16xi32>
      %and3A_136 = arith.constant 127 : i32
      %and3A_137 = vector.broadcast %and3A_136 : i32 to vector<16xi32>
      %and3A_138 = arith.andi %get3A_120, %and3A_137 : vector<16xi32>
      %slice3A_139 = vector.extract_strided_slice %shift_left3A_126 {offsets = [2], sizes = [1], strides = [1]} : vector<16xi32> to vector<1xi32>
      %squeeze3A_140 = vector.extract %slice3A_139[0] : i32 from vector<1xi32>
      %multiple_of3A_141 = tpu.assume_multiple %squeeze3A_140, 128 : i32
      %slice3A_142 = vector.extract_strided_slice %shift_left3A_135 {offsets = [2], sizes = [1], strides = [1]} : vector<16xi32> to vector<1xi32>
      %squeeze3A_143 = vector.extract %slice3A_142[0] : i32 from vector<1xi32>
      %multiple_of3A_144 = tpu.assume_multiple %squeeze3A_143, 128 : i32
      %dma_start3A_145 = arith.constant 1 : i32
      %dma_start3A_146 = arith.constant 0 : i32
      %dma_start3A_147 = arith.constant 0 : i32
      %dma_start3A_148 = arith.constant 0 : i32
      %dma_start3A_149 = tpu.memref_slice %arg11[%dma_start3A_145, %dma_start3A_146, %dma_start3A_147, %dma_start3A_148] : memref<2x2x32x128xf32, #tpu.memory_space<vmem>> -> memref<1x1x32x128xf32, #tpu.memory_space<vmem>>
      %dma_start3A_150 = tpu.memref_squeeze %dma_start3A_149 : memref<1x1x32x128xf32, #tpu.memory_space<vmem>> -> memref<32x128xf32, #tpu.memory_space<vmem>>
      %dma_start3A_151 = arith.constant 0 : i32
      %dma_start3A_152 = tpu.memref_slice %arg4[%dma_start3A_151, %multiple_of3A_141] : memref<32x1000000xf32, #tpu.memory_space<hbm>> -> memref<32x128xf32, #tpu.memory_space<hbm>>
      %dma_start3A_153 = arith.constant 0 : i32
      %dma_start3A_154 = arith.constant 0 : i32
      %dma_start3A_155 = tpu.memref_slice %arg11[%dma_start3A_145, %dma_start3A_146, %dma_start3A_153, %dma_start3A_154] : memref<2x2x32x128xf32, #tpu.memory_space<vmem>> -> memref<1x1x32x128xf32, #tpu.memory_space<vmem>>
      %dma_start3A_156 = tpu.memref_squeeze %dma_start3A_155 : memref<1x1x32x128xf32, #tpu.memory_space<vmem>> -> memref<32x128xf32, #tpu.memory_space<vmem>>
      %dma_start3A_157 = arith.constant 0 : i32
      %dma_start3A_158 = tpu.memref_slice %arg4[%dma_start3A_157, %multiple_of3A_141] : memref<32x1000000xf32, #tpu.memory_space<hbm>> -> memref<32x128xf32, #tpu.memory_space<hbm>>
      tpu.enqueue_dma source(%dma_start3A_158 : memref<32x128xf32, #tpu.memory_space<hbm>>) target(%dma_start3A_156 : memref<32x128xf32, #tpu.memory_space<vmem>>) target_semaphore(%arg19 : memref<!tpu.dma_semaphore, #tpu.memory_space<semaphore_mem>>)
      %dma_start3A_159 = arith.constant 1 : i32
      %dma_start3A_160 = arith.constant 0 : i32
      %dma_start3A_161 = arith.constant 0 : i32
      %dma_start3A_162 = arith.constant 0 : i32
      %dma_start3A_163 = tpu.memref_slice %arg12[%dma_start3A_159, %dma_start3A_160, %dma_start3A_161, %dma_start3A_162] : memref<2x2x32x128xf32, #tpu.memory_space<vmem>> -> memref<1x1x32x128xf32, #tpu.memory_space<vmem>>
      %dma_start3A_164 = tpu.memref_squeeze %dma_start3A_163 : memref<1x1x32x128xf32, #tpu.memory_space<vmem>> -> memref<32x128xf32, #tpu.memory_space<vmem>>
      %dma_start3A_165 = arith.constant 0 : i32
      %dma_start3A_166 = tpu.memref_slice %arg5[%dma_start3A_165, %multiple_of3A_144] : memref<32x1000000xf32, #tpu.memory_space<hbm>> -> memref<32x128xf32, #tpu.memory_space<hbm>>
      %dma_start3A_167 = arith.constant 0 : i32
      %dma_start3A_168 = arith.constant 0 : i32
      %dma_start3A_169 = tpu.memref_slice %arg12[%dma_start3A_159, %dma_start3A_160, %dma_start3A_167, %dma_start3A_168] : memref<2x2x32x128xf32, #tpu.memory_space<vmem>> -> memref<1x1x32x128xf32, #tpu.memory_space<vmem>>
      %dma_start3A_170 = tpu.memref_squeeze %dma_start3A_169 : memref<1x1x32x128xf32, #tpu.memory_space<vmem>> -> memref<32x128xf32, #tpu.memory_space<vmem>>
      %dma_start3A_171 = arith.constant 0 : i32
      %dma_start3A_172 = tpu.memref_slice %arg5[%dma_start3A_171, %multiple_of3A_144] : memref<32x1000000xf32, #tpu.memory_space<hbm>> -> memref<32x128xf32, #tpu.memory_space<hbm>>
      tpu.enqueue_dma source(%dma_start3A_172 : memref<32x128xf32, #tpu.memory_space<hbm>>) target(%dma_start3A_170 : memref<32x128xf32, #tpu.memory_space<vmem>>) target_semaphore(%arg20 : memref<!tpu.dma_semaphore, #tpu.memory_space<semaphore_mem>>)
      %slice3A_173 = vector.extract_strided_slice %shift_left3A_126 {offsets = [3], sizes = [1], strides = [1]} : vector<16xi32> to vector<1xi32>
      %squeeze3A_174 = vector.extract %slice3A_173[0] : i32 from vector<1xi32>
      %multiple_of3A_175 = tpu.assume_multiple %squeeze3A_174, 128 : i32
      %slice3A_176 = vector.extract_strided_slice %shift_left3A_135 {offsets = [3], sizes = [1], strides = [1]} : vector<16xi32> to vector<1xi32>
      %squeeze3A_177 = vector.extract %slice3A_176[0] : i32 from vector<1xi32>
      %multiple_of3A_178 = tpu.assume_multiple %squeeze3A_177, 128 : i32
      %dma_start3A_179 = arith.constant 1 : i32
      %dma_start3A_180 = arith.constant 1 : i32
      %dma_start3A_181 = arith.constant 0 : i32
      %dma_start3A_182 = arith.constant 0 : i32
      %dma_start3A_183 = tpu.memref_slice %arg11[%dma_start3A_179, %dma_start3A_180, %dma_start3A_181, %dma_start3A_182] : memref<2x2x32x128xf32, #tpu.memory_space<vmem>> -> memref<1x1x32x128xf32, #tpu.memory_space<vmem>>
      %dma_start3A_184 = tpu.memref_squeeze %dma_start3A_183 : memref<1x1x32x128xf32, #tpu.memory_space<vmem>> -> memref<32x128xf32, #tpu.memory_space<vmem>>
      %dma_start3A_185 = arith.constant 0 : i32
      %dma_start3A_186 = tpu.memref_slice %arg4[%dma_start3A_185, %multiple_of3A_175] : memref<32x1000000xf32, #tpu.memory_space<hbm>> -> memref<32x128xf32, #tpu.memory_space<hbm>>
      %dma_start3A_187 = arith.constant 0 : i32
      %dma_start3A_188 = arith.constant 0 : i32
      %dma_start3A_189 = tpu.memref_slice %arg11[%dma_start3A_179, %dma_start3A_180, %dma_start3A_187, %dma_start3A_188] : memref<2x2x32x128xf32, #tpu.memory_space<vmem>> -> memref<1x1x32x128xf32, #tpu.memory_space<vmem>>
      %dma_start3A_190 = tpu.memref_squeeze %dma_start3A_189 : memref<1x1x32x128xf32, #tpu.memory_space<vmem>> -> memref<32x128xf32, #tpu.memory_space<vmem>>
      %dma_start3A_191 = arith.constant 0 : i32
      %dma_start3A_192 = tpu.memref_slice %arg4[%dma_start3A_191, %multiple_of3A_175] : memref<32x1000000xf32, #tpu.memory_space<hbm>> -> memref<32x128xf32, #tpu.memory_space<hbm>>
      tpu.enqueue_dma source(%dma_start3A_192 : memref<32x128xf32, #tpu.memory_space<hbm>>) target(%dma_start3A_190 : memref<32x128xf32, #tpu.memory_space<vmem>>) target_semaphore(%arg19 : memref<!tpu.dma_semaphore, #tpu.memory_space<semaphore_mem>>)
      %dma_start3A_193 = arith.constant 1 : i32
      %dma_start3A_194 = arith.constant 1 : i32
      %dma_start3A_195 = arith.constant 0 : i32
      %dma_start3A_196 = arith.constant 0 : i32
      %dma_start3A_197 = tpu.memref_slice %arg12[%dma_start3A_193, %dma_start3A_194, %dma_start3A_195, %dma_start3A_196] : memref<2x2x32x128xf32, #tpu.memory_space<vmem>> -> memref<1x1x32x128xf32, #tpu.memory_space<vmem>>
      %dma_start3A_198 = tpu.memref_squeeze %dma_start3A_197 : memref<1x1x32x128xf32, #tpu.memory_space<vmem>> -> memref<32x128xf32, #tpu.memory_space<vmem>>
      %dma_start3A_199 = arith.constant 0 : i32
      %dma_start3A_200 = tpu.memref_slice %arg5[%dma_start3A_199, %multiple_of3A_178] : memref<32x1000000xf32, #tpu.memory_space<hbm>> -> memref<32x128xf32, #tpu.memory_space<hbm>>
      %dma_start3A_201 = arith.constant 0 : i32
      %dma_start3A_202 = arith.constant 0 : i32
      %dma_start3A_203 = tpu.memref_slice %arg12[%dma_start3A_193, %dma_start3A_194, %dma_start3A_201, %dma_start3A_202] : memref<2x2x32x128xf32, #tpu.memory_space<vmem>> -> memref<1x1x32x128xf32, #tpu.memory_space<vmem>>
      %dma_start3A_204 = tpu.memref_squeeze %dma_start3A_203 : memref<1x1x32x128xf32, #tpu.memory_space<vmem>> -> memref<32x128xf32, #tpu.memory_space<vmem>>
      %dma_start3A_205 = arith.constant 0 : i32
      %dma_start3A_206 = tpu.memref_slice %arg5[%dma_start3A_205, %multiple_of3A_178] : memref<32x1000000xf32, #tpu.memory_space<hbm>> -> memref<32x128xf32, #tpu.memory_space<hbm>>
      tpu.enqueue_dma source(%dma_start3A_206 : memref<32x128xf32, #tpu.memory_space<hbm>>) target(%dma_start3A_204 : memref<32x128xf32, #tpu.memory_space<vmem>>) target_semaphore(%arg20 : memref<!tpu.dma_semaphore, #tpu.memory_space<semaphore_mem>>)
      %dma_wait3A_207 = arith.constant 0 : i32
      %dma_wait3A_208 = arith.constant 0 : i32
      %dma_wait3A_209 = arith.constant 0 : i32
      %dma_wait3A_210 = arith.constant 0 : i32
      %dma_wait3A_211 = tpu.memref_slice %arg11[%dma_wait3A_207, %dma_wait3A_208, %dma_wait3A_209, %dma_wait3A_210] : memref<2x2x32x128xf32, #tpu.memory_space<vmem>> -> memref<1x1x32x128xf32, #tpu.memory_space<vmem>>
      %dma_wait3A_212 = tpu.memref_squeeze %dma_wait3A_211 : memref<1x1x32x128xf32, #tpu.memory_space<vmem>> -> memref<32x128xf32, #tpu.memory_space<vmem>>
      %dma_wait3A_213 = arith.constant 0 : i32
      %dma_wait3A_214 = arith.constant 0 : i32
      %dma_wait3A_215 = tpu.memref_slice %arg4[%dma_wait3A_213, %dma_wait3A_214] : memref<32x1000000xf32, #tpu.memory_space<hbm>> -> memref<32x128xf32, #tpu.memory_space<hbm>>
      %dma_wait3A_216 = arith.constant 0 : i32
      %dma_wait3A_217 = arith.constant 0 : i32
      %dma_wait3A_218 = tpu.memref_slice %arg11[%dma_wait3A_207, %dma_wait3A_208, %dma_wait3A_216, %dma_wait3A_217] : memref<2x2x32x128xf32, #tpu.memory_space<vmem>> -> memref<1x1x32x128xf32, #tpu.memory_space<vmem>>
      %dma_wait3A_219 = tpu.memref_squeeze %dma_wait3A_218 : memref<1x1x32x128xf32, #tpu.memory_space<vmem>> -> memref<32x128xf32, #tpu.memory_space<vmem>>
      %dma_wait3A_220 = arith.constant 0 : i32
      %dma_wait3A_221 = arith.constant 0 : i32
      %dma_wait3A_222 = tpu.memref_slice %arg4[%dma_wait3A_220, %dma_wait3A_221] : memref<32x1000000xf32, #tpu.memory_space<hbm>> -> memref<32x128xf32, #tpu.memory_space<hbm>>
      tpu.wait_dma2 semaphore(%arg17 : memref<!tpu.dma_semaphore, #tpu.memory_space<semaphore_mem>>) src(%dma_wait3A_222 : memref<32x128xf32, #tpu.memory_space<hbm>>) dst(%dma_wait3A_219 : memref<32x128xf32, #tpu.memory_space<vmem>>)
      %dma_wait3A_223 = arith.constant 0 : i32
      %dma_wait3A_224 = arith.constant 0 : i32
      %dma_wait3A_225 = arith.constant 0 : i32
      %dma_wait3A_226 = arith.constant 0 : i32
      %dma_wait3A_227 = tpu.memref_slice %arg12[%dma_wait3A_223, %dma_wait3A_224, %dma_wait3A_225, %dma_wait3A_226] : memref<2x2x32x128xf32, #tpu.memory_space<vmem>> -> memref<1x1x32x128xf32, #tpu.memory_space<vmem>>
      %dma_wait3A_228 = tpu.memref_squeeze %dma_wait3A_227 : memref<1x1x32x128xf32, #tpu.memory_space<vmem>> -> memref<32x128xf32, #tpu.memory_space<vmem>>
      %dma_wait3A_229 = arith.constant 0 : i32
      %dma_wait3A_230 = arith.constant 0 : i32
      %dma_wait3A_231 = tpu.memref_slice %arg5[%dma_wait3A_229, %dma_wait3A_230] : memref<32x1000000xf32, #tpu.memory_space<hbm>> -> memref<32x128xf32, #tpu.memory_space<hbm>>
      %dma_wait3A_232 = arith.constant 0 : i32
      %dma_wait3A_233 = arith.constant 0 : i32
      %dma_wait3A_234 = tpu.memref_slice %arg12[%dma_wait3A_223, %dma_wait3A_224, %dma_wait3A_232, %dma_wait3A_233] : memref<2x2x32x128xf32, #tpu.memory_space<vmem>> -> memref<1x1x32x128xf32, #tpu.memory_space<vmem>>
      %dma_wait3A_235 = tpu.memref_squeeze %dma_wait3A_234 : memref<1x1x32x128xf32, #tpu.memory_space<vmem>> -> memref<32x128xf32, #tpu.memory_space<vmem>>
      %dma_wait3A_236 = arith.constant 0 : i32
      %dma_wait3A_237 = arith.constant 0 : i32
      %dma_wait3A_238 = tpu.memref_slice %arg5[%dma_wait3A_236, %dma_wait3A_237] : memref<32x1000000xf32, #tpu.memory_space<hbm>> -> memref<32x128xf32, #tpu.memory_space<hbm>>
      tpu.wait_dma2 semaphore(%arg18 : memref<!tpu.dma_semaphore, #tpu.memory_space<semaphore_mem>>) src(%dma_wait3A_238 : memref<32x128xf32, #tpu.memory_space<hbm>>) dst(%dma_wait3A_235 : memref<32x128xf32, #tpu.memory_space<vmem>>)
      %dma_wait3A_239 = arith.constant 0 : i32
      %dma_wait3A_240 = arith.constant 1 : i32
      %dma_wait3A_241 = arith.constant 0 : i32
      %dma_wait3A_242 = arith.constant 0 : i32
      %dma_wait3A_243 = tpu.memref_slice %arg11[%dma_wait3A_239, %dma_wait3A_240, %dma_wait3A_241, %dma_wait3A_242] : memref<2x2x32x128xf32, #tpu.memory_space<vmem>> -> memref<1x1x32x128xf32, #tpu.memory_space<vmem>>
      %dma_wait3A_244 = tpu.memref_squeeze %dma_wait3A_243 : memref<1x1x32x128xf32, #tpu.memory_space<vmem>> -> memref<32x128xf32, #tpu.memory_space<vmem>>
      %dma_wait3A_245 = arith.constant 0 : i32
      %dma_wait3A_246 = arith.constant 0 : i32
      %dma_wait3A_247 = tpu.memref_slice %arg4[%dma_wait3A_245, %dma_wait3A_246] : memref<32x1000000xf32, #tpu.memory_space<hbm>> -> memref<32x128xf32, #tpu.memory_space<hbm>>
      %dma_wait3A_248 = arith.constant 0 : i32
      %dma_wait3A_249 = arith.constant 0 : i32
      %dma_wait3A_250 = tpu.memref_slice %arg11[%dma_wait3A_239, %dma_wait3A_240, %dma_wait3A_248, %dma_wait3A_249] : memref<2x2x32x128xf32, #tpu.memory_space<vmem>> -> memref<1x1x32x128xf32, #tpu.memory_space<vmem>>
      %dma_wait3A_251 = tpu.memref_squeeze %dma_wait3A_250 : memref<1x1x32x128xf32, #tpu.memory_space<vmem>> -> memref<32x128xf32, #tpu.memory_space<vmem>>
      %dma_wait3A_252 = arith.constant 0 : i32
      %dma_wait3A_253 = arith.constant 0 : i32
      %dma_wait3A_254 = tpu.memref_slice %arg4[%dma_wait3A_252, %dma_wait3A_253] : memref<32x1000000xf32, #tpu.memory_space<hbm>> -> memref<32x128xf32, #tpu.memory_space<hbm>>
      tpu.wait_dma2 semaphore(%arg17 : memref<!tpu.dma_semaphore, #tpu.memory_space<semaphore_mem>>) src(%dma_wait3A_254 : memref<32x128xf32, #tpu.memory_space<hbm>>) dst(%dma_wait3A_251 : memref<32x128xf32, #tpu.memory_space<vmem>>)
      %dma_wait3A_255 = arith.constant 0 : i32
      %dma_wait3A_256 = arith.constant 1 : i32
      %dma_wait3A_257 = arith.constant 0 : i32
      %dma_wait3A_258 = arith.constant 0 : i32
      %dma_wait3A_259 = tpu.memref_slice %arg12[%dma_wait3A_255, %dma_wait3A_256, %dma_wait3A_257, %dma_wait3A_258] : memref<2x2x32x128xf32, #tpu.memory_space<vmem>> -> memref<1x1x32x128xf32, #tpu.memory_space<vmem>>
      %dma_wait3A_260 = tpu.memref_squeeze %dma_wait3A_259 : memref<1x1x32x128xf32, #tpu.memory_space<vmem>> -> memref<32x128xf32, #tpu.memory_space<vmem>>
      %dma_wait3A_261 = arith.constant 0 : i32
      %dma_wait3A_262 = arith.constant 0 : i32
      %dma_wait3A_263 = tpu.memref_slice %arg5[%dma_wait3A_261, %dma_wait3A_262] : memref<32x1000000xf32, #tpu.memory_space<hbm>> -> memref<32x128xf32, #tpu.memory_space<hbm>>
      %dma_wait3A_264 = arith.constant 0 : i32
      %dma_wait3A_265 = arith.constant 0 : i32
      %dma_wait3A_266 = tpu.memref_slice %arg12[%dma_wait3A_255, %dma_wait3A_256, %dma_wait3A_264, %dma_wait3A_265] : memref<2x2x32x128xf32, #tpu.memory_space<vmem>> -> memref<1x1x32x128xf32, #tpu.memory_space<vmem>>
      %dma_wait3A_267 = tpu.memref_squeeze %dma_wait3A_266 : memref<1x1x32x128xf32, #tpu.memory_space<vmem>> -> memref<32x128xf32, #tpu.memory_space<vmem>>
      %dma_wait3A_268 = arith.constant 0 : i32
      %dma_wait3A_269 = arith.constant 0 : i32
      %dma_wait3A_270 = tpu.memref_slice %arg5[%dma_wait3A_268, %dma_wait3A_269] : memref<32x1000000xf32, #tpu.memory_space<hbm>> -> memref<32x128xf32, #tpu.memory_space<hbm>>
      tpu.wait_dma2 semaphore(%arg18 : memref<!tpu.dma_semaphore, #tpu.memory_space<semaphore_mem>>) src(%dma_wait3A_270 : memref<32x128xf32, #tpu.memory_space<hbm>>) dst(%dma_wait3A_267 : memref<32x128xf32, #tpu.memory_space<vmem>>)
      %broadcast_in_dim3A = arith.constant 0 : i32
      %broadcast_in_dim3A_271 = vector.broadcast %broadcast_in_dim3A : i32 to vector<16xi32>
      %slice3A_272 = vector.extract_strided_slice %and3A_129 {offsets = [0], sizes = [1], strides = [1]} : vector<16xi32> to vector<1xi32>
      %squeeze3A_273 = vector.extract %slice3A_272[0] : i32 from vector<1xi32>
      %broadcast_in_dim3A_274 = vector.broadcast %squeeze3A_273 : i32 to vector<16xi32>
      %slice3A_275 = vector.extract_strided_slice %and3A_138 {offsets = [0], sizes = [1], strides = [1]} : vector<16xi32> to vector<1xi32>
      %squeeze3A_276 = vector.extract %slice3A_275[0] : i32 from vector<1xi32>
      %broadcast_in_dim3A_277 = vector.broadcast %squeeze3A_276 : i32 to vector<16xi32>
      %broadcast_in_dim3A_278 = arith.constant 0 : i32
      %broadcast_in_dim3A_279 = vector.broadcast %broadcast_in_dim3A_278 : i32 to vector<16xi32>
      %gather3A = tpu.vector_load_idx %arg11[%broadcast_in_dim3A_271, %broadcast_in_dim3A_279, %iota3A, %broadcast_in_dim3A_274] : memref<2x2x32x128xf32, #tpu.memory_space<vmem>>[vector<16xi32>, vector<16xi32>, vector<16xi32>, vector<16xi32>], vector<16xf32>,
      %gather3A_280 = tpu.vector_load_idx %arg11[%broadcast_in_dim3A_271, %broadcast_in_dim3A_279, %add3A_8, %broadcast_in_dim3A_274] : memref<2x2x32x128xf32, #tpu.memory_space<vmem>>[vector<16xi32>, vector<16xi32>, vector<16xi32>, vector<16xi32>], vector<16xf32>,
      %gather3A_281 = tpu.vector_load_idx %arg12[%broadcast_in_dim3A_271, %broadcast_in_dim3A_279, %iota3A, %broadcast_in_dim3A_277] : memref<2x2x32x128xf32, #tpu.memory_space<vmem>>[vector<16xi32>, vector<16xi32>, vector<16xi32>, vector<16xi32>], vector<16xf32>,
      %gather3A_282 = tpu.vector_load_idx %arg12[%broadcast_in_dim3A_271, %broadcast_in_dim3A_279, %add3A_8, %broadcast_in_dim3A_277] : memref<2x2x32x128xf32, #tpu.memory_space<vmem>>[vector<16xi32>, vector<16xi32>, vector<16xi32>, vector<16xi32>], vector<16xf32>,
      %mul3A_283 = arith.mulf %gather3A, %gather3A_281 : vector<16xf32>
      %mul3A_284 = arith.mulf %gather3A_280, %gather3A_282 : vector<16xf32>
      %add3A_285 = arith.addf %mul3A_283, %mul3A_284 : vector<16xf32>
      %add3A_286 = arith.constant 0 : i32
      %add3A_287 = arith.addi %mul3A_112, %add3A_286 : i32
      %swap3A = arith.index_cast %add3A_287 : i32 to index
      %swap3A_288 = arith.constant 0 : index
      %swap3A_289 = tpu.vector_load %arg13[%swap3A, %swap3A_288] {strides = array<i32>} : memref<512x16xf32, #tpu.memory_space<vmem>>, vector<16xf32>,
      tpu.vector_store %arg13[%swap3A, %swap3A_288], %add3A_285 {strides = array<i32>} : memref<512x16xf32, #tpu.memory_space<vmem>>, vector<16xf32>,
      %slice3A_290 = vector.extract_strided_slice %and3A_129 {offsets = [1], sizes = [1], strides = [1]} : vector<16xi32> to vector<1xi32>
      %squeeze3A_291 = vector.extract %slice3A_290[0] : i32 from vector<1xi32>
      %broadcast_in_dim3A_292 = vector.broadcast %squeeze3A_291 : i32 to vector<16xi32>
      %slice3A_293 = vector.extract_strided_slice %and3A_138 {offsets = [1], sizes = [1], strides = [1]} : vector<16xi32> to vector<1xi32>
      %squeeze3A_294 = vector.extract %slice3A_293[0] : i32 from vector<1xi32>
      %broadcast_in_dim3A_295 = vector.broadcast %squeeze3A_294 : i32 to vector<16xi32>
      %broadcast_in_dim3A_296 = arith.constant 1 : i32
      %broadcast_in_dim3A_297 = vector.broadcast %broadcast_in_dim3A_296 : i32 to vector<16xi32>
      %gather3A_298 = tpu.vector_load_idx %arg11[%broadcast_in_dim3A_271, %broadcast_in_dim3A_297, %iota3A, %broadcast_in_dim3A_292] : memref<2x2x32x128xf32, #tpu.memory_space<vmem>>[vector<16xi32>, vector<16xi32>, vector<16xi32>, vector<16xi32>], vector<16xf32>,
      %gather3A_299 = tpu.vector_load_idx %arg11[%broadcast_in_dim3A_271, %broadcast_in_dim3A_297, %add3A_8, %broadcast_in_dim3A_292] : memref<2x2x32x128xf32, #tpu.memory_space<vmem>>[vector<16xi32>, vector<16xi32>, vector<16xi32>, vector<16xi32>], vector<16xf32>,
      %gather3A_300 = tpu.vector_load_idx %arg12[%broadcast_in_dim3A_271, %broadcast_in_dim3A_297, %iota3A, %broadcast_in_dim3A_295] : memref<2x2x32x128xf32, #tpu.memory_space<vmem>>[vector<16xi32>, vector<16xi32>, vector<16xi32>, vector<16xi32>], vector<16xf32>,
      %gather3A_301 = tpu.vector_load_idx %arg12[%broadcast_in_dim3A_271, %broadcast_in_dim3A_297, %add3A_8, %broadcast_in_dim3A_295] : memref<2x2x32x128xf32, #tpu.memory_space<vmem>>[vector<16xi32>, vector<16xi32>, vector<16xi32>, vector<16xi32>], vector<16xf32>,
      %mul3A_302 = arith.mulf %gather3A_298, %gather3A_300 : vector<16xf32>
      %mul3A_303 = arith.mulf %gather3A_299, %gather3A_301 : vector<16xf32>
      %add3A_304 = arith.addf %mul3A_302, %mul3A_303 : vector<16xf32>
      %add3A_305 = arith.constant 1 : i32
      %add3A_306 = arith.addi %mul3A_112, %add3A_305 : i32
      %swap3A_307 = arith.index_cast %add3A_306 : i32 to index
      %swap3A_308 = arith.constant 0 : index
      %swap3A_309 = tpu.vector_load %arg13[%swap3A_307, %swap3A_308] {strides = array<i32>} : memref<512x16xf32, #tpu.memory_space<vmem>>, vector<16xf32>,
      tpu.vector_store %arg13[%swap3A_307, %swap3A_308], %add3A_304 {strides = array<i32>} : memref<512x16xf32, #tpu.memory_space<vmem>>, vector<16xf32>,
      %slice3A_310 = vector.extract_strided_slice %shift_left3A_126 {offsets = [4], sizes = [1], strides = [1]} : vector<16xi32> to vector<1xi32>
      %squeeze3A_311 = vector.extract %slice3A_310[0] : i32 from vector<1xi32>
      %multiple_of3A_312 = tpu.assume_multiple %squeeze3A_311, 128 : i32
      %slice3A_313 = vector.extract_strided_slice %shift_left3A_135 {offsets = [4], sizes = [1], strides = [1]} : vector<16xi32> to vector<1xi32>
      %squeeze3A_314 = vector.extract %slice3A_313[0] : i32 from vector<1xi32>
      %multiple_of3A_315 = tpu.assume_multiple %squeeze3A_314, 128 : i32
      %dma_start3A_316 = arith.constant 0 : i32
      %dma_start3A_317 = arith.constant 0 : i32
      %dma_start3A_318 = arith.constant 0 : i32
      %dma_start3A_319 = arith.constant 0 : i32
      %dma_start3A_320 = tpu.memref_slice %arg11[%dma_start3A_316, %dma_start3A_317, %dma_start3A_318, %dma_start3A_319] : memref<2x2x32x128xf32, #tpu.memory_space<vmem>> -> memref<1x1x32x128xf32, #tpu.memory_space<vmem>>
      %dma_start3A_321 = tpu.memref_squeeze %dma_start3A_320 : memref<1x1x32x128xf32, #tpu.memory_space<vmem>> -> memref<32x128xf32, #tpu.memory_space<vmem>>
      %dma_start3A_322 = arith.constant 0 : i32
      %dma_start3A_323 = tpu.memref_slice %arg4[%dma_start3A_322, %multiple_of3A_312] : memref<32x1000000xf32, #tpu.memory_space<hbm>> -> memref<32x128xf32, #tpu.memory_space<hbm>>
      %dma_start3A_324 = arith.constant 0 : i32
      %dma_start3A_325 = arith.constant 0 : i32
      %dma_start3A_326 = tpu.memref_slice %arg11[%dma_start3A_316, %dma_start3A_317, %dma_start3A_324, %dma_start3A_325] : memref<2x2x32x128xf32, #tpu.memory_space<vmem>> -> memref<1x1x32x128xf32, #tpu.memory_space<vmem>>
      %dma_start3A_327 = tpu.memref_squeeze %dma_start3A_326 : memref<1x1x32x128xf32, #tpu.memory_space<vmem>> -> memref<32x128xf32, #tpu.memory_space<vmem>>
      %dma_start3A_328 = arith.constant 0 : i32
      %dma_start3A_329 = tpu.memref_slice %arg4[%dma_start3A_328, %multiple_of3A_312] : memref<32x1000000xf32, #tpu.memory_space<hbm>> -> memref<32x128xf32, #tpu.memory_space<hbm>>
      tpu.enqueue_dma source(%dma_start3A_329 : memref<32x128xf32, #tpu.memory_space<hbm>>) target(%dma_start3A_327 : memref<32x128xf32, #tpu.memory_space<vmem>>) target_semaphore(%arg17 : memref<!tpu.dma_semaphore, #tpu.memory_space<semaphore_mem>>)
      %dma_start3A_330 = arith.constant 0 : i32
      %dma_start3A_331 = arith.constant 0 : i32
      %dma_start3A_332 = arith.constant 0 : i32
      %dma_start3A_333 = arith.constant 0 : i32
      %dma_start3A_334 = tpu.memref_slice %arg12[%dma_start3A_330, %dma_start3A_331, %dma_start3A_332, %dma_start3A_333] : memref<2x2x32x128xf32, #tpu.memory_space<vmem>> -> memref<1x1x32x128xf32, #tpu.memory_space<vmem>>
      %dma_start3A_335 = tpu.memref_squeeze %dma_start3A_334 : memref<1x1x32x128xf32, #tpu.memory_space<vmem>> -> memref<32x128xf32, #tpu.memory_space<vmem>>
      %dma_start3A_336 = arith.constant 0 : i32
      %dma_start3A_337 = tpu.memref_slice %arg5[%dma_start3A_336, %multiple_of3A_315] : memref<32x1000000xf32, #tpu.memory_space<hbm>> -> memref<32x128xf32, #tpu.memory_space<hbm>>
      %dma_start3A_338 = arith.constant 0 : i32
      %dma_start3A_339 = arith.constant 0 : i32
      %dma_start3A_340 = tpu.memref_slice %arg12[%dma_start3A_330, %dma_start3A_331, %dma_start3A_338, %dma_start3A_339] : memref<2x2x32x128xf32, #tpu.memory_space<vmem>> -> memref<1x1x32x128xf32, #tpu.memory_space<vmem>>
      %dma_start3A_341 = tpu.memref_squeeze %dma_start3A_340 : memref<1x1x32x128xf32, #tpu.memory_space<vmem>> -> memref<32x128xf32, #tpu.memory_space<vmem>>
      %dma_start3A_342 = arith.constant 0 : i32
      %dma_start3A_343 = tpu.memref_slice %arg5[%dma_start3A_342, %multiple_of3A_315] : memref<32x1000000xf32, #tpu.memory_space<hbm>> -> memref<32x128xf32, #tpu.memory_space<hbm>>
      tpu.enqueue_dma source(%dma_start3A_343 : memref<32x128xf32, #tpu.memory_space<hbm>>) target(%dma_start3A_341 : memref<32x128xf32, #tpu.memory_space<vmem>>) target_semaphore(%arg18 : memref<!tpu.dma_semaphore, #tpu.memory_space<semaphore_mem>>)
      %slice3A_344 = vector.extract_strided_slice %shift_left3A_126 {offsets = [5], sizes = [1], strides = [1]} : vector<16xi32> to vector<1xi32>
      %squeeze3A_345 = vector.extract %slice3A_344[0] : i32 from vector<1xi32>
      %multiple_of3A_346 = tpu.assume_multiple %squeeze3A_345, 128 : i32
      %slice3A_347 = vector.extract_strided_slice %shift_left3A_135 {offsets = [5], sizes = [1], strides = [1]} : vector<16xi32> to vector<1xi32>
      %squeeze3A_348 = vector.extract %slice3A_347[0] : i32 from vector<1xi32>
      %multiple_of3A_349 = tpu.assume_multiple %squeeze3A_348, 128 : i32
      %dma_start3A_350 = arith.constant 0 : i32
      %dma_start3A_351 = arith.constant 1 : i32
      %dma_start3A_352 = arith.constant 0 : i32
      %dma_start3A_353 = arith.constant 0 : i32
      %dma_start3A_354 = tpu.memref_slice %arg11[%dma_start3A_350, %dma_start3A_351, %dma_start3A_352, %dma_start3A_353] : memref<2x2x32x128xf32, #tpu.memory_space<vmem>> -> memref<1x1x32x128xf32, #tpu.memory_space<vmem>>
      %dma_start3A_355 = tpu.memref_squeeze %dma_start3A_354 : memref<1x1x32x128xf32, #tpu.memory_space<vmem>> -> memref<32x128xf32, #tpu.memory_space<vmem>>
      %dma_start3A_356 = arith.constant 0 : i32
      %dma_start3A_357 = tpu.memref_slice %arg4[%dma_start3A_356, %multiple_of3A_346] : memref<32x1000000xf32, #tpu.memory_space<hbm>> -> memref<32x128xf32, #tpu.memory_space<hbm>>
      %dma_start3A_358 = arith.constant 0 : i32
      %dma_start3A_359 = arith.constant 0 : i32
      %dma_start3A_360 = tpu.memref_slice %arg11[%dma_start3A_350, %dma_start3A_351, %dma_start3A_358, %dma_start3A_359] : memref<2x2x32x128xf32, #tpu.memory_space<vmem>> -> memref<1x1x32x128xf32, #tpu.memory_space<vmem>>
      %dma_start3A_361 = tpu.memref_squeeze %dma_start3A_360 : memref<1x1x32x128xf32, #tpu.memory_space<vmem>> -> memref<32x128xf32, #tpu.memory_space<vmem>>
      %dma_start3A_362 = arith.constant 0 : i32
      %dma_start3A_363 = tpu.memref_slice %arg4[%dma_start3A_362, %multiple_of3A_346] : memref<32x1000000xf32, #tpu.memory_space<hbm>> -> memref<32x128xf32, #tpu.memory_space<hbm>>
      tpu.enqueue_dma source(%dma_start3A_363 : memref<32x128xf32, #tpu.memory_space<hbm>>) target(%dma_start3A_361 : memref<32x128xf32, #tpu.memory_space<vmem>>) target_semaphore(%arg17 : memref<!tpu.dma_semaphore, #tpu.memory_space<semaphore_mem>>)
      %dma_start3A_364 = arith.constant 0 : i32
      %dma_start3A_365 = arith.constant 1 : i32
      %dma_start3A_366 = arith.constant 0 : i32
      %dma_start3A_367 = arith.constant 0 : i32
      %dma_start3A_368 = tpu.memref_slice %arg12[%dma_start3A_364, %dma_start3A_365, %dma_start3A_366, %dma_start3A_367] : memref<2x2x32x128xf32, #tpu.memory_space<vmem>> -> memref<1x1x32x128xf32, #tpu.memory_space<vmem>>
      %dma_start3A_369 = tpu.memref_squeeze %dma_start3A_368 : memref<1x1x32x128xf32, #tpu.memory_space<vmem>> -> memref<32x128xf32, #tpu.memory_space<vmem>>
      %dma_start3A_370 = arith.constant 0 : i32
      %dma_start3A_371 = tpu.memref_slice %arg5[%dma_start3A_370, %multiple_of3A_349] : memref<32x1000000xf32, #tpu.memory_space<hbm>> -> memref<32x128xf32, #tpu.memory_space<hbm>>
      %dma_start3A_372 = arith.constant 0 : i32
      %dma_start3A_373 = arith.constant 0 : i32
      %dma_start3A_374 = tpu.memref_slice %arg12[%dma_start3A_364, %dma_start3A_365, %dma_start3A_372, %dma_start3A_373] : memref<2x2x32x128xf32, #tpu.memory_space<vmem>> -> memref<1x1x32x128xf32, #tpu.memory_space<vmem>>
      %dma_start3A_375 = tpu.memref_squeeze %dma_start3A_374 : memref<1x1x32x128xf32, #tpu.memory_space<vmem>> -> memref<32x128xf32, #tpu.memory_space<vmem>>
      %dma_start3A_376 = arith.constant 0 : i32
      %dma_start3A_377 = tpu.memref_slice %arg5[%dma_start3A_376, %multiple_of3A_349] : memref<32x1000000xf32, #tpu.memory_space<hbm>> -> memref<32x128xf32, #tpu.memory_space<hbm>>
      tpu.enqueue_dma source(%dma_start3A_377 : memref<32x128xf32, #tpu.memory_space<hbm>>) target(%dma_start3A_375 : memref<32x128xf32, #tpu.memory_space<vmem>>) target_semaphore(%arg18 : memref<!tpu.dma_semaphore, #tpu.memory_space<semaphore_mem>>)
      %dma_wait3A_378 = arith.constant 1 : i32
      %dma_wait3A_379 = arith.constant 0 : i32
      %dma_wait3A_380 = arith.constant 0 : i32
      %dma_wait3A_381 = arith.constant 0 : i32
      %dma_wait3A_382 = tpu.memref_slice %arg11[%dma_wait3A_378, %dma_wait3A_379, %dma_wait3A_380, %dma_wait3A_381] : memref<2x2x32x128xf32, #tpu.memory_space<vmem>> -> memref<1x1x32x128xf32, #tpu.memory_space<vmem>>
      %dma_wait3A_383 = tpu.memref_squeeze %dma_wait3A_382 : memref<1x1x32x128xf32, #tpu.memory_space<vmem>> -> memref<32x128xf32, #tpu.memory_space<vmem>>
      %dma_wait3A_384 = arith.constant 0 : i32
      %dma_wait3A_385 = arith.constant 0 : i32
      %dma_wait3A_386 = tpu.memref_slice %arg4[%dma_wait3A_384, %dma_wait3A_385] : memref<32x1000000xf32, #tpu.memory_space<hbm>> -> memref<32x128xf32, #tpu.memory_space<hbm>>
      %dma_wait3A_387 = arith.constant 0 : i32
      %dma_wait3A_388 = arith.constant 0 : i32
      %dma_wait3A_389 = tpu.memref_slice %arg11[%dma_wait3A_378, %dma_wait3A_379, %dma_wait3A_387, %dma_wait3A_388] : memref<2x2x32x128xf32, #tpu.memory_space<vmem>> -> memref<1x1x32x128xf32, #tpu.memory_space<vmem>>
      %dma_wait3A_390 = tpu.memref_squeeze %dma_wait3A_389 : memref<1x1x32x128xf32, #tpu.memory_space<vmem>> -> memref<32x128xf32, #tpu.memory_space<vmem>>
      %dma_wait3A_391 = arith.constant 0 : i32
      %dma_wait3A_392 = arith.constant 0 : i32
      %dma_wait3A_393 = tpu.memref_slice %arg4[%dma_wait3A_391, %dma_wait3A_392] : memref<32x1000000xf32, #tpu.memory_space<hbm>> -> memref<32x128xf32, #tpu.memory_space<hbm>>
      tpu.wait_dma2 semaphore(%arg19 : memref<!tpu.dma_semaphore, #tpu.memory_space<semaphore_mem>>) src(%dma_wait3A_393 : memref<32x128xf32, #tpu.memory_space<hbm>>) dst(%dma_wait3A_390 : memref<32x128xf32, #tpu.memory_space<vmem>>)
      %dma_wait3A_394 = arith.constant 1 : i32
      %dma_wait3A_395 = arith.constant 0 : i32
      %dma_wait3A_396 = arith.constant 0 : i32
      %dma_wait3A_397 = arith.constant 0 : i32
      %dma_wait3A_398 = tpu.memref_slice %arg12[%dma_wait3A_394, %dma_wait3A_395, %dma_wait3A_396, %dma_wait3A_397] : memref<2x2x32x128xf32, #tpu.memory_space<vmem>> -> memref<1x1x32x128xf32, #tpu.memory_space<vmem>>
      %dma_wait3A_399 = tpu.memref_squeeze %dma_wait3A_398 : memref<1x1x32x128xf32, #tpu.memory_space<vmem>> -> memref<32x128xf32, #tpu.memory_space<vmem>>
      %dma_wait3A_400 = arith.constant 0 : i32
      %dma_wait3A_401 = arith.constant 0 : i32
      %dma_wait3A_402 = tpu.memref_slice %arg5[%dma_wait3A_400, %dma_wait3A_401] : memref<32x1000000xf32, #tpu.memory_space<hbm>> -> memref<32x128xf32, #tpu.memory_space<hbm>>
      %dma_wait3A_403 = arith.constant 0 : i32
      %dma_wait3A_404 = arith.constant 0 : i32
      %dma_wait3A_405 = tpu.memref_slice %arg12[%dma_wait3A_394, %dma_wait3A_395, %dma_wait3A_403, %dma_wait3A_404] : memref<2x2x32x128xf32, #tpu.memory_space<vmem>> -> memref<1x1x32x128xf32, #tpu.memory_space<vmem>>
      %dma_wait3A_406 = tpu.memref_squeeze %dma_wait3A_405 : memref<1x1x32x128xf32, #tpu.memory_space<vmem>> -> memref<32x128xf32, #tpu.memory_space<vmem>>
      %dma_wait3A_407 = arith.constant 0 : i32
      %dma_wait3A_408 = arith.constant 0 : i32
      %dma_wait3A_409 = tpu.memref_slice %arg5[%dma_wait3A_407, %dma_wait3A_408] : memref<32x1000000xf32, #tpu.memory_space<hbm>> -> memref<32x128xf32, #tpu.memory_space<hbm>>
      tpu.wait_dma2 semaphore(%arg20 : memref<!tpu.dma_semaphore, #tpu.memory_space<semaphore_mem>>) src(%dma_wait3A_409 : memref<32x128xf32, #tpu.memory_space<hbm>>) dst(%dma_wait3A_406 : memref<32x128xf32, #tpu.memory_space<vmem>>)
      %dma_wait3A_410 = arith.constant 1 : i32
      %dma_wait3A_411 = arith.constant 1 : i32
      %dma_wait3A_412 = arith.constant 0 : i32
      %dma_wait3A_413 = arith.constant 0 : i32
      %dma_wait3A_414 = tpu.memref_slice %arg11[%dma_wait3A_410, %dma_wait3A_411, %dma_wait3A_412, %dma_wait3A_413] : memref<2x2x32x128xf32, #tpu.memory_space<vmem>> -> memref<1x1x32x128xf32, #tpu.memory_space<vmem>>
      %dma_wait3A_415 = tpu.memref_squeeze %dma_wait3A_414 : memref<1x1x32x128xf32, #tpu.memory_space<vmem>> -> memref<32x128xf32, #tpu.memory_space<vmem>>
      %dma_wait3A_416 = arith.constant 0 : i32
      %dma_wait3A_417 = arith.constant 0 : i32
      %dma_wait3A_418 = tpu.memref_slice %arg4[%dma_wait3A_416, %dma_wait3A_417] : memref<32x1000000xf32, #tpu.memory_space<hbm>> -> memref<32x128xf32, #tpu.memory_space<hbm>>
      %dma_wait3A_419 = arith.constant 0 : i32
      %dma_wait3A_420 = arith.constant 0 : i32
      %dma_wait3A_421 = tpu.memref_slice %arg11[%dma_wait3A_410, %dma_wait3A_411, %dma_wait3A_419, %dma_wait3A_420] : memref<2x2x32x128xf32, #tpu.memory_space<vmem>> -> memref<1x1x32x128xf32, #tpu.memory_space<vmem>>
      %dma_wait3A_422 = tpu.memref_squeeze %dma_wait3A_421 : memref<1x1x32x128xf32, #tpu.memory_space<vmem>> -> memref<32x128xf32, #tpu.memory_space<vmem>>
      %dma_wait3A_423 = arith.constant 0 : i32
      %dma_wait3A_424 = arith.constant 0 : i32
      %dma_wait3A_425 = tpu.memref_slice %arg4[%dma_wait3A_423, %dma_wait3A_424] : memref<32x1000000xf32, #tpu.memory_space<hbm>> -> memref<32x128xf32, #tpu.memory_space<hbm>>
      tpu.wait_dma2 semaphore(%arg19 : memref<!tpu.dma_semaphore, #tpu.memory_space<semaphore_mem>>) src(%dma_wait3A_425 : memref<32x128xf32, #tpu.memory_space<hbm>>) dst(%dma_wait3A_422 : memref<32x128xf32, #tpu.memory_space<vmem>>)
      %dma_wait3A_426 = arith.constant 1 : i32
      %dma_wait3A_427 = arith.constant 1 : i32
      %dma_wait3A_428 = arith.constant 0 : i32
      %dma_wait3A_429 = arith.constant 0 : i32
      %dma_wait3A_430 = tpu.memref_slice %arg12[%dma_wait3A_426, %dma_wait3A_427, %dma_wait3A_428, %dma_wait3A_429] : memref<2x2x32x128xf32, #tpu.memory_space<vmem>> -> memref<1x1x32x128xf32, #tpu.memory_space<vmem>>
      %dma_wait3A_431 = tpu.memref_squeeze %dma_wait3A_430 : memref<1x1x32x128xf32, #tpu.memory_space<vmem>> -> memref<32x128xf32, #tpu.memory_space<vmem>>
      %dma_wait3A_432 = arith.constant 0 : i32
      %dma_wait3A_433 = arith.constant 0 : i32
      %dma_wait3A_434 = tpu.memref_slice %arg5[%dma_wait3A_432, %dma_wait3A_433] : memref<32x1000000xf32, #tpu.memory_space<hbm>> -> memref<32x128xf32, #tpu.memory_space<hbm>>
      %dma_wait3A_435 = arith.constant 0 : i32
      %dma_wait3A_436 = arith.constant 0 : i32
      %dma_wait3A_437 = tpu.memref_slice %arg12[%dma_wait3A_426, %dma_wait3A_427, %dma_wait3A_435, %dma_wait3A_436] : memref<2x2x32x128xf32, #tpu.memory_space<vmem>> -> memref<1x1x32x128xf32, #tpu.memory_space<vmem>>
      %dma_wait3A_438 = tpu.memref_squeeze %dma_wait3A_437 : memref<1x1x32x128xf32, #tpu.memory_space<vmem>> -> memref<32x128xf32, #tpu.memory_space<vmem>>
      %dma_wait3A_439 = arith.constant 0 : i32
      %dma_wait3A_440 = arith.constant 0 : i32
      %dma_wait3A_441 = tpu.memref_slice %arg5[%dma_wait3A_439, %dma_wait3A_440] : memref<32x1000000xf32, #tpu.memory_space<hbm>> -> memref<32x128xf32, #tpu.memory_space<hbm>>
      tpu.wait_dma2 semaphore(%arg20 : memref<!tpu.dma_semaphore, #tpu.memory_space<semaphore_mem>>) src(%dma_wait3A_441 : memref<32x128xf32, #tpu.memory_space<hbm>>) dst(%dma_wait3A_438 : memref<32x128xf32, #tpu.memory_space<vmem>>)
      %broadcast_in_dim3A_442 = arith.constant 1 : i32
      %broadcast_in_dim3A_443 = vector.broadcast %broadcast_in_dim3A_442 : i32 to vector<16xi32>
      %slice3A_444 = vector.extract_strided_slice %and3A_129 {offsets = [2], sizes = [1], strides = [1]} : vector<16xi32> to vector<1xi32>
      %squeeze3A_445 = vector.extract %slice3A_444[0] : i32 from vector<1xi32>
      %broadcast_in_dim3A_446 = vector.broadcast %squeeze3A_445 : i32 to vector<16xi32>
      %slice3A_447 = vector.extract_strided_slice %and3A_138 {offsets = [2], sizes = [1], strides = [1]} : vector<16xi32> to vector<1xi32>
      %squeeze3A_448 = vector.extract %slice3A_447[0] : i32 from vector<1xi32>
      %broadcast_in_dim3A_449 = vector.broadcast %squeeze3A_448 : i32 to vector<16xi32>
      %broadcast_in_dim3A_450 = arith.constant 0 : i32
      %broadcast_in_dim3A_451 = vector.broadcast %broadcast_in_dim3A_450 : i32 to vector<16xi32>
      %gather3A_452 = tpu.vector_load_idx %arg11[%broadcast_in_dim3A_443, %broadcast_in_dim3A_451, %iota3A, %broadcast_in_dim3A_446] : memref<2x2x32x128xf32, #tpu.memory_space<vmem>>[vector<16xi32>, vector<16xi32>, vector<16xi32>, vector<16xi32>], vector<16xf32>,
      %gather3A_453 = tpu.vector_load_idx %arg11[%broadcast_in_dim3A_443, %broadcast_in_dim3A_451, %add3A_8, %broadcast_in_dim3A_446] : memref<2x2x32x128xf32, #tpu.memory_space<vmem>>[vector<16xi32>, vector<16xi32>, vector<16xi32>, vector<16xi32>], vector<16xf32>,
      %gather3A_454 = tpu.vector_load_idx %arg12[%broadcast_in_dim3A_443, %broadcast_in_dim3A_451, %iota3A, %broadcast_in_dim3A_449] : memref<2x2x32x128xf32, #tpu.memory_space<vmem>>[vector<16xi32>, vector<16xi32>, vector<16xi32>, vector<16xi32>], vector<16xf32>,
      %gather3A_455 = tpu.vector_load_idx %arg12[%broadcast_in_dim3A_443, %broadcast_in_dim3A_451, %add3A_8, %broadcast_in_dim3A_449] : memref<2x2x32x128xf32, #tpu.memory_space<vmem>>[vector<16xi32>, vector<16xi32>, vector<16xi32>, vector<16xi32>], vector<16xf32>,
      %mul3A_456 = arith.mulf %gather3A_452, %gather3A_454 : vector<16xf32>
      %mul3A_457 = arith.mulf %gather3A_453, %gather3A_455 : vector<16xf32>
      %add3A_458 = arith.addf %mul3A_456, %mul3A_457 : vector<16xf32>
      %add3A_459 = arith.constant 2 : i32
      %add3A_460 = arith.addi %mul3A_112, %add3A_459 : i32
      %swap3A_461 = arith.index_cast %add3A_460 : i32 to index
      %swap3A_462 = arith.constant 0 : index
      %swap3A_463 = tpu.vector_load %arg13[%swap3A_461, %swap3A_462] {strides = array<i32>} : memref<512x16xf32, #tpu.memory_space<vmem>>, vector<16xf32>,
      tpu.vector_store %arg13[%swap3A_461, %swap3A_462], %add3A_458 {strides = array<i32>} : memref<512x16xf32, #tpu.memory_space<vmem>>, vector<16xf32>,
      %slice3A_464 = vector.extract_strided_slice %and3A_129 {offsets = [3], sizes = [1], strides = [1]} : vector<16xi32> to vector<1xi32>
      %squeeze3A_465 = vector.extract %slice3A_464[0] : i32 from vector<1xi32>
      %broadcast_in_dim3A_466 = vector.broadcast %squeeze3A_465 : i32 to vector<16xi32>
      %slice3A_467 = vector.extract_strided_slice %and3A_138 {offsets = [3], sizes = [1], strides = [1]} : vector<16xi32> to vector<1xi32>
      %squeeze3A_468 = vector.extract %slice3A_467[0] : i32 from vector<1xi32>
      %broadcast_in_dim3A_469 = vector.broadcast %squeeze3A_468 : i32 to vector<16xi32>
      %broadcast_in_dim3A_470 = arith.constant 1 : i32
      %broadcast_in_dim3A_471 = vector.broadcast %broadcast_in_dim3A_470 : i32 to vector<16xi32>
      %gather3A_472 = tpu.vector_load_idx %arg11[%broadcast_in_dim3A_443, %broadcast_in_dim3A_471, %iota3A, %broadcast_in_dim3A_466] : memref<2x2x32x128xf32, #tpu.memory_space<vmem>>[vector<16xi32>, vector<16xi32>, vector<16xi32>, vector<16xi32>], vector<16xf32>,
      %gather3A_473 = tpu.vector_load_idx %arg11[%broadcast_in_dim3A_443, %broadcast_in_dim3A_471, %add3A_8, %broadcast_in_dim3A_466] : memref<2x2x32x128xf32, #tpu.memory_space<vmem>>[vector<16xi32>, vector<16xi32>, vector<16xi32>, vector<16xi32>], vector<16xf32>,
      %gather3A_474 = tpu.vector_load_idx %arg12[%broadcast_in_dim3A_443, %broadcast_in_dim3A_471, %iota3A, %broadcast_in_dim3A_469] : memref<2x2x32x128xf32, #tpu.memory_space<vmem>>[vector<16xi32>, vector<16xi32>, vector<16xi32>, vector<16xi32>], vector<16xf32>,
      %gather3A_475 = tpu.vector_load_idx %arg12[%broadcast_in_dim3A_443, %broadcast_in_dim3A_471, %add3A_8, %broadcast_in_dim3A_469] : memref<2x2x32x128xf32, #tpu.memory_space<vmem>>[vector<16xi32>, vector<16xi32>, vector<16xi32>, vector<16xi32>], vector<16xf32>,
      %mul3A_476 = arith.mulf %gather3A_472, %gather3A_474 : vector<16xf32>
      %mul3A_477 = arith.mulf %gather3A_473, %gather3A_475 : vector<16xf32>
      %add3A_478 = arith.addf %mul3A_476, %mul3A_477 : vector<16xf32>
      %add3A_479 = arith.constant 3 : i32
      %add3A_480 = arith.addi %mul3A_112, %add3A_479 : i32
      %swap3A_481 = arith.index_cast %add3A_480 : i32 to index
      %swap3A_482 = arith.constant 0 : index
      %swap3A_483 = tpu.vector_load %arg13[%swap3A_481, %swap3A_482] {strides = array<i32>} : memref<512x16xf32, #tpu.memory_space<vmem>>, vector<16xf32>,
      tpu.vector_store %arg13[%swap3A_481, %swap3A_482], %add3A_478 {strides = array<i32>} : memref<512x16xf32, #tpu.memory_space<vmem>>, vector<16xf32>,
      %slice3A_484 = vector.extract_strided_slice %shift_left3A_126 {offsets = [6], sizes = [1], strides = [1]} : vector<16xi32> to vector<1xi32>
      %squeeze3A_485 = vector.extract %slice3A_484[0] : i32 from vector<1xi32>
      %multiple_of3A_486 = tpu.assume_multiple %squeeze3A_485, 128 : i32
      %slice3A_487 = vector.extract_strided_slice %shift_left3A_135 {offsets = [6], sizes = [1], strides = [1]} : vector<16xi32> to vector<1xi32>
      %squeeze3A_488 = vector.extract %slice3A_487[0] : i32 from vector<1xi32>
      %multiple_of3A_489 = tpu.assume_multiple %squeeze3A_488, 128 : i32
      %dma_start3A_490 = arith.constant 1 : i32
      %dma_start3A_491 = arith.constant 0 : i32
      %dma_start3A_492 = arith.constant 0 : i32
      %dma_start3A_493 = arith.constant 0 : i32
      %dma_start3A_494 = tpu.memref_slice %arg11[%dma_start3A_490, %dma_start3A_491, %dma_start3A_492, %dma_start3A_493] : memref<2x2x32x128xf32, #tpu.memory_space<vmem>> -> memref<1x1x32x128xf32, #tpu.memory_space<vmem>>
      %dma_start3A_495 = tpu.memref_squeeze %dma_start3A_494 : memref<1x1x32x128xf32, #tpu.memory_space<vmem>> -> memref<32x128xf32, #tpu.memory_space<vmem>>
      %dma_start3A_496 = arith.constant 0 : i32
      %dma_start3A_497 = tpu.memref_slice %arg4[%dma_start3A_496, %multiple_of3A_486] : memref<32x1000000xf32, #tpu.memory_space<hbm>> -> memref<32x128xf32, #tpu.memory_space<hbm>>
      %dma_start3A_498 = arith.constant 0 : i32
      %dma_start3A_499 = arith.constant 0 : i32
      %dma_start3A_500 = tpu.memref_slice %arg11[%dma_start3A_490, %dma_start3A_491, %dma_start3A_498, %dma_start3A_499] : memref<2x2x32x128xf32, #tpu.memory_space<vmem>> -> memref<1x1x32x128xf32, #tpu.memory_space<vmem>>
      %dma_start3A_501 = tpu.memref_squeeze %dma_start3A_500 : memref<1x1x32x128xf32, #tpu.memory_space<vmem>> -> memref<32x128xf32, #tpu.memory_space<vmem>>
      %dma_start3A_502 = arith.constant 0 : i32
      %dma_start3A_503 = tpu.memref_slice %arg4[%dma_start3A_502, %multiple_of3A_486] : memref<32x1000000xf32, #tpu.memory_space<hbm>> -> memref<32x128xf32, #tpu.memory_space<hbm>>
      tpu.enqueue_dma source(%dma_start3A_503 : memref<32x128xf32, #tpu.memory_space<hbm>>) target(%dma_start3A_501 : memref<32x128xf32, #tpu.memory_space<vmem>>) target_semaphore(%arg19 : memref<!tpu.dma_semaphore, #tpu.memory_space<semaphore_mem>>)
      %dma_start3A_504 = arith.constant 1 : i32
      %dma_start3A_505 = arith.constant 0 : i32
      %dma_start3A_506 = arith.constant 0 : i32
      %dma_start3A_507 = arith.constant 0 : i32
      %dma_start3A_508 = tpu.memref_slice %arg12[%dma_start3A_504, %dma_start3A_505, %dma_start3A_506, %dma_start3A_507] : memref<2x2x32x128xf32, #tpu.memory_space<vmem>> -> memref<1x1x32x128xf32, #tpu.memory_space<vmem>>
      %dma_start3A_509 = tpu.memref_squeeze %dma_start3A_508 : memref<1x1x32x128xf32, #tpu.memory_space<vmem>> -> memref<32x128xf32, #tpu.memory_space<vmem>>
      %dma_start3A_510 = arith.constant 0 : i32
      %dma_start3A_511 = tpu.memref_slice %arg5[%dma_start3A_510, %multiple_of3A_489] : memref<32x1000000xf32, #tpu.memory_space<hbm>> -> memref<32x128xf32, #tpu.memory_space<hbm>>
      %dma_start3A_512 = arith.constant 0 : i32
      %dma_start3A_513 = arith.constant 0 : i32
      %dma_start3A_514 = tpu.memref_slice %arg12[%dma_start3A_504, %dma_start3A_505, %dma_start3A_512, %dma_start3A_513] : memref<2x2x32x128xf32, #tpu.memory_space<vmem>> -> memref<1x1x32x128xf32, #tpu.memory_space<vmem>>
      %dma_start3A_515 = tpu.memref_squeeze %dma_start3A_514 : memref<1x1x32x128xf32, #tpu.memory_space<vmem>> -> memref<32x128xf32, #tpu.memory_space<vmem>>
      %dma_start3A_516 = arith.constant 0 : i32
      %dma_start3A_517 = tpu.memref_slice %arg5[%dma_start3A_516, %multiple_of3A_489] : memref<32x1000000xf32, #tpu.memory_space<hbm>> -> memref<32x128xf32, #tpu.memory_space<hbm>>
      tpu.enqueue_dma source(%dma_start3A_517 : memref<32x128xf32, #tpu.memory_space<hbm>>) target(%dma_start3A_515 : memref<32x128xf32, #tpu.memory_space<vmem>>) target_semaphore(%arg20 : memref<!tpu.dma_semaphore, #tpu.memory_space<semaphore_mem>>)
      %slice3A_518 = vector.extract_strided_slice %shift_left3A_126 {offsets = [7], sizes = [1], strides = [1]} : vector<16xi32> to vector<1xi32>
      %squeeze3A_519 = vector.extract %slice3A_518[0] : i32 from vector<1xi32>
      %multiple_of3A_520 = tpu.assume_multiple %squeeze3A_519, 128 : i32
      %slice3A_521 = vector.extract_strided_slice %shift_left3A_135 {offsets = [7], sizes = [1], strides = [1]} : vector<16xi32> to vector<1xi32>
      %squeeze3A_522 = vector.extract %slice3A_521[0] : i32 from vector<1xi32>
      %multiple_of3A_523 = tpu.assume_multiple %squeeze3A_522, 128 : i32
      %dma_start3A_524 = arith.constant 1 : i32
      %dma_start3A_525 = arith.constant 1 : i32
      %dma_start3A_526 = arith.constant 0 : i32
      %dma_start3A_527 = arith.constant 0 : i32
      %dma_start3A_528 = tpu.memref_slice %arg11[%dma_start3A_524, %dma_start3A_525, %dma_start3A_526, %dma_start3A_527] : memref<2x2x32x128xf32, #tpu.memory_space<vmem>> -> memref<1x1x32x128xf32, #tpu.memory_space<vmem>>
      %dma_start3A_529 = tpu.memref_squeeze %dma_start3A_528 : memref<1x1x32x128xf32, #tpu.memory_space<vmem>> -> memref<32x128xf32, #tpu.memory_space<vmem>>
      %dma_start3A_530 = arith.constant 0 : i32
      %dma_start3A_531 = tpu.memref_slice %arg4[%dma_start3A_530, %multiple_of3A_520] : memref<32x1000000xf32, #tpu.memory_space<hbm>> -> memref<32x128xf32, #tpu.memory_space<hbm>>
      %dma_start3A_532 = arith.constant 0 : i32
      %dma_start3A_533 = arith.constant 0 : i32
      %dma_start3A_534 = tpu.memref_slice %arg11[%dma_start3A_524, %dma_start3A_525, %dma_start3A_532, %dma_start3A_533] : memref<2x2x32x128xf32, #tpu.memory_space<vmem>> -> memref<1x1x32x128xf32, #tpu.memory_space<vmem>>
      %dma_start3A_535 = tpu.memref_squeeze %dma_start3A_534 : memref<1x1x32x128xf32, #tpu.memory_space<vmem>> -> memref<32x128xf32, #tpu.memory_space<vmem>>
      %dma_start3A_536 = arith.constant 0 : i32
      %dma_start3A_537 = tpu.memref_slice %arg4[%dma_start3A_536, %multiple_of3A_520] : memref<32x1000000xf32, #tpu.memory_space<hbm>> -> memref<32x128xf32, #tpu.memory_space<hbm>>
      tpu.enqueue_dma source(%dma_start3A_537 : memref<32x128xf32, #tpu.memory_space<hbm>>) target(%dma_start3A_535 : memref<32x128xf32, #tpu.memory_space<vmem>>) target_semaphore(%arg19 : memref<!tpu.dma_semaphore, #tpu.memory_space<semaphore_mem>>)
      %dma_start3A_538 = arith.constant 1 : i32
      %dma_start3A_539 = arith.constant 1 : i32
      %dma_start3A_540 = arith.constant 0 : i32
      %dma_start3A_541 = arith.constant 0 : i32
      %dma_start3A_542 = tpu.memref_slice %arg12[%dma_start3A_538, %dma_start3A_539, %dma_start3A_540, %dma_start3A_541] : memref<2x2x32x128xf32, #tpu.memory_space<vmem>> -> memref<1x1x32x128xf32, #tpu.memory_space<vmem>>
      %dma_start3A_543 = tpu.memref_squeeze %dma_start3A_542 : memref<1x1x32x128xf32, #tpu.memory_space<vmem>> -> memref<32x128xf32, #tpu.memory_space<vmem>>
      %dma_start3A_544 = arith.constant 0 : i32
      %dma_start3A_545 = tpu.memref_slice %arg5[%dma_start3A_544, %multiple_of3A_523] : memref<32x1000000xf32, #tpu.memory_space<hbm>> -> memref<32x128xf32, #tpu.memory_space<hbm>>
      %dma_start3A_546 = arith.constant 0 : i32
      %dma_start3A_547 = arith.constant 0 : i32
      %dma_start3A_548 = tpu.memref_slice %arg12[%dma_start3A_538, %dma_start3A_539, %dma_start3A_546, %dma_start3A_547] : memref<2x2x32x128xf32, #tpu.memory_space<vmem>> -> memref<1x1x32x128xf32, #tpu.memory_space<vmem>>
      %dma_start3A_549 = tpu.memref_squeeze %dma_start3A_548 : memref<1x1x32x128xf32, #tpu.memory_space<vmem>> -> memref<32x128xf32, #tpu.memory_space<vmem>>
      %dma_start3A_550 = arith.constant 0 : i32
      %dma_start3A_551 = tpu.memref_slice %arg5[%dma_start3A_550, %multiple_of3A_523] : memref<32x1000000xf32, #tpu.memory_space<hbm>> -> memref<32x128xf32, #tpu.memory_space<hbm>>
      tpu.enqueue_dma source(%dma_start3A_551 : memref<32x128xf32, #tpu.memory_space<hbm>>) target(%dma_start3A_549 : memref<32x128xf32, #tpu.memory_space<vmem>>) target_semaphore(%arg20 : memref<!tpu.dma_semaphore, #tpu.memory_space<semaphore_mem>>)
      %dma_wait3A_552 = arith.constant 0 : i32
      %dma_wait3A_553 = arith.constant 0 : i32
      %dma_wait3A_554 = arith.constant 0 : i32
      %dma_wait3A_555 = arith.constant 0 : i32
      %dma_wait3A_556 = tpu.memref_slice %arg11[%dma_wait3A_552, %dma_wait3A_553, %dma_wait3A_554, %dma_wait3A_555] : memref<2x2x32x128xf32, #tpu.memory_space<vmem>> -> memref<1x1x32x128xf32, #tpu.memory_space<vmem>>
      %dma_wait3A_557 = tpu.memref_squeeze %dma_wait3A_556 : memref<1x1x32x128xf32, #tpu.memory_space<vmem>> -> memref<32x128xf32, #tpu.memory_space<vmem>>
      %dma_wait3A_558 = arith.constant 0 : i32
      %dma_wait3A_559 = arith.constant 0 : i32
      %dma_wait3A_560 = tpu.memref_slice %arg4[%dma_wait3A_558, %dma_wait3A_559] : memref<32x1000000xf32, #tpu.memory_space<hbm>> -> memref<32x128xf32, #tpu.memory_space<hbm>>
      %dma_wait3A_561 = arith.constant 0 : i32
      %dma_wait3A_562 = arith.constant 0 : i32
      %dma_wait3A_563 = tpu.memref_slice %arg11[%dma_wait3A_552, %dma_wait3A_553, %dma_wait3A_561, %dma_wait3A_562] : memref<2x2x32x128xf32, #tpu.memory_space<vmem>> -> memref<1x1x32x128xf32, #tpu.memory_space<vmem>>
      %dma_wait3A_564 = tpu.memref_squeeze %dma_wait3A_563 : memref<1x1x32x128xf32, #tpu.memory_space<vmem>> -> memref<32x128xf32, #tpu.memory_space<vmem>>
      %dma_wait3A_565 = arith.constant 0 : i32
      %dma_wait3A_566 = arith.constant 0 : i32
      %dma_wait3A_567 = tpu.memref_slice %arg4[%dma_wait3A_565, %dma_wait3A_566] : memref<32x1000000xf32, #tpu.memory_space<hbm>> -> memref<32x128xf32, #tpu.memory_space<hbm>>
      tpu.wait_dma2 semaphore(%arg17 : memref<!tpu.dma_semaphore, #tpu.memory_space<semaphore_mem>>) src(%dma_wait3A_567 : memref<32x128xf32, #tpu.memory_space<hbm>>) dst(%dma_wait3A_564 : memref<32x128xf32, #tpu.memory_space<vmem>>)
      %dma_wait3A_568 = arith.constant 0 : i32
      %dma_wait3A_569 = arith.constant 0 : i32
      %dma_wait3A_570 = arith.constant 0 : i32
      %dma_wait3A_571 = arith.constant 0 : i32
      %dma_wait3A_572 = tpu.memref_slice %arg12[%dma_wait3A_568, %dma_wait3A_569, %dma_wait3A_570, %dma_wait3A_571] : memref<2x2x32x128xf32, #tpu.memory_space<vmem>> -> memref<1x1x32x128xf32, #tpu.memory_space<vmem>>
      %dma_wait3A_573 = tpu.memref_squeeze %dma_wait3A_572 : memref<1x1x32x128xf32, #tpu.memory_space<vmem>> -> memref<32x128xf32, #tpu.memory_space<vmem>>
      %dma_wait3A_574 = arith.constant 0 : i32
      %dma_wait3A_575 = arith.constant 0 : i32
      %dma_wait3A_576 = tpu.memref_slice %arg5[%dma_wait3A_574, %dma_wait3A_575] : memref<32x1000000xf32, #tpu.memory_space<hbm>> -> memref<32x128xf32, #tpu.memory_space<hbm>>
      %dma_wait3A_577 = arith.constant 0 : i32
      %dma_wait3A_578 = arith.constant 0 : i32
      %dma_wait3A_579 = tpu.memref_slice %arg12[%dma_wait3A_568, %dma_wait3A_569, %dma_wait3A_577, %dma_wait3A_578] : memref<2x2x32x128xf32, #tpu.memory_space<vmem>> -> memref<1x1x32x128xf32, #tpu.memory_space<vmem>>
      %dma_wait3A_580 = tpu.memref_squeeze %dma_wait3A_579 : memref<1x1x32x128xf32, #tpu.memory_space<vmem>> -> memref<32x128xf32, #tpu.memory_space<vmem>>
      %dma_wait3A_581 = arith.constant 0 : i32
      %dma_wait3A_582 = arith.constant 0 : i32
      %dma_wait3A_583 = tpu.memref_slice %arg5[%dma_wait3A_581, %dma_wait3A_582] : memref<32x1000000xf32, #tpu.memory_space<hbm>> -> memref<32x128xf32, #tpu.memory_space<hbm>>
      tpu.wait_dma2 semaphore(%arg18 : memref<!tpu.dma_semaphore, #tpu.memory_space<semaphore_mem>>) src(%dma_wait3A_583 : memref<32x128xf32, #tpu.memory_space<hbm>>) dst(%dma_wait3A_580 : memref<32x128xf32, #tpu.memory_space<vmem>>)
      %dma_wait3A_584 = arith.constant 0 : i32
      %dma_wait3A_585 = arith.constant 1 : i32
      %dma_wait3A_586 = arith.constant 0 : i32
      %dma_wait3A_587 = arith.constant 0 : i32
      %dma_wait3A_588 = tpu.memref_slice %arg11[%dma_wait3A_584, %dma_wait3A_585, %dma_wait3A_586, %dma_wait3A_587] : memref<2x2x32x128xf32, #tpu.memory_space<vmem>> -> memref<1x1x32x128xf32, #tpu.memory_space<vmem>>
      %dma_wait3A_589 = tpu.memref_squeeze %dma_wait3A_588 : memref<1x1x32x128xf32, #tpu.memory_space<vmem>> -> memref<32x128xf32, #tpu.memory_space<vmem>>
      %dma_wait3A_590 = arith.constant 0 : i32
      %dma_wait3A_591 = arith.constant 0 : i32
      %dma_wait3A_592 = tpu.memref_slice %arg4[%dma_wait3A_590, %dma_wait3A_591] : memref<32x1000000xf32, #tpu.memory_space<hbm>> -> memref<32x128xf32, #tpu.memory_space<hbm>>
      %dma_wait3A_593 = arith.constant 0 : i32
      %dma_wait3A_594 = arith.constant 0 : i32
      %dma_wait3A_595 = tpu.memref_slice %arg11[%dma_wait3A_584, %dma_wait3A_585, %dma_wait3A_593, %dma_wait3A_594] : memref<2x2x32x128xf32, #tpu.memory_space<vmem>> -> memref<1x1x32x128xf32, #tpu.memory_space<vmem>>
      %dma_wait3A_596 = tpu.memref_squeeze %dma_wait3A_595 : memref<1x1x32x128xf32, #tpu.memory_space<vmem>> -> memref<32x128xf32, #tpu.memory_space<vmem>>
      %dma_wait3A_597 = arith.constant 0 : i32
      %dma_wait3A_598 = arith.constant 0 : i32
      %dma_wait3A_599 = tpu.memref_slice %arg4[%dma_wait3A_597, %dma_wait3A_598] : memref<32x1000000xf32, #tpu.memory_space<hbm>> -> memref<32x128xf32, #tpu.memory_space<hbm>>
      tpu.wait_dma2 semaphore(%arg17 : memref<!tpu.dma_semaphore, #tpu.memory_space<semaphore_mem>>) src(%dma_wait3A_599 : memref<32x128xf32, #tpu.memory_space<hbm>>) dst(%dma_wait3A_596 : memref<32x128xf32, #tpu.memory_space<vmem>>)
      %dma_wait3A_600 = arith.constant 0 : i32
      %dma_wait3A_601 = arith.constant 1 : i32
      %dma_wait3A_602 = arith.constant 0 : i32
      %dma_wait3A_603 = arith.constant 0 : i32
      %dma_wait3A_604 = tpu.memref_slice %arg12[%dma_wait3A_600, %dma_wait3A_601, %dma_wait3A_602, %dma_wait3A_603] : memref<2x2x32x128xf32, #tpu.memory_space<vmem>> -> memref<1x1x32x128xf32, #tpu.memory_space<vmem>>
      %dma_wait3A_605 = tpu.memref_squeeze %dma_wait3A_604 : memref<1x1x32x128xf32, #tpu.memory_space<vmem>> -> memref<32x128xf32, #tpu.memory_space<vmem>>
      %dma_wait3A_606 = arith.constant 0 : i32
      %dma_wait3A_607 = arith.constant 0 : i32
      %dma_wait3A_608 = tpu.memref_slice %arg5[%dma_wait3A_606, %dma_wait3A_607] : memref<32x1000000xf32, #tpu.memory_space<hbm>> -> memref<32x128xf32, #tpu.memory_space<hbm>>
      %dma_wait3A_609 = arith.constant 0 : i32
      %dma_wait3A_610 = arith.constant 0 : i32
      %dma_wait3A_611 = tpu.memref_slice %arg12[%dma_wait3A_600, %dma_wait3A_601, %dma_wait3A_609, %dma_wait3A_610] : memref<2x2x32x128xf32, #tpu.memory_space<vmem>> -> memref<1x1x32x128xf32, #tpu.memory_space<vmem>>
      %dma_wait3A_612 = tpu.memref_squeeze %dma_wait3A_611 : memref<1x1x32x128xf32, #tpu.memory_space<vmem>> -> memref<32x128xf32, #tpu.memory_space<vmem>>
      %dma_wait3A_613 = arith.constant 0 : i32
      %dma_wait3A_614 = arith.constant 0 : i32
      %dma_wait3A_615 = tpu.memref_slice %arg5[%dma_wait3A_613, %dma_wait3A_614] : memref<32x1000000xf32, #tpu.memory_space<hbm>> -> memref<32x128xf32, #tpu.memory_space<hbm>>
      tpu.wait_dma2 semaphore(%arg18 : memref<!tpu.dma_semaphore, #tpu.memory_space<semaphore_mem>>) src(%dma_wait3A_615 : memref<32x128xf32, #tpu.memory_space<hbm>>) dst(%dma_wait3A_612 : memref<32x128xf32, #tpu.memory_space<vmem>>)
      %broadcast_in_dim3A_616 = arith.constant 0 : i32
      %broadcast_in_dim3A_617 = vector.broadcast %broadcast_in_dim3A_616 : i32 to vector<16xi32>
      %slice3A_618 = vector.extract_strided_slice %and3A_129 {offsets = [4], sizes = [1], strides = [1]} : vector<16xi32> to vector<1xi32>
      %squeeze3A_619 = vector.extract %slice3A_618[0] : i32 from vector<1xi32>
      %broadcast_in_dim3A_620 = vector.broadcast %squeeze3A_619 : i32 to vector<16xi32>
      %slice3A_621 = vector.extract_strided_slice %and3A_138 {offsets = [4], sizes = [1], strides = [1]} : vector<16xi32> to vector<1xi32>
      %squeeze3A_622 = vector.extract %slice3A_621[0] : i32 from vector<1xi32>
      %broadcast_in_dim3A_623 = vector.broadcast %squeeze3A_622 : i32 to vector<16xi32>
      %broadcast_in_dim3A_624 = arith.constant 0 : i32
      %broadcast_in_dim3A_625 = vector.broadcast %broadcast_in_dim3A_624 : i32 to vector<16xi32>
      %gather3A_626 = tpu.vector_load_idx %arg11[%broadcast_in_dim3A_617, %broadcast_in_dim3A_625, %iota3A, %broadcast_in_dim3A_620] : memref<2x2x32x128xf32, #tpu.memory_space<vmem>>[vector<16xi32>, vector<16xi32>, vector<16xi32>, vector<16xi32>], vector<16xf32>,
      %gather3A_627 = tpu.vector_load_idx %arg11[%broadcast_in_dim3A_617, %broadcast_in_dim3A_625, %add3A_8, %broadcast_in_dim3A_620] : memref<2x2x32x128xf32, #tpu.memory_space<vmem>>[vector<16xi32>, vector<16xi32>, vector<16xi32>, vector<16xi32>], vector<16xf32>,
      %gather3A_628 = tpu.vector_load_idx %arg12[%broadcast_in_dim3A_617, %broadcast_in_dim3A_625, %iota3A, %broadcast_in_dim3A_623] : memref<2x2x32x128xf32, #tpu.memory_space<vmem>>[vector<16xi32>, vector<16xi32>, vector<16xi32>, vector<16xi32>], vector<16xf32>,
      %gather3A_629 = tpu.vector_load_idx %arg12[%broadcast_in_dim3A_617, %broadcast_in_dim3A_625, %add3A_8, %broadcast_in_dim3A_623] : memref<2x2x32x128xf32, #tpu.memory_space<vmem>>[vector<16xi32>, vector<16xi32>, vector<16xi32>, vector<16xi32>], vector<16xf32>,
      %mul3A_630 = arith.mulf %gather3A_626, %gather3A_628 : vector<16xf32>
      %mul3A_631 = arith.mulf %gather3A_627, %gather3A_629 : vector<16xf32>
      %add3A_632 = arith.addf %mul3A_630, %mul3A_631 : vector<16xf32>
      %add3A_633 = arith.constant 4 : i32
      %add3A_634 = arith.addi %mul3A_112, %add3A_633 : i32
      %swap3A_635 = arith.index_cast %add3A_634 : i32 to index
      %swap3A_636 = arith.constant 0 : index
      %swap3A_637 = tpu.vector_load %arg13[%swap3A_635, %swap3A_636] {strides = array<i32>} : memref<512x16xf32, #tpu.memory_space<vmem>>, vector<16xf32>,
      tpu.vector_store %arg13[%swap3A_635, %swap3A_636], %add3A_632 {strides = array<i32>} : memref<512x16xf32, #tpu.memory_space<vmem>>, vector<16xf32>,
      %slice3A_638 = vector.extract_strided_slice %and3A_129 {offsets = [5], sizes = [1], strides = [1]} : vector<16xi32> to vector<1xi32>
      %squeeze3A_639 = vector.extract %slice3A_638[0] : i32 from vector<1xi32>
      %broadcast_in_dim3A_640 = vector.broadcast %squeeze3A_639 : i32 to vector<16xi32>
      %slice3A_641 = vector.extract_strided_slice %and3A_138 {offsets = [5], sizes = [1], strides = [1]} : vector<16xi32> to vector<1xi32>
      %squeeze3A_642 = vector.extract %slice3A_641[0] : i32 from vector<1xi32>
      %broadcast_in_dim3A_643 = vector.broadcast %squeeze3A_642 : i32 to vector<16xi32>
      %broadcast_in_dim3A_644 = arith.constant 1 : i32
      %broadcast_in_dim3A_645 = vector.broadcast %broadcast_in_dim3A_644 : i32 to vector<16xi32>
      %gather3A_646 = tpu.vector_load_idx %arg11[%broadcast_in_dim3A_617, %broadcast_in_dim3A_645, %iota3A, %broadcast_in_dim3A_640] : memref<2x2x32x128xf32, #tpu.memory_space<vmem>>[vector<16xi32>, vector<16xi32>, vector<16xi32>, vector<16xi32>], vector<16xf32>,
      %gather3A_647 = tpu.vector_load_idx %arg11[%broadcast_in_dim3A_617, %broadcast_in_dim3A_645, %add3A_8, %broadcast_in_dim3A_640] : memref<2x2x32x128xf32, #tpu.memory_space<vmem>>[vector<16xi32>, vector<16xi32>, vector<16xi32>, vector<16xi32>], vector<16xf32>,
      %gather3A_648 = tpu.vector_load_idx %arg12[%broadcast_in_dim3A_617, %broadcast_in_dim3A_645, %iota3A, %broadcast_in_dim3A_643] : memref<2x2x32x128xf32, #tpu.memory_space<vmem>>[vector<16xi32>, vector<16xi32>, vector<16xi32>, vector<16xi32>], vector<16xf32>,
      %gather3A_649 = tpu.vector_load_idx %arg12[%broadcast_in_dim3A_617, %broadcast_in_dim3A_645, %add3A_8, %broadcast_in_dim3A_643] : memref<2x2x32x128xf32, #tpu.memory_space<vmem>>[vector<16xi32>, vector<16xi32>, vector<16xi32>, vector<16xi32>], vector<16xf32>,
      %mul3A_650 = arith.mulf %gather3A_646, %gather3A_648 : vector<16xf32>
      %mul3A_651 = arith.mulf %gather3A_647, %gather3A_649 : vector<16xf32>
      %add3A_652 = arith.addf %mul3A_650, %mul3A_651 : vector<16xf32>
      %add3A_653 = arith.constant 5 : i32
      %add3A_654 = arith.addi %mul3A_112, %add3A_653 : i32
      %swap3A_655 = arith.index_cast %add3A_654 : i32 to index
      %swap3A_656 = arith.constant 0 : index
      %swap3A_657 = tpu.vector_load %arg13[%swap3A_655, %swap3A_656] {strides = array<i32>} : memref<512x16xf32, #tpu.memory_space<vmem>>, vector<16xf32>,
      tpu.vector_store %arg13[%swap3A_655, %swap3A_656], %add3A_652 {strides = array<i32>} : memref<512x16xf32, #tpu.memory_space<vmem>>, vector<16xf32>,
      %slice3A_658 = vector.extract_strided_slice %shift_left3A_126 {offsets = [8], sizes = [1], strides = [1]} : vector<16xi32> to vector<1xi32>
      %squeeze3A_659 = vector.extract %slice3A_658[0] : i32 from vector<1xi32>
      %multiple_of3A_660 = tpu.assume_multiple %squeeze3A_659, 128 : i32
      %slice3A_661 = vector.extract_strided_slice %shift_left3A_135 {offsets = [8], sizes = [1], strides = [1]} : vector<16xi32> to vector<1xi32>
      %squeeze3A_662 = vector.extract %slice3A_661[0] : i32 from vector<1xi32>
      %multiple_of3A_663 = tpu.assume_multiple %squeeze3A_662, 128 : i32
      %dma_start3A_664 = arith.constant 0 : i32
      %dma_start3A_665 = arith.constant 0 : i32
      %dma_start3A_666 = arith.constant 0 : i32
      %dma_start3A_667 = arith.constant 0 : i32
      %dma_start3A_668 = tpu.memref_slice %arg11[%dma_start3A_664, %dma_start3A_665, %dma_start3A_666, %dma_start3A_667] : memref<2x2x32x128xf32, #tpu.memory_space<vmem>> -> memref<1x1x32x128xf32, #tpu.memory_space<vmem>>
      %dma_start3A_669 = tpu.memref_squeeze %dma_start3A_668 : memref<1x1x32x128xf32, #tpu.memory_space<vmem>> -> memref<32x128xf32, #tpu.memory_space<vmem>>
      %dma_start3A_670 = arith.constant 0 : i32
      %dma_start3A_671 = tpu.memref_slice %arg4[%dma_start3A_670, %multiple_of3A_660] : memref<32x1000000xf32, #tpu.memory_space<hbm>> -> memref<32x128xf32, #tpu.memory_space<hbm>>
      %dma_start3A_672 = arith.constant 0 : i32
      %dma_start3A_673 = arith.constant 0 : i32
      %dma_start3A_674 = tpu.memref_slice %arg11[%dma_start3A_664, %dma_start3A_665, %dma_start3A_672, %dma_start3A_673] : memref<2x2x32x128xf32, #tpu.memory_space<vmem>> -> memref<1x1x32x128xf32, #tpu.memory_space<vmem>>
      %dma_start3A_675 = tpu.memref_squeeze %dma_start3A_674 : memref<1x1x32x128xf32, #tpu.memory_space<vmem>> -> memref<32x128xf32, #tpu.memory_space<vmem>>
      %dma_start3A_676 = arith.constant 0 : i32
      %dma_start3A_677 = tpu.memref_slice %arg4[%dma_start3A_676, %multiple_of3A_660] : memref<32x1000000xf32, #tpu.memory_space<hbm>> -> memref<32x128xf32, #tpu.memory_space<hbm>>
      tpu.enqueue_dma source(%dma_start3A_677 : memref<32x128xf32, #tpu.memory_space<hbm>>) target(%dma_start3A_675 : memref<32x128xf32, #tpu.memory_space<vmem>>) target_semaphore(%arg17 : memref<!tpu.dma_semaphore, #tpu.memory_space<semaphore_mem>>)
      %dma_start3A_678 = arith.constant 0 : i32
      %dma_start3A_679 = arith.constant 0 : i32
      %dma_start3A_680 = arith.constant 0 : i32
      %dma_start3A_681 = arith.constant 0 : i32
      %dma_start3A_682 = tpu.memref_slice %arg12[%dma_start3A_678, %dma_start3A_679, %dma_start3A_680, %dma_start3A_681] : memref<2x2x32x128xf32, #tpu.memory_space<vmem>> -> memref<1x1x32x128xf32, #tpu.memory_space<vmem>>
      %dma_start3A_683 = tpu.memref_squeeze %dma_start3A_682 : memref<1x1x32x128xf32, #tpu.memory_space<vmem>> -> memref<32x128xf32, #tpu.memory_space<vmem>>
      %dma_start3A_684 = arith.constant 0 : i32
      %dma_start3A_685 = tpu.memref_slice %arg5[%dma_start3A_684, %multiple_of3A_663] : memref<32x1000000xf32, #tpu.memory_space<hbm>> -> memref<32x128xf32, #tpu.memory_space<hbm>>
      %dma_start3A_686 = arith.constant 0 : i32
      %dma_start3A_687 = arith.constant 0 : i32
      %dma_start3A_688 = tpu.memref_slice %arg12[%dma_start3A_678, %dma_start3A_679, %dma_start3A_686, %dma_start3A_687] : memref<2x2x32x128xf32, #tpu.memory_space<vmem>> -> memref<1x1x32x128xf32, #tpu.memory_space<vmem>>
      %dma_start3A_689 = tpu.memref_squeeze %dma_start3A_688 : memref<1x1x32x128xf32, #tpu.memory_space<vmem>> -> memref<32x128xf32, #tpu.memory_space<vmem>>
      %dma_start3A_690 = arith.constant 0 : i32
      %dma_start3A_691 = tpu.memref_slice %arg5[%dma_start3A_690, %multiple_of3A_663] : memref<32x1000000xf32, #tpu.memory_space<hbm>> -> memref<32x128xf32, #tpu.memory_space<hbm>>
      tpu.enqueue_dma source(%dma_start3A_691 : memref<32x128xf32, #tpu.memory_space<hbm>>) target(%dma_start3A_689 : memref<32x128xf32, #tpu.memory_space<vmem>>) target_semaphore(%arg18 : memref<!tpu.dma_semaphore, #tpu.memory_space<semaphore_mem>>)
      %slice3A_692 = vector.extract_strided_slice %shift_left3A_126 {offsets = [9], sizes = [1], strides = [1]} : vector<16xi32> to vector<1xi32>
      %squeeze3A_693 = vector.extract %slice3A_692[0] : i32 from vector<1xi32>
      %multiple_of3A_694 = tpu.assume_multiple %squeeze3A_693, 128 : i32
      %slice3A_695 = vector.extract_strided_slice %shift_left3A_135 {offsets = [9], sizes = [1], strides = [1]} : vector<16xi32> to vector<1xi32>
      %squeeze3A_696 = vector.extract %slice3A_695[0] : i32 from vector<1xi32>
      %multiple_of3A_697 = tpu.assume_multiple %squeeze3A_696, 128 : i32
      %dma_start3A_698 = arith.constant 0 : i32
      %dma_start3A_699 = arith.constant 1 : i32
      %dma_start3A_700 = arith.constant 0 : i32
      %dma_start3A_701 = arith.constant 0 : i32
      %dma_start3A_702 = tpu.memref_slice %arg11[%dma_start3A_698, %dma_start3A_699, %dma_start3A_700, %dma_start3A_701] : memref<2x2x32x128xf32, #tpu.memory_space<vmem>> -> memref<1x1x32x128xf32, #tpu.memory_space<vmem>>
      %dma_start3A_703 = tpu.memref_squeeze %dma_start3A_702 : memref<1x1x32x128xf32, #tpu.memory_space<vmem>> -> memref<32x128xf32, #tpu.memory_space<vmem>>
      %dma_start3A_704 = arith.constant 0 : i32
      %dma_start3A_705 = tpu.memref_slice %arg4[%dma_start3A_704, %multiple_of3A_694] : memref<32x1000000xf32, #tpu.memory_space<hbm>> -> memref<32x128xf32, #tpu.memory_space<hbm>>
      %dma_start3A_706 = arith.constant 0 : i32
      %dma_start3A_707 = arith.constant 0 : i32
      %dma_start3A_708 = tpu.memref_slice %arg11[%dma_start3A_698, %dma_start3A_699, %dma_start3A_706, %dma_start3A_707] : memref<2x2x32x128xf32, #tpu.memory_space<vmem>> -> memref<1x1x32x128xf32, #tpu.memory_space<vmem>>
      %dma_start3A_709 = tpu.memref_squeeze %dma_start3A_708 : memref<1x1x32x128xf32, #tpu.memory_space<vmem>> -> memref<32x128xf32, #tpu.memory_space<vmem>>
      %dma_start3A_710 = arith.constant 0 : i32
      %dma_start3A_711 = tpu.memref_slice %arg4[%dma_start3A_710, %multiple_of3A_694] : memref<32x1000000xf32, #tpu.memory_space<hbm>> -> memref<32x128xf32, #tpu.memory_space<hbm>>
      tpu.enqueue_dma source(%dma_start3A_711 : memref<32x128xf32, #tpu.memory_space<hbm>>) target(%dma_start3A_709 : memref<32x128xf32, #tpu.memory_space<vmem>>) target_semaphore(%arg17 : memref<!tpu.dma_semaphore, #tpu.memory_space<semaphore_mem>>)
      %dma_start3A_712 = arith.constant 0 : i32
      %dma_start3A_713 = arith.constant 1 : i32
      %dma_start3A_714 = arith.constant 0 : i32
      %dma_start3A_715 = arith.constant 0 : i32
      %dma_start3A_716 = tpu.memref_slice %arg12[%dma_start3A_712, %dma_start3A_713, %dma_start3A_714, %dma_start3A_715] : memref<2x2x32x128xf32, #tpu.memory_space<vmem>> -> memref<1x1x32x128xf32, #tpu.memory_space<vmem>>
      %dma_start3A_717 = tpu.memref_squeeze %dma_start3A_716 : memref<1x1x32x128xf32, #tpu.memory_space<vmem>> -> memref<32x128xf32, #tpu.memory_space<vmem>>
      %dma_start3A_718 = arith.constant 0 : i32
      %dma_start3A_719 = tpu.memref_slice %arg5[%dma_start3A_718, %multiple_of3A_697] : memref<32x1000000xf32, #tpu.memory_space<hbm>> -> memref<32x128xf32, #tpu.memory_space<hbm>>
      %dma_start3A_720 = arith.constant 0 : i32
      %dma_start3A_721 = arith.constant 0 : i32
      %dma_start3A_722 = tpu.memref_slice %arg12[%dma_start3A_712, %dma_start3A_713, %dma_start3A_720, %dma_start3A_721] : memref<2x2x32x128xf32, #tpu.memory_space<vmem>> -> memref<1x1x32x128xf32, #tpu.memory_space<vmem>>
      %dma_start3A_723 = tpu.memref_squeeze %dma_start3A_722 : memref<1x1x32x128xf32, #tpu.memory_space<vmem>> -> memref<32x128xf32, #tpu.memory_space<vmem>>
      %dma_start3A_724 = arith.constant 0 : i32
      %dma_start3A_725 = tpu.memref_slice %arg5[%dma_start3A_724, %multiple_of3A_697] : memref<32x1000000xf32, #tpu.memory_space<hbm>> -> memref<32x128xf32, #tpu.memory_space<hbm>>
      tpu.enqueue_dma source(%dma_start3A_725 : memref<32x128xf32, #tpu.memory_space<hbm>>) target(%dma_start3A_723 : memref<32x128xf32, #tpu.memory_space<vmem>>) target_semaphore(%arg18 : memref<!tpu.dma_semaphore, #tpu.memory_space<semaphore_mem>>)
      %dma_wait3A_726 = arith.constant 1 : i32
      %dma_wait3A_727 = arith.constant 0 : i32
      %dma_wait3A_728 = arith.constant 0 : i32
      %dma_wait3A_729 = arith.constant 0 : i32
      %dma_wait3A_730 = tpu.memref_slice %arg11[%dma_wait3A_726, %dma_wait3A_727, %dma_wait3A_728, %dma_wait3A_729] : memref<2x2x32x128xf32, #tpu.memory_space<vmem>> -> memref<1x1x32x128xf32, #tpu.memory_space<vmem>>
      %dma_wait3A_731 = tpu.memref_squeeze %dma_wait3A_730 : memref<1x1x32x128xf32, #tpu.memory_space<vmem>> -> memref<32x128xf32, #tpu.memory_space<vmem>>
      %dma_wait3A_732 = arith.constant 0 : i32
      %dma_wait3A_733 = arith.constant 0 : i32
      %dma_wait3A_734 = tpu.memref_slice %arg4[%dma_wait3A_732, %dma_wait3A_733] : memref<32x1000000xf32, #tpu.memory_space<hbm>> -> memref<32x128xf32, #tpu.memory_space<hbm>>
      %dma_wait3A_735 = arith.constant 0 : i32
      %dma_wait3A_736 = arith.constant 0 : i32
      %dma_wait3A_737 = tpu.memref_slice %arg11[%dma_wait3A_726, %dma_wait3A_727, %dma_wait3A_735, %dma_wait3A_736] : memref<2x2x32x128xf32, #tpu.memory_space<vmem>> -> memref<1x1x32x128xf32, #tpu.memory_space<vmem>>
      %dma_wait3A_738 = tpu.memref_squeeze %dma_wait3A_737 : memref<1x1x32x128xf32, #tpu.memory_space<vmem>> -> memref<32x128xf32, #tpu.memory_space<vmem>>
      %dma_wait3A_739 = arith.constant 0 : i32
      %dma_wait3A_740 = arith.constant 0 : i32
      %dma_wait3A_741 = tpu.memref_slice %arg4[%dma_wait3A_739, %dma_wait3A_740] : memref<32x1000000xf32, #tpu.memory_space<hbm>> -> memref<32x128xf32, #tpu.memory_space<hbm>>
      tpu.wait_dma2 semaphore(%arg19 : memref<!tpu.dma_semaphore, #tpu.memory_space<semaphore_mem>>) src(%dma_wait3A_741 : memref<32x128xf32, #tpu.memory_space<hbm>>) dst(%dma_wait3A_738 : memref<32x128xf32, #tpu.memory_space<vmem>>)
      %dma_wait3A_742 = arith.constant 1 : i32
      %dma_wait3A_743 = arith.constant 0 : i32
      %dma_wait3A_744 = arith.constant 0 : i32
      %dma_wait3A_745 = arith.constant 0 : i32
      %dma_wait3A_746 = tpu.memref_slice %arg12[%dma_wait3A_742, %dma_wait3A_743, %dma_wait3A_744, %dma_wait3A_745] : memref<2x2x32x128xf32, #tpu.memory_space<vmem>> -> memref<1x1x32x128xf32, #tpu.memory_space<vmem>>
      %dma_wait3A_747 = tpu.memref_squeeze %dma_wait3A_746 : memref<1x1x32x128xf32, #tpu.memory_space<vmem>> -> memref<32x128xf32, #tpu.memory_space<vmem>>
      %dma_wait3A_748 = arith.constant 0 : i32
      %dma_wait3A_749 = arith.constant 0 : i32
      %dma_wait3A_750 = tpu.memref_slice %arg5[%dma_wait3A_748, %dma_wait3A_749] : memref<32x1000000xf32, #tpu.memory_space<hbm>> -> memref<32x128xf32, #tpu.memory_space<hbm>>
      %dma_wait3A_751 = arith.constant 0 : i32
      %dma_wait3A_752 = arith.constant 0 : i32
      %dma_wait3A_753 = tpu.memref_slice %arg12[%dma_wait3A_742, %dma_wait3A_743, %dma_wait3A_751, %dma_wait3A_752] : memref<2x2x32x128xf32, #tpu.memory_space<vmem>> -> memref<1x1x32x128xf32, #tpu.memory_space<vmem>>
      %dma_wait3A_754 = tpu.memref_squeeze %dma_wait3A_753 : memref<1x1x32x128xf32, #tpu.memory_space<vmem>> -> memref<32x128xf32, #tpu.memory_space<vmem>>
      %dma_wait3A_755 = arith.constant 0 : i32
      %dma_wait3A_756 = arith.constant 0 : i32
      %dma_wait3A_757 = tpu.memref_slice %arg5[%dma_wait3A_755, %dma_wait3A_756] : memref<32x1000000xf32, #tpu.memory_space<hbm>> -> memref<32x128xf32, #tpu.memory_space<hbm>>
      tpu.wait_dma2 semaphore(%arg20 : memref<!tpu.dma_semaphore, #tpu.memory_space<semaphore_mem>>) src(%dma_wait3A_757 : memref<32x128xf32, #tpu.memory_space<hbm>>) dst(%dma_wait3A_754 : memref<32x128xf32, #tpu.memory_space<vmem>>)
      %dma_wait3A_758 = arith.constant 1 : i32
      %dma_wait3A_759 = arith.constant 1 : i32
      %dma_wait3A_760 = arith.constant 0 : i32
      %dma_wait3A_761 = arith.constant 0 : i32
      %dma_wait3A_762 = tpu.memref_slice %arg11[%dma_wait3A_758, %dma_wait3A_759, %dma_wait3A_760, %dma_wait3A_761] : memref<2x2x32x128xf32, #tpu.memory_space<vmem>> -> memref<1x1x32x128xf32, #tpu.memory_space<vmem>>
      %dma_wait3A_763 = tpu.memref_squeeze %dma_wait3A_762 : memref<1x1x32x128xf32, #tpu.memory_space<vmem>> -> memref<32x128xf32, #tpu.memory_space<vmem>>
      %dma_wait3A_764 = arith.constant 0 : i32
      %dma_wait3A_765 = arith.constant 0 : i32
      %dma_wait3A_766 = tpu.memref_slice %arg4[%dma_wait3A_764, %dma_wait3A_765] : memref<32x1000000xf32, #tpu.memory_space<hbm>> -> memref<32x128xf32, #tpu.memory_space<hbm>>
      %dma_wait3A_767 = arith.constant 0 : i32
      %dma_wait3A_768 = arith.constant 0 : i32
      %dma_wait3A_769 = tpu.memref_slice %arg11[%dma_wait3A_758, %dma_wait3A_759, %dma_wait3A_767, %dma_wait3A_768] : memref<2x2x32x128xf32, #tpu.memory_space<vmem>> -> memref<1x1x32x128xf32, #tpu.memory_space<vmem>>
      %dma_wait3A_770 = tpu.memref_squeeze %dma_wait3A_769 : memref<1x1x32x128xf32, #tpu.memory_space<vmem>> -> memref<32x128xf32, #tpu.memory_space<vmem>>
      %dma_wait3A_771 = arith.constant 0 : i32
      %dma_wait3A_772 = arith.constant 0 : i32
      %dma_wait3A_773 = tpu.memref_slice %arg4[%dma_wait3A_771, %dma_wait3A_772] : memref<32x1000000xf32, #tpu.memory_space<hbm>> -> memref<32x128xf32, #tpu.memory_space<hbm>>
      tpu.wait_dma2 semaphore(%arg19 : memref<!tpu.dma_semaphore, #tpu.memory_space<semaphore_mem>>) src(%dma_wait3A_773 : memref<32x128xf32, #tpu.memory_space<hbm>>) dst(%dma_wait3A_770 : memref<32x128xf32, #tpu.memory_space<vmem>>)
      %dma_wait3A_774 = arith.constant 1 : i32
      %dma_wait3A_775 = arith.constant 1 : i32
      %dma_wait3A_776 = arith.constant 0 : i32
      %dma_wait3A_777 = arith.constant 0 : i32
      %dma_wait3A_778 = tpu.memref_slice %arg12[%dma_wait3A_774, %dma_wait3A_775, %dma_wait3A_776, %dma_wait3A_777] : memref<2x2x32x128xf32, #tpu.memory_space<vmem>> -> memref<1x1x32x128xf32, #tpu.memory_space<vmem>>
      %dma_wait3A_779 = tpu.memref_squeeze %dma_wait3A_778 : memref<1x1x32x128xf32, #tpu.memory_space<vmem>> -> memref<32x128xf32, #tpu.memory_space<vmem>>
      %dma_wait3A_780 = arith.constant 0 : i32
      %dma_wait3A_781 = arith.constant 0 : i32
      %dma_wait3A_782 = tpu.memref_slice %arg5[%dma_wait3A_780, %dma_wait3A_781] : memref<32x1000000xf32, #tpu.memory_space<hbm>> -> memref<32x128xf32, #tpu.memory_space<hbm>>
      %dma_wait3A_783 = arith.constant 0 : i32
      %dma_wait3A_784 = arith.constant 0 : i32
      %dma_wait3A_785 = tpu.memref_slice %arg12[%dma_wait3A_774, %dma_wait3A_775, %dma_wait3A_783, %dma_wait3A_784] : memref<2x2x32x128xf32, #tpu.memory_space<vmem>> -> memref<1x1x32x128xf32, #tpu.memory_space<vmem>>
      %dma_wait3A_786 = tpu.memref_squeeze %dma_wait3A_785 : memref<1x1x32x128xf32, #tpu.memory_space<vmem>> -> memref<32x128xf32, #tpu.memory_space<vmem>>
      %dma_wait3A_787 = arith.constant 0 : i32
      %dma_wait3A_788 = arith.constant 0 : i32
      %dma_wait3A_789 = tpu.memref_slice %arg5[%dma_wait3A_787, %dma_wait3A_788] : memref<32x1000000xf32, #tpu.memory_space<hbm>> -> memref<32x128xf32, #tpu.memory_space<hbm>>
      tpu.wait_dma2 semaphore(%arg20 : memref<!tpu.dma_semaphore, #tpu.memory_space<semaphore_mem>>) src(%dma_wait3A_789 : memref<32x128xf32, #tpu.memory_space<hbm>>) dst(%dma_wait3A_786 : memref<32x128xf32, #tpu.memory_space<vmem>>)
      %broadcast_in_dim3A_790 = arith.constant 1 : i32
      %broadcast_in_dim3A_791 = vector.broadcast %broadcast_in_dim3A_790 : i32 to vector<16xi32>
      %slice3A_792 = vector.extract_strided_slice %and3A_129 {offsets = [6], sizes = [1], strides = [1]} : vector<16xi32> to vector<1xi32>
      %squeeze3A_793 = vector.extract %slice3A_792[0] : i32 from vector<1xi32>
      %broadcast_in_dim3A_794 = vector.broadcast %squeeze3A_793 : i32 to vector<16xi32>
      %slice3A_795 = vector.extract_strided_slice %and3A_138 {offsets = [6], sizes = [1], strides = [1]} : vector<16xi32> to vector<1xi32>
      %squeeze3A_796 = vector.extract %slice3A_795[0] : i32 from vector<1xi32>
      %broadcast_in_dim3A_797 = vector.broadcast %squeeze3A_796 : i32 to vector<16xi32>
      %broadcast_in_dim3A_798 = arith.constant 0 : i32
      %broadcast_in_dim3A_799 = vector.broadcast %broadcast_in_dim3A_798 : i32 to vector<16xi32>
      %gather3A_800 = tpu.vector_load_idx %arg11[%broadcast_in_dim3A_791, %broadcast_in_dim3A_799, %iota3A, %broadcast_in_dim3A_794] : memref<2x2x32x128xf32, #tpu.memory_space<vmem>>[vector<16xi32>, vector<16xi32>, vector<16xi32>, vector<16xi32>], vector<16xf32>,
      %gather3A_801 = tpu.vector_load_idx %arg11[%broadcast_in_dim3A_791, %broadcast_in_dim3A_799, %add3A_8, %broadcast_in_dim3A_794] : memref<2x2x32x128xf32, #tpu.memory_space<vmem>>[vector<16xi32>, vector<16xi32>, vector<16xi32>, vector<16xi32>], vector<16xf32>,
      %gather3A_802 = tpu.vector_load_idx %arg12[%broadcast_in_dim3A_791, %broadcast_in_dim3A_799, %iota3A, %broadcast_in_dim3A_797] : memref<2x2x32x128xf32, #tpu.memory_space<vmem>>[vector<16xi32>, vector<16xi32>, vector<16xi32>, vector<16xi32>], vector<16xf32>,
      %gather3A_803 = tpu.vector_load_idx %arg12[%broadcast_in_dim3A_791, %broadcast_in_dim3A_799, %add3A_8, %broadcast_in_dim3A_797] : memref<2x2x32x128xf32, #tpu.memory_space<vmem>>[vector<16xi32>, vector<16xi32>, vector<16xi32>, vector<16xi32>], vector<16xf32>,
      %mul3A_804 = arith.mulf %gather3A_800, %gather3A_802 : vector<16xf32>
      %mul3A_805 = arith.mulf %gather3A_801, %gather3A_803 : vector<16xf32>
      %add3A_806 = arith.addf %mul3A_804, %mul3A_805 : vector<16xf32>
      %add3A_807 = arith.constant 6 : i32
      %add3A_808 = arith.addi %mul3A_112, %add3A_807 : i32
      %swap3A_809 = arith.index_cast %add3A_808 : i32 to index
      %swap3A_810 = arith.constant 0 : index
      %swap3A_811 = tpu.vector_load %arg13[%swap3A_809, %swap3A_810] {strides = array<i32>} : memref<512x16xf32, #tpu.memory_space<vmem>>, vector<16xf32>,
      tpu.vector_store %arg13[%swap3A_809, %swap3A_810], %add3A_806 {strides = array<i32>} : memref<512x16xf32, #tpu.memory_space<vmem>>, vector<16xf32>,
      %slice3A_812 = vector.extract_strided_slice %and3A_129 {offsets = [7], sizes = [1], strides = [1]} : vector<16xi32> to vector<1xi32>
      %squeeze3A_813 = vector.extract %slice3A_812[0] : i32 from vector<1xi32>
      %broadcast_in_dim3A_814 = vector.broadcast %squeeze3A_813 : i32 to vector<16xi32>
      %slice3A_815 = vector.extract_strided_slice %and3A_138 {offsets = [7], sizes = [1], strides = [1]} : vector<16xi32> to vector<1xi32>
      %squeeze3A_816 = vector.extract %slice3A_815[0] : i32 from vector<1xi32>
      %broadcast_in_dim3A_817 = vector.broadcast %squeeze3A_816 : i32 to vector<16xi32>
      %broadcast_in_dim3A_818 = arith.constant 1 : i32
      %broadcast_in_dim3A_819 = vector.broadcast %broadcast_in_dim3A_818 : i32 to vector<16xi32>
      %gather3A_820 = tpu.vector_load_idx %arg11[%broadcast_in_dim3A_791, %broadcast_in_dim3A_819, %iota3A, %broadcast_in_dim3A_814] : memref<2x2x32x128xf32, #tpu.memory_space<vmem>>[vector<16xi32>, vector<16xi32>, vector<16xi32>, vector<16xi32>], vector<16xf32>,
      %gather3A_821 = tpu.vector_load_idx %arg11[%broadcast_in_dim3A_791, %broadcast_in_dim3A_819, %add3A_8, %broadcast_in_dim3A_814] : memref<2x2x32x128xf32, #tpu.memory_space<vmem>>[vector<16xi32>, vector<16xi32>, vector<16xi32>, vector<16xi32>], vector<16xf32>,
      %gather3A_822 = tpu.vector_load_idx %arg12[%broadcast_in_dim3A_791, %broadcast_in_dim3A_819, %iota3A, %broadcast_in_dim3A_817] : memref<2x2x32x128xf32, #tpu.memory_space<vmem>>[vector<16xi32>, vector<16xi32>, vector<16xi32>, vector<16xi32>], vector<16xf32>,
      %gather3A_823 = tpu.vector_load_idx %arg12[%broadcast_in_dim3A_791, %broadcast_in_dim3A_819, %add3A_8, %broadcast_in_dim3A_817] : memref<2x2x32x128xf32, #tpu.memory_space<vmem>>[vector<16xi32>, vector<16xi32>, vector<16xi32>, vector<16xi32>], vector<16xf32>,
      %mul3A_824 = arith.mulf %gather3A_820, %gather3A_822 : vector<16xf32>
      %mul3A_825 = arith.mulf %gather3A_821, %gather3A_823 : vector<16xf32>
      %add3A_826 = arith.addf %mul3A_824, %mul3A_825 : vector<16xf32>
      %add3A_827 = arith.constant 7 : i32
      %add3A_828 = arith.addi %mul3A_112, %add3A_827 : i32
      %swap3A_829 = arith.index_cast %add3A_828 : i32 to index
      %swap3A_830 = arith.constant 0 : index
      %swap3A_831 = tpu.vector_load %arg13[%swap3A_829, %swap3A_830] {strides = array<i32>} : memref<512x16xf32, #tpu.memory_space<vmem>>, vector<16xf32>,
      tpu.vector_store %arg13[%swap3A_829, %swap3A_830], %add3A_826 {strides = array<i32>} : memref<512x16xf32, #tpu.memory_space<vmem>>, vector<16xf32>,
      %slice3A_832 = vector.extract_strided_slice %shift_left3A_126 {offsets = [10], sizes = [1], strides = [1]} : vector<16xi32> to vector<1xi32>
      %squeeze3A_833 = vector.extract %slice3A_832[0] : i32 from vector<1xi32>
      %multiple_of3A_834 = tpu.assume_multiple %squeeze3A_833, 128 : i32
      %slice3A_835 = vector.extract_strided_slice %shift_left3A_135 {offsets = [10], sizes = [1], strides = [1]} : vector<16xi32> to vector<1xi32>
      %squeeze3A_836 = vector.extract %slice3A_835[0] : i32 from vector<1xi32>
      %multiple_of3A_837 = tpu.assume_multiple %squeeze3A_836, 128 : i32
      %dma_start3A_838 = arith.constant 1 : i32
      %dma_start3A_839 = arith.constant 0 : i32
      %dma_start3A_840 = arith.constant 0 : i32
      %dma_start3A_841 = arith.constant 0 : i32
      %dma_start3A_842 = tpu.memref_slice %arg11[%dma_start3A_838, %dma_start3A_839, %dma_start3A_840, %dma_start3A_841] : memref<2x2x32x128xf32, #tpu.memory_space<vmem>> -> memref<1x1x32x128xf32, #tpu.memory_space<vmem>>
      %dma_start3A_843 = tpu.memref_squeeze %dma_start3A_842 : memref<1x1x32x128xf32, #tpu.memory_space<vmem>> -> memref<32x128xf32, #tpu.memory_space<vmem>>
      %dma_start3A_844 = arith.constant 0 : i32
      %dma_start3A_845 = tpu.memref_slice %arg4[%dma_start3A_844, %multiple_of3A_834] : memref<32x1000000xf32, #tpu.memory_space<hbm>> -> memref<32x128xf32, #tpu.memory_space<hbm>>
      %dma_start3A_846 = arith.constant 0 : i32
      %dma_start3A_847 = arith.constant 0 : i32
      %dma_start3A_848 = tpu.memref_slice %arg11[%dma_start3A_838, %dma_start3A_839, %dma_start3A_846, %dma_start3A_847] : memref<2x2x32x128xf32, #tpu.memory_space<vmem>> -> memref<1x1x32x128xf32, #tpu.memory_space<vmem>>
      %dma_start3A_849 = tpu.memref_squeeze %dma_start3A_848 : memref<1x1x32x128xf32, #tpu.memory_space<vmem>> -> memref<32x128xf32, #tpu.memory_space<vmem>>
      %dma_start3A_850 = arith.constant 0 : i32
      %dma_start3A_851 = tpu.memref_slice %arg4[%dma_start3A_850, %multiple_of3A_834] : memref<32x1000000xf32, #tpu.memory_space<hbm>> -> memref<32x128xf32, #tpu.memory_space<hbm>>
      tpu.enqueue_dma source(%dma_start3A_851 : memref<32x128xf32, #tpu.memory_space<hbm>>) target(%dma_start3A_849 : memref<32x128xf32, #tpu.memory_space<vmem>>) target_semaphore(%arg19 : memref<!tpu.dma_semaphore, #tpu.memory_space<semaphore_mem>>)
      %dma_start3A_852 = arith.constant 1 : i32
      %dma_start3A_853 = arith.constant 0 : i32
      %dma_start3A_854 = arith.constant 0 : i32
      %dma_start3A_855 = arith.constant 0 : i32
      %dma_start3A_856 = tpu.memref_slice %arg12[%dma_start3A_852, %dma_start3A_853, %dma_start3A_854, %dma_start3A_855] : memref<2x2x32x128xf32, #tpu.memory_space<vmem>> -> memref<1x1x32x128xf32, #tpu.memory_space<vmem>>
      %dma_start3A_857 = tpu.memref_squeeze %dma_start3A_856 : memref<1x1x32x128xf32, #tpu.memory_space<vmem>> -> memref<32x128xf32, #tpu.memory_space<vmem>>
      %dma_start3A_858 = arith.constant 0 : i32
      %dma_start3A_859 = tpu.memref_slice %arg5[%dma_start3A_858, %multiple_of3A_837] : memref<32x1000000xf32, #tpu.memory_space<hbm>> -> memref<32x128xf32, #tpu.memory_space<hbm>>
      %dma_start3A_860 = arith.constant 0 : i32
      %dma_start3A_861 = arith.constant 0 : i32
      %dma_start3A_862 = tpu.memref_slice %arg12[%dma_start3A_852, %dma_start3A_853, %dma_start3A_860, %dma_start3A_861] : memref<2x2x32x128xf32, #tpu.memory_space<vmem>> -> memref<1x1x32x128xf32, #tpu.memory_space<vmem>>
      %dma_start3A_863 = tpu.memref_squeeze %dma_start3A_862 : memref<1x1x32x128xf32, #tpu.memory_space<vmem>> -> memref<32x128xf32, #tpu.memory_space<vmem>>
      %dma_start3A_864 = arith.constant 0 : i32
      %dma_start3A_865 = tpu.memref_slice %arg5[%dma_start3A_864, %multiple_of3A_837] : memref<32x1000000xf32, #tpu.memory_space<hbm>> -> memref<32x128xf32, #tpu.memory_space<hbm>>
      tpu.enqueue_dma source(%dma_start3A_865 : memref<32x128xf32, #tpu.memory_space<hbm>>) target(%dma_start3A_863 : memref<32x128xf32, #tpu.memory_space<vmem>>) target_semaphore(%arg20 : memref<!tpu.dma_semaphore, #tpu.memory_space<semaphore_mem>>)
      %slice3A_866 = vector.extract_strided_slice %shift_left3A_126 {offsets = [11], sizes = [1], strides = [1]} : vector<16xi32> to vector<1xi32>
      %squeeze3A_867 = vector.extract %slice3A_866[0] : i32 from vector<1xi32>
      %multiple_of3A_868 = tpu.assume_multiple %squeeze3A_867, 128 : i32
      %slice3A_869 = vector.extract_strided_slice %shift_left3A_135 {offsets = [11], sizes = [1], strides = [1]} : vector<16xi32> to vector<1xi32>
      %squeeze3A_870 = vector.extract %slice3A_869[0] : i32 from vector<1xi32>
      %multiple_of3A_871 = tpu.assume_multiple %squeeze3A_870, 128 : i32
      %dma_start3A_872 = arith.constant 1 : i32
      %dma_start3A_873 = arith.constant 1 : i32
      %dma_start3A_874 = arith.constant 0 : i32
      %dma_start3A_875 = arith.constant 0 : i32
      %dma_start3A_876 = tpu.memref_slice %arg11[%dma_start3A_872, %dma_start3A_873, %dma_start3A_874, %dma_start3A_875] : memref<2x2x32x128xf32, #tpu.memory_space<vmem>> -> memref<1x1x32x128xf32, #tpu.memory_space<vmem>>
      %dma_start3A_877 = tpu.memref_squeeze %dma_start3A_876 : memref<1x1x32x128xf32, #tpu.memory_space<vmem>> -> memref<32x128xf32, #tpu.memory_space<vmem>>
      %dma_start3A_878 = arith.constant 0 : i32
      %dma_start3A_879 = tpu.memref_slice %arg4[%dma_start3A_878, %multiple_of3A_868] : memref<32x1000000xf32, #tpu.memory_space<hbm>> -> memref<32x128xf32, #tpu.memory_space<hbm>>
      %dma_start3A_880 = arith.constant 0 : i32
      %dma_start3A_881 = arith.constant 0 : i32
      %dma_start3A_882 = tpu.memref_slice %arg11[%dma_start3A_872, %dma_start3A_873, %dma_start3A_880, %dma_start3A_881] : memref<2x2x32x128xf32, #tpu.memory_space<vmem>> -> memref<1x1x32x128xf32, #tpu.memory_space<vmem>>
      %dma_start3A_883 = tpu.memref_squeeze %dma_start3A_882 : memref<1x1x32x128xf32, #tpu.memory_space<vmem>> -> memref<32x128xf32, #tpu.memory_space<vmem>>
      %dma_start3A_884 = arith.constant 0 : i32
      %dma_start3A_885 = tpu.memref_slice %arg4[%dma_start3A_884, %multiple_of3A_868] : memref<32x1000000xf32, #tpu.memory_space<hbm>> -> memref<32x128xf32, #tpu.memory_space<hbm>>
      tpu.enqueue_dma source(%dma_start3A_885 : memref<32x128xf32, #tpu.memory_space<hbm>>) target(%dma_start3A_883 : memref<32x128xf32, #tpu.memory_space<vmem>>) target_semaphore(%arg19 : memref<!tpu.dma_semaphore, #tpu.memory_space<semaphore_mem>>)
      %dma_start3A_886 = arith.constant 1 : i32
      %dma_start3A_887 = arith.constant 1 : i32
      %dma_start3A_888 = arith.constant 0 : i32
      %dma_start3A_889 = arith.constant 0 : i32
      %dma_start3A_890 = tpu.memref_slice %arg12[%dma_start3A_886, %dma_start3A_887, %dma_start3A_888, %dma_start3A_889] : memref<2x2x32x128xf32, #tpu.memory_space<vmem>> -> memref<1x1x32x128xf32, #tpu.memory_space<vmem>>
      %dma_start3A_891 = tpu.memref_squeeze %dma_start3A_890 : memref<1x1x32x128xf32, #tpu.memory_space<vmem>> -> memref<32x128xf32, #tpu.memory_space<vmem>>
      %dma_start3A_892 = arith.constant 0 : i32
      %dma_start3A_893 = tpu.memref_slice %arg5[%dma_start3A_892, %multiple_of3A_871] : memref<32x1000000xf32, #tpu.memory_space<hbm>> -> memref<32x128xf32, #tpu.memory_space<hbm>>
      %dma_start3A_894 = arith.constant 0 : i32
      %dma_start3A_895 = arith.constant 0 : i32
      %dma_start3A_896 = tpu.memref_slice %arg12[%dma_start3A_886, %dma_start3A_887, %dma_start3A_894, %dma_start3A_895] : memref<2x2x32x128xf32, #tpu.memory_space<vmem>> -> memref<1x1x32x128xf32, #tpu.memory_space<vmem>>
      %dma_start3A_897 = tpu.memref_squeeze %dma_start3A_896 : memref<1x1x32x128xf32, #tpu.memory_space<vmem>> -> memref<32x128xf32, #tpu.memory_space<vmem>>
      %dma_start3A_898 = arith.constant 0 : i32
      %dma_start3A_899 = tpu.memref_slice %arg5[%dma_start3A_898, %multiple_of3A_871] : memref<32x1000000xf32, #tpu.memory_space<hbm>> -> memref<32x128xf32, #tpu.memory_space<hbm>>
      tpu.enqueue_dma source(%dma_start3A_899 : memref<32x128xf32, #tpu.memory_space<hbm>>) target(%dma_start3A_897 : memref<32x128xf32, #tpu.memory_space<vmem>>) target_semaphore(%arg20 : memref<!tpu.dma_semaphore, #tpu.memory_space<semaphore_mem>>)
      %dma_wait3A_900 = arith.constant 0 : i32
      %dma_wait3A_901 = arith.constant 0 : i32
      %dma_wait3A_902 = arith.constant 0 : i32
      %dma_wait3A_903 = arith.constant 0 : i32
      %dma_wait3A_904 = tpu.memref_slice %arg11[%dma_wait3A_900, %dma_wait3A_901, %dma_wait3A_902, %dma_wait3A_903] : memref<2x2x32x128xf32, #tpu.memory_space<vmem>> -> memref<1x1x32x128xf32, #tpu.memory_space<vmem>>
      %dma_wait3A_905 = tpu.memref_squeeze %dma_wait3A_904 : memref<1x1x32x128xf32, #tpu.memory_space<vmem>> -> memref<32x128xf32, #tpu.memory_space<vmem>>
      %dma_wait3A_906 = arith.constant 0 : i32
      %dma_wait3A_907 = arith.constant 0 : i32
      %dma_wait3A_908 = tpu.memref_slice %arg4[%dma_wait3A_906, %dma_wait3A_907] : memref<32x1000000xf32, #tpu.memory_space<hbm>> -> memref<32x128xf32, #tpu.memory_space<hbm>>
      %dma_wait3A_909 = arith.constant 0 : i32
      %dma_wait3A_910 = arith.constant 0 : i32
      %dma_wait3A_911 = tpu.memref_slice %arg11[%dma_wait3A_900, %dma_wait3A_901, %dma_wait3A_909, %dma_wait3A_910] : memref<2x2x32x128xf32, #tpu.memory_space<vmem>> -> memref<1x1x32x128xf32, #tpu.memory_space<vmem>>
      %dma_wait3A_912 = tpu.memref_squeeze %dma_wait3A_911 : memref<1x1x32x128xf32, #tpu.memory_space<vmem>> -> memref<32x128xf32, #tpu.memory_space<vmem>>
      %dma_wait3A_913 = arith.constant 0 : i32
      %dma_wait3A_914 = arith.constant 0 : i32
      %dma_wait3A_915 = tpu.memref_slice %arg4[%dma_wait3A_913, %dma_wait3A_914] : memref<32x1000000xf32, #tpu.memory_space<hbm>> -> memref<32x128xf32, #tpu.memory_space<hbm>>
      tpu.wait_dma2 semaphore(%arg17 : memref<!tpu.dma_semaphore, #tpu.memory_space<semaphore_mem>>) src(%dma_wait3A_915 : memref<32x128xf32, #tpu.memory_space<hbm>>) dst(%dma_wait3A_912 : memref<32x128xf32, #tpu.memory_space<vmem>>)
      %dma_wait3A_916 = arith.constant 0 : i32
      %dma_wait3A_917 = arith.constant 0 : i32
      %dma_wait3A_918 = arith.constant 0 : i32
      %dma_wait3A_919 = arith.constant 0 : i32
      %dma_wait3A_920 = tpu.memref_slice %arg12[%dma_wait3A_916, %dma_wait3A_917, %dma_wait3A_918, %dma_wait3A_919] : memref<2x2x32x128xf32, #tpu.memory_space<vmem>> -> memref<1x1x32x128xf32, #tpu.memory_space<vmem>>
      %dma_wait3A_921 = tpu.memref_squeeze %dma_wait3A_920 : memref<1x1x32x128xf32, #tpu.memory_space<vmem>> -> memref<32x128xf32, #tpu.memory_space<vmem>>
      %dma_wait3A_922 = arith.constant 0 : i32
      %dma_wait3A_923 = arith.constant 0 : i32
      %dma_wait3A_924 = tpu.memref_slice %arg5[%dma_wait3A_922, %dma_wait3A_923] : memref<32x1000000xf32, #tpu.memory_space<hbm>> -> memref<32x128xf32, #tpu.memory_space<hbm>>
      %dma_wait3A_925 = arith.constant 0 : i32
      %dma_wait3A_926 = arith.constant 0 : i32
      %dma_wait3A_927 = tpu.memref_slice %arg12[%dma_wait3A_916, %dma_wait3A_917, %dma_wait3A_925, %dma_wait3A_926] : memref<2x2x32x128xf32, #tpu.memory_space<vmem>> -> memref<1x1x32x128xf32, #tpu.memory_space<vmem>>
      %dma_wait3A_928 = tpu.memref_squeeze %dma_wait3A_927 : memref<1x1x32x128xf32, #tpu.memory_space<vmem>> -> memref<32x128xf32, #tpu.memory_space<vmem>>
      %dma_wait3A_929 = arith.constant 0 : i32
      %dma_wait3A_930 = arith.constant 0 : i32
      %dma_wait3A_931 = tpu.memref_slice %arg5[%dma_wait3A_929, %dma_wait3A_930] : memref<32x1000000xf32, #tpu.memory_space<hbm>> -> memref<32x128xf32, #tpu.memory_space<hbm>>
      tpu.wait_dma2 semaphore(%arg18 : memref<!tpu.dma_semaphore, #tpu.memory_space<semaphore_mem>>) src(%dma_wait3A_931 : memref<32x128xf32, #tpu.memory_space<hbm>>) dst(%dma_wait3A_928 : memref<32x128xf32, #tpu.memory_space<vmem>>)
      %dma_wait3A_932 = arith.constant 0 : i32
      %dma_wait3A_933 = arith.constant 1 : i32
      %dma_wait3A_934 = arith.constant 0 : i32
      %dma_wait3A_935 = arith.constant 0 : i32
      %dma_wait3A_936 = tpu.memref_slice %arg11[%dma_wait3A_932, %dma_wait3A_933, %dma_wait3A_934, %dma_wait3A_935] : memref<2x2x32x128xf32, #tpu.memory_space<vmem>> -> memref<1x1x32x128xf32, #tpu.memory_space<vmem>>
      %dma_wait3A_937 = tpu.memref_squeeze %dma_wait3A_936 : memref<1x1x32x128xf32, #tpu.memory_space<vmem>> -> memref<32x128xf32, #tpu.memory_space<vmem>>
      %dma_wait3A_938 = arith.constant 0 : i32
      %dma_wait3A_939 = arith.constant 0 : i32
      %dma_wait3A_940 = tpu.memref_slice %arg4[%dma_wait3A_938, %dma_wait3A_939] : memref<32x1000000xf32, #tpu.memory_space<hbm>> -> memref<32x128xf32, #tpu.memory_space<hbm>>
      %dma_wait3A_941 = arith.constant 0 : i32
      %dma_wait3A_942 = arith.constant 0 : i32
      %dma_wait3A_943 = tpu.memref_slice %arg11[%dma_wait3A_932, %dma_wait3A_933, %dma_wait3A_941, %dma_wait3A_942] : memref<2x2x32x128xf32, #tpu.memory_space<vmem>> -> memref<1x1x32x128xf32, #tpu.memory_space<vmem>>
      %dma_wait3A_944 = tpu.memref_squeeze %dma_wait3A_943 : memref<1x1x32x128xf32, #tpu.memory_space<vmem>> -> memref<32x128xf32, #tpu.memory_space<vmem>>
      %dma_wait3A_945 = arith.constant 0 : i32
      %dma_wait3A_946 = arith.constant 0 : i32
      %dma_wait3A_947 = tpu.memref_slice %arg4[%dma_wait3A_945, %dma_wait3A_946] : memref<32x1000000xf32, #tpu.memory_space<hbm>> -> memref<32x128xf32, #tpu.memory_space<hbm>>
      tpu.wait_dma2 semaphore(%arg17 : memref<!tpu.dma_semaphore, #tpu.memory_space<semaphore_mem>>) src(%dma_wait3A_947 : memref<32x128xf32, #tpu.memory_space<hbm>>) dst(%dma_wait3A_944 : memref<32x128xf32, #tpu.memory_space<vmem>>)
      %dma_wait3A_948 = arith.constant 0 : i32
      %dma_wait3A_949 = arith.constant 1 : i32
      %dma_wait3A_950 = arith.constant 0 : i32
      %dma_wait3A_951 = arith.constant 0 : i32
      %dma_wait3A_952 = tpu.memref_slice %arg12[%dma_wait3A_948, %dma_wait3A_949, %dma_wait3A_950, %dma_wait3A_951] : memref<2x2x32x128xf32, #tpu.memory_space<vmem>> -> memref<1x1x32x128xf32, #tpu.memory_space<vmem>>
      %dma_wait3A_953 = tpu.memref_squeeze %dma_wait3A_952 : memref<1x1x32x128xf32, #tpu.memory_space<vmem>> -> memref<32x128xf32, #tpu.memory_space<vmem>>
      %dma_wait3A_954 = arith.constant 0 : i32
      %dma_wait3A_955 = arith.constant 0 : i32
      %dma_wait3A_956 = tpu.memref_slice %arg5[%dma_wait3A_954, %dma_wait3A_955] : memref<32x1000000xf32, #tpu.memory_space<hbm>> -> memref<32x128xf32, #tpu.memory_space<hbm>>
      %dma_wait3A_957 = arith.constant 0 : i32
      %dma_wait3A_958 = arith.constant 0 : i32
      %dma_wait3A_959 = tpu.memref_slice %arg12[%dma_wait3A_948, %dma_wait3A_949, %dma_wait3A_957, %dma_wait3A_958] : memref<2x2x32x128xf32, #tpu.memory_space<vmem>> -> memref<1x1x32x128xf32, #tpu.memory_space<vmem>>
      %dma_wait3A_960 = tpu.memref_squeeze %dma_wait3A_959 : memref<1x1x32x128xf32, #tpu.memory_space<vmem>> -> memref<32x128xf32, #tpu.memory_space<vmem>>
      %dma_wait3A_961 = arith.constant 0 : i32
      %dma_wait3A_962 = arith.constant 0 : i32
      %dma_wait3A_963 = tpu.memref_slice %arg5[%dma_wait3A_961, %dma_wait3A_962] : memref<32x1000000xf32, #tpu.memory_space<hbm>> -> memref<32x128xf32, #tpu.memory_space<hbm>>
      tpu.wait_dma2 semaphore(%arg18 : memref<!tpu.dma_semaphore, #tpu.memory_space<semaphore_mem>>) src(%dma_wait3A_963 : memref<32x128xf32, #tpu.memory_space<hbm>>) dst(%dma_wait3A_960 : memref<32x128xf32, #tpu.memory_space<vmem>>)
      %broadcast_in_dim3A_964 = arith.constant 0 : i32
      %broadcast_in_dim3A_965 = vector.broadcast %broadcast_in_dim3A_964 : i32 to vector<16xi32>
      %slice3A_966 = vector.extract_strided_slice %and3A_129 {offsets = [8], sizes = [1], strides = [1]} : vector<16xi32> to vector<1xi32>
      %squeeze3A_967 = vector.extract %slice3A_966[0] : i32 from vector<1xi32>
      %broadcast_in_dim3A_968 = vector.broadcast %squeeze3A_967 : i32 to vector<16xi32>
      %slice3A_969 = vector.extract_strided_slice %and3A_138 {offsets = [8], sizes = [1], strides = [1]} : vector<16xi32> to vector<1xi32>
      %squeeze3A_970 = vector.extract %slice3A_969[0] : i32 from vector<1xi32>
      %broadcast_in_dim3A_971 = vector.broadcast %squeeze3A_970 : i32 to vector<16xi32>
      %broadcast_in_dim3A_972 = arith.constant 0 : i32
      %broadcast_in_dim3A_973 = vector.broadcast %broadcast_in_dim3A_972 : i32 to vector<16xi32>
      %gather3A_974 = tpu.vector_load_idx %arg11[%broadcast_in_dim3A_965, %broadcast_in_dim3A_973, %iota3A, %broadcast_in_dim3A_968] : memref<2x2x32x128xf32, #tpu.memory_space<vmem>>[vector<16xi32>, vector<16xi32>, vector<16xi32>, vector<16xi32>], vector<16xf32>,
      %gather3A_975 = tpu.vector_load_idx %arg11[%broadcast_in_dim3A_965, %broadcast_in_dim3A_973, %add3A_8, %broadcast_in_dim3A_968] : memref<2x2x32x128xf32, #tpu.memory_space<vmem>>[vector<16xi32>, vector<16xi32>, vector<16xi32>, vector<16xi32>], vector<16xf32>,
      %gather3A_976 = tpu.vector_load_idx %arg12[%broadcast_in_dim3A_965, %broadcast_in_dim3A_973, %iota3A, %broadcast_in_dim3A_971] : memref<2x2x32x128xf32, #tpu.memory_space<vmem>>[vector<16xi32>, vector<16xi32>, vector<16xi32>, vector<16xi32>], vector<16xf32>,
      %gather3A_977 = tpu.vector_load_idx %arg12[%broadcast_in_dim3A_965, %broadcast_in_dim3A_973, %add3A_8, %broadcast_in_dim3A_971] : memref<2x2x32x128xf32, #tpu.memory_space<vmem>>[vector<16xi32>, vector<16xi32>, vector<16xi32>, vector<16xi32>], vector<16xf32>,
      %mul3A_978 = arith.mulf %gather3A_974, %gather3A_976 : vector<16xf32>
      %mul3A_979 = arith.mulf %gather3A_975, %gather3A_977 : vector<16xf32>
      %add3A_980 = arith.addf %mul3A_978, %mul3A_979 : vector<16xf32>
      %add3A_981 = arith.constant 8 : i32
      %add3A_982 = arith.addi %mul3A_112, %add3A_981 : i32
      %swap3A_983 = arith.index_cast %add3A_982 : i32 to index
      %swap3A_984 = arith.constant 0 : index
      %swap3A_985 = tpu.vector_load %arg13[%swap3A_983, %swap3A_984] {strides = array<i32>} : memref<512x16xf32, #tpu.memory_space<vmem>>, vector<16xf32>,
      tpu.vector_store %arg13[%swap3A_983, %swap3A_984], %add3A_980 {strides = array<i32>} : memref<512x16xf32, #tpu.memory_space<vmem>>, vector<16xf32>,
      %slice3A_986 = vector.extract_strided_slice %and3A_129 {offsets = [9], sizes = [1], strides = [1]} : vector<16xi32> to vector<1xi32>
      %squeeze3A_987 = vector.extract %slice3A_986[0] : i32 from vector<1xi32>
      %broadcast_in_dim3A_988 = vector.broadcast %squeeze3A_987 : i32 to vector<16xi32>
      %slice3A_989 = vector.extract_strided_slice %and3A_138 {offsets = [9], sizes = [1], strides = [1]} : vector<16xi32> to vector<1xi32>
      %squeeze3A_990 = vector.extract %slice3A_989[0] : i32 from vector<1xi32>
      %broadcast_in_dim3A_991 = vector.broadcast %squeeze3A_990 : i32 to vector<16xi32>
      %broadcast_in_dim3A_992 = arith.constant 1 : i32
      %broadcast_in_dim3A_993 = vector.broadcast %broadcast_in_dim3A_992 : i32 to vector<16xi32>
      %gather3A_994 = tpu.vector_load_idx %arg11[%broadcast_in_dim3A_965, %broadcast_in_dim3A_993, %iota3A, %broadcast_in_dim3A_988] : memref<2x2x32x128xf32, #tpu.memory_space<vmem>>[vector<16xi32>, vector<16xi32>, vector<16xi32>, vector<16xi32>], vector<16xf32>,
      %gather3A_995 = tpu.vector_load_idx %arg11[%broadcast_in_dim3A_965, %broadcast_in_dim3A_993, %add3A_8, %broadcast_in_dim3A_988] : memref<2x2x32x128xf32, #tpu.memory_space<vmem>>[vector<16xi32>, vector<16xi32>, vector<16xi32>, vector<16xi32>], vector<16xf32>,
      %gather3A_996 = tpu.vector_load_idx %arg12[%broadcast_in_dim3A_965, %broadcast_in_dim3A_993, %iota3A, %broadcast_in_dim3A_991] : memref<2x2x32x128xf32, #tpu.memory_space<vmem>>[vector<16xi32>, vector<16xi32>, vector<16xi32>, vector<16xi32>], vector<16xf32>,
      %gather3A_997 = tpu.vector_load_idx %arg12[%broadcast_in_dim3A_965, %broadcast_in_dim3A_993, %add3A_8, %broadcast_in_dim3A_991] : memref<2x2x32x128xf32, #tpu.memory_space<vmem>>[vector<16xi32>, vector<16xi32>, vector<16xi32>, vector<16xi32>], vector<16xf32>,
      %mul3A_998 = arith.mulf %gather3A_994, %gather3A_996 : vector<16xf32>
      %mul3A_999 = arith.mulf %gather3A_995, %gather3A_997 : vector<16xf32>
      %add3A_1000 = arith.addf %mul3A_998, %mul3A_999 : vector<16xf32>
      %add3A_1001 = arith.constant 9 : i32
      %add3A_1002 = arith.addi %mul3A_112, %add3A_1001 : i32
      %swap3A_1003 = arith.index_cast %add3A_1002 : i32 to index
      %swap3A_1004 = arith.constant 0 : index
      %swap3A_1005 = tpu.vector_load %arg13[%swap3A_1003, %swap3A_1004] {strides = array<i32>} : memref<512x16xf32, #tpu.memory_space<vmem>>, vector<16xf32>,
      tpu.vector_store %arg13[%swap3A_1003, %swap3A_1004], %add3A_1000 {strides = array<i32>} : memref<512x16xf32, #tpu.memory_space<vmem>>, vector<16xf32>,
      %slice3A_1006 = vector.extract_strided_slice %shift_left3A_126 {offsets = [12], sizes = [1], strides = [1]} : vector<16xi32> to vector<1xi32>
      %squeeze3A_1007 = vector.extract %slice3A_1006[0] : i32 from vector<1xi32>
      %multiple_of3A_1008 = tpu.assume_multiple %squeeze3A_1007, 128 : i32
      %slice3A_1009 = vector.extract_strided_slice %shift_left3A_135 {offsets = [12], sizes = [1], strides = [1]} : vector<16xi32> to vector<1xi32>
      %squeeze3A_1010 = vector.extract %slice3A_1009[0] : i32 from vector<1xi32>
      %multiple_of3A_1011 = tpu.assume_multiple %squeeze3A_1010, 128 : i32
      %dma_start3A_1012 = arith.constant 0 : i32
      %dma_start3A_1013 = arith.constant 0 : i32
      %dma_start3A_1014 = arith.constant 0 : i32
      %dma_start3A_1015 = arith.constant 0 : i32
      %dma_start3A_1016 = tpu.memref_slice %arg11[%dma_start3A_1012, %dma_start3A_1013, %dma_start3A_1014, %dma_start3A_1015] : memref<2x2x32x128xf32, #tpu.memory_space<vmem>> -> memref<1x1x32x128xf32, #tpu.memory_space<vmem>>
      %dma_start3A_1017 = tpu.memref_squeeze %dma_start3A_1016 : memref<1x1x32x128xf32, #tpu.memory_space<vmem>> -> memref<32x128xf32, #tpu.memory_space<vmem>>
      %dma_start3A_1018 = arith.constant 0 : i32
      %dma_start3A_1019 = tpu.memref_slice %arg4[%dma_start3A_1018, %multiple_of3A_1008] : memref<32x1000000xf32, #tpu.memory_space<hbm>> -> memref<32x128xf32, #tpu.memory_space<hbm>>
      %dma_start3A_1020 = arith.constant 0 : i32
      %dma_start3A_1021 = arith.constant 0 : i32
      %dma_start3A_1022 = tpu.memref_slice %arg11[%dma_start3A_1012, %dma_start3A_1013, %dma_start3A_1020, %dma_start3A_1021] : memref<2x2x32x128xf32, #tpu.memory_space<vmem>> -> memref<1x1x32x128xf32, #tpu.memory_space<vmem>>
      %dma_start3A_1023 = tpu.memref_squeeze %dma_start3A_1022 : memref<1x1x32x128xf32, #tpu.memory_space<vmem>> -> memref<32x128xf32, #tpu.memory_space<vmem>>
      %dma_start3A_1024 = arith.constant 0 : i32
      %dma_start3A_1025 = tpu.memref_slice %arg4[%dma_start3A_1024, %multiple_of3A_1008] : memref<32x1000000xf32, #tpu.memory_space<hbm>> -> memref<32x128xf32, #tpu.memory_space<hbm>>
      tpu.enqueue_dma source(%dma_start3A_1025 : memref<32x128xf32, #tpu.memory_space<hbm>>) target(%dma_start3A_1023 : memref<32x128xf32, #tpu.memory_space<vmem>>) target_semaphore(%arg17 : memref<!tpu.dma_semaphore, #tpu.memory_space<semaphore_mem>>)
      %dma_start3A_1026 = arith.constant 0 : i32
      %dma_start3A_1027 = arith.constant 0 : i32
      %dma_start3A_1028 = arith.constant 0 : i32
      %dma_start3A_1029 = arith.constant 0 : i32
      %dma_start3A_1030 = tpu.memref_slice %arg12[%dma_start3A_1026, %dma_start3A_1027, %dma_start3A_1028, %dma_start3A_1029] : memref<2x2x32x128xf32, #tpu.memory_space<vmem>> -> memref<1x1x32x128xf32, #tpu.memory_space<vmem>>
      %dma_start3A_1031 = tpu.memref_squeeze %dma_start3A_1030 : memref<1x1x32x128xf32, #tpu.memory_space<vmem>> -> memref<32x128xf32, #tpu.memory_space<vmem>>
      %dma_start3A_1032 = arith.constant 0 : i32
      %dma_start3A_1033 = tpu.memref_slice %arg5[%dma_start3A_1032, %multiple_of3A_1011] : memref<32x1000000xf32, #tpu.memory_space<hbm>> -> memref<32x128xf32, #tpu.memory_space<hbm>>
      %dma_start3A_1034 = arith.constant 0 : i32
      %dma_start3A_1035 = arith.constant 0 : i32
      %dma_start3A_1036 = tpu.memref_slice %arg12[%dma_start3A_1026, %dma_start3A_1027, %dma_start3A_1034, %dma_start3A_1035] : memref<2x2x32x128xf32, #tpu.memory_space<vmem>> -> memref<1x1x32x128xf32, #tpu.memory_space<vmem>>
      %dma_start3A_1037 = tpu.memref_squeeze %dma_start3A_1036 : memref<1x1x32x128xf32, #tpu.memory_space<vmem>> -> memref<32x128xf32, #tpu.memory_space<vmem>>
      %dma_start3A_1038 = arith.constant 0 : i32
      %dma_start3A_1039 = tpu.memref_slice %arg5[%dma_start3A_1038, %multiple_of3A_1011] : memref<32x1000000xf32, #tpu.memory_space<hbm>> -> memref<32x128xf32, #tpu.memory_space<hbm>>
      tpu.enqueue_dma source(%dma_start3A_1039 : memref<32x128xf32, #tpu.memory_space<hbm>>) target(%dma_start3A_1037 : memref<32x128xf32, #tpu.memory_space<vmem>>) target_semaphore(%arg18 : memref<!tpu.dma_semaphore, #tpu.memory_space<semaphore_mem>>)
      %slice3A_1040 = vector.extract_strided_slice %shift_left3A_126 {offsets = [13], sizes = [1], strides = [1]} : vector<16xi32> to vector<1xi32>
      %squeeze3A_1041 = vector.extract %slice3A_1040[0] : i32 from vector<1xi32>
      %multiple_of3A_1042 = tpu.assume_multiple %squeeze3A_1041, 128 : i32
      %slice3A_1043 = vector.extract_strided_slice %shift_left3A_135 {offsets = [13], sizes = [1], strides = [1]} : vector<16xi32> to vector<1xi32>
      %squeeze3A_1044 = vector.extract %slice3A_1043[0] : i32 from vector<1xi32>
      %multiple_of3A_1045 = tpu.assume_multiple %squeeze3A_1044, 128 : i32
      %dma_start3A_1046 = arith.constant 0 : i32
      %dma_start3A_1047 = arith.constant 1 : i32
      %dma_start3A_1048 = arith.constant 0 : i32
      %dma_start3A_1049 = arith.constant 0 : i32
      %dma_start3A_1050 = tpu.memref_slice %arg11[%dma_start3A_1046, %dma_start3A_1047, %dma_start3A_1048, %dma_start3A_1049] : memref<2x2x32x128xf32, #tpu.memory_space<vmem>> -> memref<1x1x32x128xf32, #tpu.memory_space<vmem>>
      %dma_start3A_1051 = tpu.memref_squeeze %dma_start3A_1050 : memref<1x1x32x128xf32, #tpu.memory_space<vmem>> -> memref<32x128xf32, #tpu.memory_space<vmem>>
      %dma_start3A_1052 = arith.constant 0 : i32
      %dma_start3A_1053 = tpu.memref_slice %arg4[%dma_start3A_1052, %multiple_of3A_1042] : memref<32x1000000xf32, #tpu.memory_space<hbm>> -> memref<32x128xf32, #tpu.memory_space<hbm>>
      %dma_start3A_1054 = arith.constant 0 : i32
      %dma_start3A_1055 = arith.constant 0 : i32
      %dma_start3A_1056 = tpu.memref_slice %arg11[%dma_start3A_1046, %dma_start3A_1047, %dma_start3A_1054, %dma_start3A_1055] : memref<2x2x32x128xf32, #tpu.memory_space<vmem>> -> memref<1x1x32x128xf32, #tpu.memory_space<vmem>>
      %dma_start3A_1057 = tpu.memref_squeeze %dma_start3A_1056 : memref<1x1x32x128xf32, #tpu.memory_space<vmem>> -> memref<32x128xf32, #tpu.memory_space<vmem>>
      %dma_start3A_1058 = arith.constant 0 : i32
      %dma_start3A_1059 = tpu.memref_slice %arg4[%dma_start3A_1058, %multiple_of3A_1042] : memref<32x1000000xf32, #tpu.memory_space<hbm>> -> memref<32x128xf32, #tpu.memory_space<hbm>>
      tpu.enqueue_dma source(%dma_start3A_1059 : memref<32x128xf32, #tpu.memory_space<hbm>>) target(%dma_start3A_1057 : memref<32x128xf32, #tpu.memory_space<vmem>>) target_semaphore(%arg17 : memref<!tpu.dma_semaphore, #tpu.memory_space<semaphore_mem>>)
      %dma_start3A_1060 = arith.constant 0 : i32
      %dma_start3A_1061 = arith.constant 1 : i32
      %dma_start3A_1062 = arith.constant 0 : i32
      %dma_start3A_1063 = arith.constant 0 : i32
      %dma_start3A_1064 = tpu.memref_slice %arg12[%dma_start3A_1060, %dma_start3A_1061, %dma_start3A_1062, %dma_start3A_1063] : memref<2x2x32x128xf32, #tpu.memory_space<vmem>> -> memref<1x1x32x128xf32, #tpu.memory_space<vmem>>
      %dma_start3A_1065 = tpu.memref_squeeze %dma_start3A_1064 : memref<1x1x32x128xf32, #tpu.memory_space<vmem>> -> memref<32x128xf32, #tpu.memory_space<vmem>>
      %dma_start3A_1066 = arith.constant 0 : i32
      %dma_start3A_1067 = tpu.memref_slice %arg5[%dma_start3A_1066, %multiple_of3A_1045] : memref<32x1000000xf32, #tpu.memory_space<hbm>> -> memref<32x128xf32, #tpu.memory_space<hbm>>
      %dma_start3A_1068 = arith.constant 0 : i32
      %dma_start3A_1069 = arith.constant 0 : i32
      %dma_start3A_1070 = tpu.memref_slice %arg12[%dma_start3A_1060, %dma_start3A_1061, %dma_start3A_1068, %dma_start3A_1069] : memref<2x2x32x128xf32, #tpu.memory_space<vmem>> -> memref<1x1x32x128xf32, #tpu.memory_space<vmem>>
      %dma_start3A_1071 = tpu.memref_squeeze %dma_start3A_1070 : memref<1x1x32x128xf32, #tpu.memory_space<vmem>> -> memref<32x128xf32, #tpu.memory_space<vmem>>
      %dma_start3A_1072 = arith.constant 0 : i32
      %dma_start3A_1073 = tpu.memref_slice %arg5[%dma_start3A_1072, %multiple_of3A_1045] : memref<32x1000000xf32, #tpu.memory_space<hbm>> -> memref<32x128xf32, #tpu.memory_space<hbm>>
      tpu.enqueue_dma source(%dma_start3A_1073 : memref<32x128xf32, #tpu.memory_space<hbm>>) target(%dma_start3A_1071 : memref<32x128xf32, #tpu.memory_space<vmem>>) target_semaphore(%arg18 : memref<!tpu.dma_semaphore, #tpu.memory_space<semaphore_mem>>)
      %dma_wait3A_1074 = arith.constant 1 : i32
      %dma_wait3A_1075 = arith.constant 0 : i32
      %dma_wait3A_1076 = arith.constant 0 : i32
      %dma_wait3A_1077 = arith.constant 0 : i32
      %dma_wait3A_1078 = tpu.memref_slice %arg11[%dma_wait3A_1074, %dma_wait3A_1075, %dma_wait3A_1076, %dma_wait3A_1077] : memref<2x2x32x128xf32, #tpu.memory_space<vmem>> -> memref<1x1x32x128xf32, #tpu.memory_space<vmem>>
      %dma_wait3A_1079 = tpu.memref_squeeze %dma_wait3A_1078 : memref<1x1x32x128xf32, #tpu.memory_space<vmem>> -> memref<32x128xf32, #tpu.memory_space<vmem>>
      %dma_wait3A_1080 = arith.constant 0 : i32
      %dma_wait3A_1081 = arith.constant 0 : i32
      %dma_wait3A_1082 = tpu.memref_slice %arg4[%dma_wait3A_1080, %dma_wait3A_1081] : memref<32x1000000xf32, #tpu.memory_space<hbm>> -> memref<32x128xf32, #tpu.memory_space<hbm>>
      %dma_wait3A_1083 = arith.constant 0 : i32
      %dma_wait3A_1084 = arith.constant 0 : i32
      %dma_wait3A_1085 = tpu.memref_slice %arg11[%dma_wait3A_1074, %dma_wait3A_1075, %dma_wait3A_1083, %dma_wait3A_1084] : memref<2x2x32x128xf32, #tpu.memory_space<vmem>> -> memref<1x1x32x128xf32, #tpu.memory_space<vmem>>
      %dma_wait3A_1086 = tpu.memref_squeeze %dma_wait3A_1085 : memref<1x1x32x128xf32, #tpu.memory_space<vmem>> -> memref<32x128xf32, #tpu.memory_space<vmem>>
      %dma_wait3A_1087 = arith.constant 0 : i32
      %dma_wait3A_1088 = arith.constant 0 : i32
      %dma_wait3A_1089 = tpu.memref_slice %arg4[%dma_wait3A_1087, %dma_wait3A_1088] : memref<32x1000000xf32, #tpu.memory_space<hbm>> -> memref<32x128xf32, #tpu.memory_space<hbm>>
      tpu.wait_dma2 semaphore(%arg19 : memref<!tpu.dma_semaphore, #tpu.memory_space<semaphore_mem>>) src(%dma_wait3A_1089 : memref<32x128xf32, #tpu.memory_space<hbm>>) dst(%dma_wait3A_1086 : memref<32x128xf32, #tpu.memory_space<vmem>>)
      %dma_wait3A_1090 = arith.constant 1 : i32
      %dma_wait3A_1091 = arith.constant 0 : i32
      %dma_wait3A_1092 = arith.constant 0 : i32
      %dma_wait3A_1093 = arith.constant 0 : i32
      %dma_wait3A_1094 = tpu.memref_slice %arg12[%dma_wait3A_1090, %dma_wait3A_1091, %dma_wait3A_1092, %dma_wait3A_1093] : memref<2x2x32x128xf32, #tpu.memory_space<vmem>> -> memref<1x1x32x128xf32, #tpu.memory_space<vmem>>
      %dma_wait3A_1095 = tpu.memref_squeeze %dma_wait3A_1094 : memref<1x1x32x128xf32, #tpu.memory_space<vmem>> -> memref<32x128xf32, #tpu.memory_space<vmem>>
      %dma_wait3A_1096 = arith.constant 0 : i32
      %dma_wait3A_1097 = arith.constant 0 : i32
      %dma_wait3A_1098 = tpu.memref_slice %arg5[%dma_wait3A_1096, %dma_wait3A_1097] : memref<32x1000000xf32, #tpu.memory_space<hbm>> -> memref<32x128xf32, #tpu.memory_space<hbm>>
      %dma_wait3A_1099 = arith.constant 0 : i32
      %dma_wait3A_1100 = arith.constant 0 : i32
      %dma_wait3A_1101 = tpu.memref_slice %arg12[%dma_wait3A_1090, %dma_wait3A_1091, %dma_wait3A_1099, %dma_wait3A_1100] : memref<2x2x32x128xf32, #tpu.memory_space<vmem>> -> memref<1x1x32x128xf32, #tpu.memory_space<vmem>>
      %dma_wait3A_1102 = tpu.memref_squeeze %dma_wait3A_1101 : memref<1x1x32x128xf32, #tpu.memory_space<vmem>> -> memref<32x128xf32, #tpu.memory_space<vmem>>
      %dma_wait3A_1103 = arith.constant 0 : i32
      %dma_wait3A_1104 = arith.constant 0 : i32
      %dma_wait3A_1105 = tpu.memref_slice %arg5[%dma_wait3A_1103, %dma_wait3A_1104] : memref<32x1000000xf32, #tpu.memory_space<hbm>> -> memref<32x128xf32, #tpu.memory_space<hbm>>
      tpu.wait_dma2 semaphore(%arg20 : memref<!tpu.dma_semaphore, #tpu.memory_space<semaphore_mem>>) src(%dma_wait3A_1105 : memref<32x128xf32, #tpu.memory_space<hbm>>) dst(%dma_wait3A_1102 : memref<32x128xf32, #tpu.memory_space<vmem>>)
      %dma_wait3A_1106 = arith.constant 1 : i32
      %dma_wait3A_1107 = arith.constant 1 : i32
      %dma_wait3A_1108 = arith.constant 0 : i32
      %dma_wait3A_1109 = arith.constant 0 : i32
      %dma_wait3A_1110 = tpu.memref_slice %arg11[%dma_wait3A_1106, %dma_wait3A_1107, %dma_wait3A_1108, %dma_wait3A_1109] : memref<2x2x32x128xf32, #tpu.memory_space<vmem>> -> memref<1x1x32x128xf32, #tpu.memory_space<vmem>>
      %dma_wait3A_1111 = tpu.memref_squeeze %dma_wait3A_1110 : memref<1x1x32x128xf32, #tpu.memory_space<vmem>> -> memref<32x128xf32, #tpu.memory_space<vmem>>
      %dma_wait3A_1112 = arith.constant 0 : i32
      %dma_wait3A_1113 = arith.constant 0 : i32
      %dma_wait3A_1114 = tpu.memref_slice %arg4[%dma_wait3A_1112, %dma_wait3A_1113] : memref<32x1000000xf32, #tpu.memory_space<hbm>> -> memref<32x128xf32, #tpu.memory_space<hbm>>
      %dma_wait3A_1115 = arith.constant 0 : i32
      %dma_wait3A_1116 = arith.constant 0 : i32
      %dma_wait3A_1117 = tpu.memref_slice %arg11[%dma_wait3A_1106, %dma_wait3A_1107, %dma_wait3A_1115, %dma_wait3A_1116] : memref<2x2x32x128xf32, #tpu.memory_space<vmem>> -> memref<1x1x32x128xf32, #tpu.memory_space<vmem>>
      %dma_wait3A_1118 = tpu.memref_squeeze %dma_wait3A_1117 : memref<1x1x32x128xf32, #tpu.memory_space<vmem>> -> memref<32x128xf32, #tpu.memory_space<vmem>>
      %dma_wait3A_1119 = arith.constant 0 : i32
      %dma_wait3A_1120 = arith.constant 0 : i32
      %dma_wait3A_1121 = tpu.memref_slice %arg4[%dma_wait3A_1119, %dma_wait3A_1120] : memref<32x1000000xf32, #tpu.memory_space<hbm>> -> memref<32x128xf32, #tpu.memory_space<hbm>>
      tpu.wait_dma2 semaphore(%arg19 : memref<!tpu.dma_semaphore, #tpu.memory_space<semaphore_mem>>) src(%dma_wait3A_1121 : memref<32x128xf32, #tpu.memory_space<hbm>>) dst(%dma_wait3A_1118 : memref<32x128xf32, #tpu.memory_space<vmem>>)
      %dma_wait3A_1122 = arith.constant 1 : i32
      %dma_wait3A_1123 = arith.constant 1 : i32
      %dma_wait3A_1124 = arith.constant 0 : i32
      %dma_wait3A_1125 = arith.constant 0 : i32
      %dma_wait3A_1126 = tpu.memref_slice %arg12[%dma_wait3A_1122, %dma_wait3A_1123, %dma_wait3A_1124, %dma_wait3A_1125] : memref<2x2x32x128xf32, #tpu.memory_space<vmem>> -> memref<1x1x32x128xf32, #tpu.memory_space<vmem>>
      %dma_wait3A_1127 = tpu.memref_squeeze %dma_wait3A_1126 : memref<1x1x32x128xf32, #tpu.memory_space<vmem>> -> memref<32x128xf32, #tpu.memory_space<vmem>>
      %dma_wait3A_1128 = arith.constant 0 : i32
      %dma_wait3A_1129 = arith.constant 0 : i32
      %dma_wait3A_1130 = tpu.memref_slice %arg5[%dma_wait3A_1128, %dma_wait3A_1129] : memref<32x1000000xf32, #tpu.memory_space<hbm>> -> memref<32x128xf32, #tpu.memory_space<hbm>>
      %dma_wait3A_1131 = arith.constant 0 : i32
      %dma_wait3A_1132 = arith.constant 0 : i32
      %dma_wait3A_1133 = tpu.memref_slice %arg12[%dma_wait3A_1122, %dma_wait3A_1123, %dma_wait3A_1131, %dma_wait3A_1132] : memref<2x2x32x128xf32, #tpu.memory_space<vmem>> -> memref<1x1x32x128xf32, #tpu.memory_space<vmem>>
      %dma_wait3A_1134 = tpu.memref_squeeze %dma_wait3A_1133 : memref<1x1x32x128xf32, #tpu.memory_space<vmem>> -> memref<32x128xf32, #tpu.memory_space<vmem>>
      %dma_wait3A_1135 = arith.constant 0 : i32
      %dma_wait3A_1136 = arith.constant 0 : i32
      %dma_wait3A_1137 = tpu.memref_slice %arg5[%dma_wait3A_1135, %dma_wait3A_1136] : memref<32x1000000xf32, #tpu.memory_space<hbm>> -> memref<32x128xf32, #tpu.memory_space<hbm>>
      tpu.wait_dma2 semaphore(%arg20 : memref<!tpu.dma_semaphore, #tpu.memory_space<semaphore_mem>>) src(%dma_wait3A_1137 : memref<32x128xf32, #tpu.memory_space<hbm>>) dst(%dma_wait3A_1134 : memref<32x128xf32, #tpu.memory_space<vmem>>)
      %broadcast_in_dim3A_1138 = arith.constant 1 : i32
      %broadcast_in_dim3A_1139 = vector.broadcast %broadcast_in_dim3A_1138 : i32 to vector<16xi32>
      %slice3A_1140 = vector.extract_strided_slice %and3A_129 {offsets = [10], sizes = [1], strides = [1]} : vector<16xi32> to vector<1xi32>
      %squeeze3A_1141 = vector.extract %slice3A_1140[0] : i32 from vector<1xi32>
      %broadcast_in_dim3A_1142 = vector.broadcast %squeeze3A_1141 : i32 to vector<16xi32>
      %slice3A_1143 = vector.extract_strided_slice %and3A_138 {offsets = [10], sizes = [1], strides = [1]} : vector<16xi32> to vector<1xi32>
      %squeeze3A_1144 = vector.extract %slice3A_1143[0] : i32 from vector<1xi32>
      %broadcast_in_dim3A_1145 = vector.broadcast %squeeze3A_1144 : i32 to vector<16xi32>
      %broadcast_in_dim3A_1146 = arith.constant 0 : i32
      %broadcast_in_dim3A_1147 = vector.broadcast %broadcast_in_dim3A_1146 : i32 to vector<16xi32>
      %gather3A_1148 = tpu.vector_load_idx %arg11[%broadcast_in_dim3A_1139, %broadcast_in_dim3A_1147, %iota3A, %broadcast_in_dim3A_1142] : memref<2x2x32x128xf32, #tpu.memory_space<vmem>>[vector<16xi32>, vector<16xi32>, vector<16xi32>, vector<16xi32>], vector<16xf32>,
      %gather3A_1149 = tpu.vector_load_idx %arg11[%broadcast_in_dim3A_1139, %broadcast_in_dim3A_1147, %add3A_8, %broadcast_in_dim3A_1142] : memref<2x2x32x128xf32, #tpu.memory_space<vmem>>[vector<16xi32>, vector<16xi32>, vector<16xi32>, vector<16xi32>], vector<16xf32>,
      %gather3A_1150 = tpu.vector_load_idx %arg12[%broadcast_in_dim3A_1139, %broadcast_in_dim3A_1147, %iota3A, %broadcast_in_dim3A_1145] : memref<2x2x32x128xf32, #tpu.memory_space<vmem>>[vector<16xi32>, vector<16xi32>, vector<16xi32>, vector<16xi32>], vector<16xf32>,
      %gather3A_1151 = tpu.vector_load_idx %arg12[%broadcast_in_dim3A_1139, %broadcast_in_dim3A_1147, %add3A_8, %broadcast_in_dim3A_1145] : memref<2x2x32x128xf32, #tpu.memory_space<vmem>>[vector<16xi32>, vector<16xi32>, vector<16xi32>, vector<16xi32>], vector<16xf32>,
      %mul3A_1152 = arith.mulf %gather3A_1148, %gather3A_1150 : vector<16xf32>
      %mul3A_1153 = arith.mulf %gather3A_1149, %gather3A_1151 : vector<16xf32>
      %add3A_1154 = arith.addf %mul3A_1152, %mul3A_1153 : vector<16xf32>
      %add3A_1155 = arith.constant 10 : i32
      %add3A_1156 = arith.addi %mul3A_112, %add3A_1155 : i32
      %swap3A_1157 = arith.index_cast %add3A_1156 : i32 to index
      %swap3A_1158 = arith.constant 0 : index
      %swap3A_1159 = tpu.vector_load %arg13[%swap3A_1157, %swap3A_1158] {strides = array<i32>} : memref<512x16xf32, #tpu.memory_space<vmem>>, vector<16xf32>,
      tpu.vector_store %arg13[%swap3A_1157, %swap3A_1158], %add3A_1154 {strides = array<i32>} : memref<512x16xf32, #tpu.memory_space<vmem>>, vector<16xf32>,
      %slice3A_1160 = vector.extract_strided_slice %and3A_129 {offsets = [11], sizes = [1], strides = [1]} : vector<16xi32> to vector<1xi32>
      %squeeze3A_1161 = vector.extract %slice3A_1160[0] : i32 from vector<1xi32>
      %broadcast_in_dim3A_1162 = vector.broadcast %squeeze3A_1161 : i32 to vector<16xi32>
      %slice3A_1163 = vector.extract_strided_slice %and3A_138 {offsets = [11], sizes = [1], strides = [1]} : vector<16xi32> to vector<1xi32>
      %squeeze3A_1164 = vector.extract %slice3A_1163[0] : i32 from vector<1xi32>
      %broadcast_in_dim3A_1165 = vector.broadcast %squeeze3A_1164 : i32 to vector<16xi32>
      %broadcast_in_dim3A_1166 = arith.constant 1 : i32
      %broadcast_in_dim3A_1167 = vector.broadcast %broadcast_in_dim3A_1166 : i32 to vector<16xi32>
      %gather3A_1168 = tpu.vector_load_idx %arg11[%broadcast_in_dim3A_1139, %broadcast_in_dim3A_1167, %iota3A, %broadcast_in_dim3A_1162] : memref<2x2x32x128xf32, #tpu.memory_space<vmem>>[vector<16xi32>, vector<16xi32>, vector<16xi32>, vector<16xi32>], vector<16xf32>,
      %gather3A_1169 = tpu.vector_load_idx %arg11[%broadcast_in_dim3A_1139, %broadcast_in_dim3A_1167, %add3A_8, %broadcast_in_dim3A_1162] : memref<2x2x32x128xf32, #tpu.memory_space<vmem>>[vector<16xi32>, vector<16xi32>, vector<16xi32>, vector<16xi32>], vector<16xf32>,
      %gather3A_1170 = tpu.vector_load_idx %arg12[%broadcast_in_dim3A_1139, %broadcast_in_dim3A_1167, %iota3A, %broadcast_in_dim3A_1165] : memref<2x2x32x128xf32, #tpu.memory_space<vmem>>[vector<16xi32>, vector<16xi32>, vector<16xi32>, vector<16xi32>], vector<16xf32>,
      %gather3A_1171 = tpu.vector_load_idx %arg12[%broadcast_in_dim3A_1139, %broadcast_in_dim3A_1167, %add3A_8, %broadcast_in_dim3A_1165] : memref<2x2x32x128xf32, #tpu.memory_space<vmem>>[vector<16xi32>, vector<16xi32>, vector<16xi32>, vector<16xi32>], vector<16xf32>,
      %mul3A_1172 = arith.mulf %gather3A_1168, %gather3A_1170 : vector<16xf32>
      %mul3A_1173 = arith.mulf %gather3A_1169, %gather3A_1171 : vector<16xf32>
      %add3A_1174 = arith.addf %mul3A_1172, %mul3A_1173 : vector<16xf32>
      %add3A_1175 = arith.constant 11 : i32
      %add3A_1176 = arith.addi %mul3A_112, %add3A_1175 : i32
      %swap3A_1177 = arith.index_cast %add3A_1176 : i32 to index
      %swap3A_1178 = arith.constant 0 : index
      %swap3A_1179 = tpu.vector_load %arg13[%swap3A_1177, %swap3A_1178] {strides = array<i32>} : memref<512x16xf32, #tpu.memory_space<vmem>>, vector<16xf32>,
      tpu.vector_store %arg13[%swap3A_1177, %swap3A_1178], %add3A_1174 {strides = array<i32>} : memref<512x16xf32, #tpu.memory_space<vmem>>, vector<16xf32>,
      %slice3A_1180 = vector.extract_strided_slice %shift_left3A_126 {offsets = [14], sizes = [1], strides = [1]} : vector<16xi32> to vector<1xi32>
      %squeeze3A_1181 = vector.extract %slice3A_1180[0] : i32 from vector<1xi32>
      %multiple_of3A_1182 = tpu.assume_multiple %squeeze3A_1181, 128 : i32
      %slice3A_1183 = vector.extract_strided_slice %shift_left3A_135 {offsets = [14], sizes = [1], strides = [1]} : vector<16xi32> to vector<1xi32>
      %squeeze3A_1184 = vector.extract %slice3A_1183[0] : i32 from vector<1xi32>
      %multiple_of3A_1185 = tpu.assume_multiple %squeeze3A_1184, 128 : i32
      %dma_start3A_1186 = arith.constant 1 : i32
      %dma_start3A_1187 = arith.constant 0 : i32
      %dma_start3A_1188 = arith.constant 0 : i32
      %dma_start3A_1189 = arith.constant 0 : i32
      %dma_start3A_1190 = tpu.memref_slice %arg11[%dma_start3A_1186, %dma_start3A_1187, %dma_start3A_1188, %dma_start3A_1189] : memref<2x2x32x128xf32, #tpu.memory_space<vmem>> -> memref<1x1x32x128xf32, #tpu.memory_space<vmem>>
      %dma_start3A_1191 = tpu.memref_squeeze %dma_start3A_1190 : memref<1x1x32x128xf32, #tpu.memory_space<vmem>> -> memref<32x128xf32, #tpu.memory_space<vmem>>
      %dma_start3A_1192 = arith.constant 0 : i32
      %dma_start3A_1193 = tpu.memref_slice %arg4[%dma_start3A_1192, %multiple_of3A_1182] : memref<32x1000000xf32, #tpu.memory_space<hbm>> -> memref<32x128xf32, #tpu.memory_space<hbm>>
      %dma_start3A_1194 = arith.constant 0 : i32
      %dma_start3A_1195 = arith.constant 0 : i32
      %dma_start3A_1196 = tpu.memref_slice %arg11[%dma_start3A_1186, %dma_start3A_1187, %dma_start3A_1194, %dma_start3A_1195] : memref<2x2x32x128xf32, #tpu.memory_space<vmem>> -> memref<1x1x32x128xf32, #tpu.memory_space<vmem>>
      %dma_start3A_1197 = tpu.memref_squeeze %dma_start3A_1196 : memref<1x1x32x128xf32, #tpu.memory_space<vmem>> -> memref<32x128xf32, #tpu.memory_space<vmem>>
      %dma_start3A_1198 = arith.constant 0 : i32
      %dma_start3A_1199 = tpu.memref_slice %arg4[%dma_start3A_1198, %multiple_of3A_1182] : memref<32x1000000xf32, #tpu.memory_space<hbm>> -> memref<32x128xf32, #tpu.memory_space<hbm>>
      tpu.enqueue_dma source(%dma_start3A_1199 : memref<32x128xf32, #tpu.memory_space<hbm>>) target(%dma_start3A_1197 : memref<32x128xf32, #tpu.memory_space<vmem>>) target_semaphore(%arg19 : memref<!tpu.dma_semaphore, #tpu.memory_space<semaphore_mem>>)
      %dma_start3A_1200 = arith.constant 1 : i32
      %dma_start3A_1201 = arith.constant 0 : i32
      %dma_start3A_1202 = arith.constant 0 : i32
      %dma_start3A_1203 = arith.constant 0 : i32
      %dma_start3A_1204 = tpu.memref_slice %arg12[%dma_start3A_1200, %dma_start3A_1201, %dma_start3A_1202, %dma_start3A_1203] : memref<2x2x32x128xf32, #tpu.memory_space<vmem>> -> memref<1x1x32x128xf32, #tpu.memory_space<vmem>>
      %dma_start3A_1205 = tpu.memref_squeeze %dma_start3A_1204 : memref<1x1x32x128xf32, #tpu.memory_space<vmem>> -> memref<32x128xf32, #tpu.memory_space<vmem>>
      %dma_start3A_1206 = arith.constant 0 : i32
      %dma_start3A_1207 = tpu.memref_slice %arg5[%dma_start3A_1206, %multiple_of3A_1185] : memref<32x1000000xf32, #tpu.memory_space<hbm>> -> memref<32x128xf32, #tpu.memory_space<hbm>>
      %dma_start3A_1208 = arith.constant 0 : i32
      %dma_start3A_1209 = arith.constant 0 : i32
      %dma_start3A_1210 = tpu.memref_slice %arg12[%dma_start3A_1200, %dma_start3A_1201, %dma_start3A_1208, %dma_start3A_1209] : memref<2x2x32x128xf32, #tpu.memory_space<vmem>> -> memref<1x1x32x128xf32, #tpu.memory_space<vmem>>
      %dma_start3A_1211 = tpu.memref_squeeze %dma_start3A_1210 : memref<1x1x32x128xf32, #tpu.memory_space<vmem>> -> memref<32x128xf32, #tpu.memory_space<vmem>>
      %dma_start3A_1212 = arith.constant 0 : i32
      %dma_start3A_1213 = tpu.memref_slice %arg5[%dma_start3A_1212, %multiple_of3A_1185] : memref<32x1000000xf32, #tpu.memory_space<hbm>> -> memref<32x128xf32, #tpu.memory_space<hbm>>
      tpu.enqueue_dma source(%dma_start3A_1213 : memref<32x128xf32, #tpu.memory_space<hbm>>) target(%dma_start3A_1211 : memref<32x128xf32, #tpu.memory_space<vmem>>) target_semaphore(%arg20 : memref<!tpu.dma_semaphore, #tpu.memory_space<semaphore_mem>>)
      %slice3A_1214 = vector.extract_strided_slice %shift_left3A_126 {offsets = [15], sizes = [1], strides = [1]} : vector<16xi32> to vector<1xi32>
      %squeeze3A_1215 = vector.extract %slice3A_1214[0] : i32 from vector<1xi32>
      %multiple_of3A_1216 = tpu.assume_multiple %squeeze3A_1215, 128 : i32
      %slice3A_1217 = vector.extract_strided_slice %shift_left3A_135 {offsets = [15], sizes = [1], strides = [1]} : vector<16xi32> to vector<1xi32>
      %squeeze3A_1218 = vector.extract %slice3A_1217[0] : i32 from vector<1xi32>
      %multiple_of3A_1219 = tpu.assume_multiple %squeeze3A_1218, 128 : i32
      %dma_start3A_1220 = arith.constant 1 : i32
      %dma_start3A_1221 = arith.constant 1 : i32
      %dma_start3A_1222 = arith.constant 0 : i32
      %dma_start3A_1223 = arith.constant 0 : i32
      %dma_start3A_1224 = tpu.memref_slice %arg11[%dma_start3A_1220, %dma_start3A_1221, %dma_start3A_1222, %dma_start3A_1223] : memref<2x2x32x128xf32, #tpu.memory_space<vmem>> -> memref<1x1x32x128xf32, #tpu.memory_space<vmem>>
      %dma_start3A_1225 = tpu.memref_squeeze %dma_start3A_1224 : memref<1x1x32x128xf32, #tpu.memory_space<vmem>> -> memref<32x128xf32, #tpu.memory_space<vmem>>
      %dma_start3A_1226 = arith.constant 0 : i32
      %dma_start3A_1227 = tpu.memref_slice %arg4[%dma_start3A_1226, %multiple_of3A_1216] : memref<32x1000000xf32, #tpu.memory_space<hbm>> -> memref<32x128xf32, #tpu.memory_space<hbm>>
      %dma_start3A_1228 = arith.constant 0 : i32
      %dma_start3A_1229 = arith.constant 0 : i32
      %dma_start3A_1230 = tpu.memref_slice %arg11[%dma_start3A_1220, %dma_start3A_1221, %dma_start3A_1228, %dma_start3A_1229] : memref<2x2x32x128xf32, #tpu.memory_space<vmem>> -> memref<1x1x32x128xf32, #tpu.memory_space<vmem>>
      %dma_start3A_1231 = tpu.memref_squeeze %dma_start3A_1230 : memref<1x1x32x128xf32, #tpu.memory_space<vmem>> -> memref<32x128xf32, #tpu.memory_space<vmem>>
      %dma_start3A_1232 = arith.constant 0 : i32
      %dma_start3A_1233 = tpu.memref_slice %arg4[%dma_start3A_1232, %multiple_of3A_1216] : memref<32x1000000xf32, #tpu.memory_space<hbm>> -> memref<32x128xf32, #tpu.memory_space<hbm>>
      tpu.enqueue_dma source(%dma_start3A_1233 : memref<32x128xf32, #tpu.memory_space<hbm>>) target(%dma_start3A_1231 : memref<32x128xf32, #tpu.memory_space<vmem>>) target_semaphore(%arg19 : memref<!tpu.dma_semaphore, #tpu.memory_space<semaphore_mem>>)
      %dma_start3A_1234 = arith.constant 1 : i32
      %dma_start3A_1235 = arith.constant 1 : i32
      %dma_start3A_1236 = arith.constant 0 : i32
      %dma_start3A_1237 = arith.constant 0 : i32
      %dma_start3A_1238 = tpu.memref_slice %arg12[%dma_start3A_1234, %dma_start3A_1235, %dma_start3A_1236, %dma_start3A_1237] : memref<2x2x32x128xf32, #tpu.memory_space<vmem>> -> memref<1x1x32x128xf32, #tpu.memory_space<vmem>>
      %dma_start3A_1239 = tpu.memref_squeeze %dma_start3A_1238 : memref<1x1x32x128xf32, #tpu.memory_space<vmem>> -> memref<32x128xf32, #tpu.memory_space<vmem>>
      %dma_start3A_1240 = arith.constant 0 : i32
      %dma_start3A_1241 = tpu.memref_slice %arg5[%dma_start3A_1240, %multiple_of3A_1219] : memref<32x1000000xf32, #tpu.memory_space<hbm>> -> memref<32x128xf32, #tpu.memory_space<hbm>>
      %dma_start3A_1242 = arith.constant 0 : i32
      %dma_start3A_1243 = arith.constant 0 : i32
      %dma_start3A_1244 = tpu.memref_slice %arg12[%dma_start3A_1234, %dma_start3A_1235, %dma_start3A_1242, %dma_start3A_1243] : memref<2x2x32x128xf32, #tpu.memory_space<vmem>> -> memref<1x1x32x128xf32, #tpu.memory_space<vmem>>
      %dma_start3A_1245 = tpu.memref_squeeze %dma_start3A_1244 : memref<1x1x32x128xf32, #tpu.memory_space<vmem>> -> memref<32x128xf32, #tpu.memory_space<vmem>>
      %dma_start3A_1246 = arith.constant 0 : i32
      %dma_start3A_1247 = tpu.memref_slice %arg5[%dma_start3A_1246, %multiple_of3A_1219] : memref<32x1000000xf32, #tpu.memory_space<hbm>> -> memref<32x128xf32, #tpu.memory_space<hbm>>
      tpu.enqueue_dma source(%dma_start3A_1247 : memref<32x128xf32, #tpu.memory_space<hbm>>) target(%dma_start3A_1245 : memref<32x128xf32, #tpu.memory_space<vmem>>) target_semaphore(%arg20 : memref<!tpu.dma_semaphore, #tpu.memory_space<semaphore_mem>>)
      %dma_wait3A_1248 = arith.constant 0 : i32
      %dma_wait3A_1249 = arith.constant 0 : i32
      %dma_wait3A_1250 = arith.constant 0 : i32
      %dma_wait3A_1251 = arith.constant 0 : i32
      %dma_wait3A_1252 = tpu.memref_slice %arg11[%dma_wait3A_1248, %dma_wait3A_1249, %dma_wait3A_1250, %dma_wait3A_1251] : memref<2x2x32x128xf32, #tpu.memory_space<vmem>> -> memref<1x1x32x128xf32, #tpu.memory_space<vmem>>
      %dma_wait3A_1253 = tpu.memref_squeeze %dma_wait3A_1252 : memref<1x1x32x128xf32, #tpu.memory_space<vmem>> -> memref<32x128xf32, #tpu.memory_space<vmem>>
      %dma_wait3A_1254 = arith.constant 0 : i32
      %dma_wait3A_1255 = arith.constant 0 : i32
      %dma_wait3A_1256 = tpu.memref_slice %arg4[%dma_wait3A_1254, %dma_wait3A_1255] : memref<32x1000000xf32, #tpu.memory_space<hbm>> -> memref<32x128xf32, #tpu.memory_space<hbm>>
      %dma_wait3A_1257 = arith.constant 0 : i32
      %dma_wait3A_1258 = arith.constant 0 : i32
      %dma_wait3A_1259 = tpu.memref_slice %arg11[%dma_wait3A_1248, %dma_wait3A_1249, %dma_wait3A_1257, %dma_wait3A_1258] : memref<2x2x32x128xf32, #tpu.memory_space<vmem>> -> memref<1x1x32x128xf32, #tpu.memory_space<vmem>>
      %dma_wait3A_1260 = tpu.memref_squeeze %dma_wait3A_1259 : memref<1x1x32x128xf32, #tpu.memory_space<vmem>> -> memref<32x128xf32, #tpu.memory_space<vmem>>
      %dma_wait3A_1261 = arith.constant 0 : i32
      %dma_wait3A_1262 = arith.constant 0 : i32
      %dma_wait3A_1263 = tpu.memref_slice %arg4[%dma_wait3A_1261, %dma_wait3A_1262] : memref<32x1000000xf32, #tpu.memory_space<hbm>> -> memref<32x128xf32, #tpu.memory_space<hbm>>
      tpu.wait_dma2 semaphore(%arg17 : memref<!tpu.dma_semaphore, #tpu.memory_space<semaphore_mem>>) src(%dma_wait3A_1263 : memref<32x128xf32, #tpu.memory_space<hbm>>) dst(%dma_wait3A_1260 : memref<32x128xf32, #tpu.memory_space<vmem>>)
      %dma_wait3A_1264 = arith.constant 0 : i32
      %dma_wait3A_1265 = arith.constant 0 : i32
      %dma_wait3A_1266 = arith.constant 0 : i32
      %dma_wait3A_1267 = arith.constant 0 : i32
      %dma_wait3A_1268 = tpu.memref_slice %arg12[%dma_wait3A_1264, %dma_wait3A_1265, %dma_wait3A_1266, %dma_wait3A_1267] : memref<2x2x32x128xf32, #tpu.memory_space<vmem>> -> memref<1x1x32x128xf32, #tpu.memory_space<vmem>>
      %dma_wait3A_1269 = tpu.memref_squeeze %dma_wait3A_1268 : memref<1x1x32x128xf32, #tpu.memory_space<vmem>> -> memref<32x128xf32, #tpu.memory_space<vmem>>
      %dma_wait3A_1270 = arith.constant 0 : i32
      %dma_wait3A_1271 = arith.constant 0 : i32
      %dma_wait3A_1272 = tpu.memref_slice %arg5[%dma_wait3A_1270, %dma_wait3A_1271] : memref<32x1000000xf32, #tpu.memory_space<hbm>> -> memref<32x128xf32, #tpu.memory_space<hbm>>
      %dma_wait3A_1273 = arith.constant 0 : i32
      %dma_wait3A_1274 = arith.constant 0 : i32
      %dma_wait3A_1275 = tpu.memref_slice %arg12[%dma_wait3A_1264, %dma_wait3A_1265, %dma_wait3A_1273, %dma_wait3A_1274] : memref<2x2x32x128xf32, #tpu.memory_space<vmem>> -> memref<1x1x32x128xf32, #tpu.memory_space<vmem>>
      %dma_wait3A_1276 = tpu.memref_squeeze %dma_wait3A_1275 : memref<1x1x32x128xf32, #tpu.memory_space<vmem>> -> memref<32x128xf32, #tpu.memory_space<vmem>>
      %dma_wait3A_1277 = arith.constant 0 : i32
      %dma_wait3A_1278 = arith.constant 0 : i32
      %dma_wait3A_1279 = tpu.memref_slice %arg5[%dma_wait3A_1277, %dma_wait3A_1278] : memref<32x1000000xf32, #tpu.memory_space<hbm>> -> memref<32x128xf32, #tpu.memory_space<hbm>>
      tpu.wait_dma2 semaphore(%arg18 : memref<!tpu.dma_semaphore, #tpu.memory_space<semaphore_mem>>) src(%dma_wait3A_1279 : memref<32x128xf32, #tpu.memory_space<hbm>>) dst(%dma_wait3A_1276 : memref<32x128xf32, #tpu.memory_space<vmem>>)
      %dma_wait3A_1280 = arith.constant 0 : i32
      %dma_wait3A_1281 = arith.constant 1 : i32
      %dma_wait3A_1282 = arith.constant 0 : i32
      %dma_wait3A_1283 = arith.constant 0 : i32
      %dma_wait3A_1284 = tpu.memref_slice %arg11[%dma_wait3A_1280, %dma_wait3A_1281, %dma_wait3A_1282, %dma_wait3A_1283] : memref<2x2x32x128xf32, #tpu.memory_space<vmem>> -> memref<1x1x32x128xf32, #tpu.memory_space<vmem>>
      %dma_wait3A_1285 = tpu.memref_squeeze %dma_wait3A_1284 : memref<1x1x32x128xf32, #tpu.memory_space<vmem>> -> memref<32x128xf32, #tpu.memory_space<vmem>>
      %dma_wait3A_1286 = arith.constant 0 : i32
      %dma_wait3A_1287 = arith.constant 0 : i32
      %dma_wait3A_1288 = tpu.memref_slice %arg4[%dma_wait3A_1286, %dma_wait3A_1287] : memref<32x1000000xf32, #tpu.memory_space<hbm>> -> memref<32x128xf32, #tpu.memory_space<hbm>>
      %dma_wait3A_1289 = arith.constant 0 : i32
      %dma_wait3A_1290 = arith.constant 0 : i32
      %dma_wait3A_1291 = tpu.memref_slice %arg11[%dma_wait3A_1280, %dma_wait3A_1281, %dma_wait3A_1289, %dma_wait3A_1290] : memref<2x2x32x128xf32, #tpu.memory_space<vmem>> -> memref<1x1x32x128xf32, #tpu.memory_space<vmem>>
      %dma_wait3A_1292 = tpu.memref_squeeze %dma_wait3A_1291 : memref<1x1x32x128xf32, #tpu.memory_space<vmem>> -> memref<32x128xf32, #tpu.memory_space<vmem>>
      %dma_wait3A_1293 = arith.constant 0 : i32
      %dma_wait3A_1294 = arith.constant 0 : i32
      %dma_wait3A_1295 = tpu.memref_slice %arg4[%dma_wait3A_1293, %dma_wait3A_1294] : memref<32x1000000xf32, #tpu.memory_space<hbm>> -> memref<32x128xf32, #tpu.memory_space<hbm>>
      tpu.wait_dma2 semaphore(%arg17 : memref<!tpu.dma_semaphore, #tpu.memory_space<semaphore_mem>>) src(%dma_wait3A_1295 : memref<32x128xf32, #tpu.memory_space<hbm>>) dst(%dma_wait3A_1292 : memref<32x128xf32, #tpu.memory_space<vmem>>)
      %dma_wait3A_1296 = arith.constant 0 : i32
      %dma_wait3A_1297 = arith.constant 1 : i32
      %dma_wait3A_1298 = arith.constant 0 : i32
      %dma_wait3A_1299 = arith.constant 0 : i32
      %dma_wait3A_1300 = tpu.memref_slice %arg12[%dma_wait3A_1296, %dma_wait3A_1297, %dma_wait3A_1298, %dma_wait3A_1299] : memref<2x2x32x128xf32, #tpu.memory_space<vmem>> -> memref<1x1x32x128xf32, #tpu.memory_space<vmem>>
      %dma_wait3A_1301 = tpu.memref_squeeze %dma_wait3A_1300 : memref<1x1x32x128xf32, #tpu.memory_space<vmem>> -> memref<32x128xf32, #tpu.memory_space<vmem>>
      %dma_wait3A_1302 = arith.constant 0 : i32
      %dma_wait3A_1303 = arith.constant 0 : i32
      %dma_wait3A_1304 = tpu.memref_slice %arg5[%dma_wait3A_1302, %dma_wait3A_1303] : memref<32x1000000xf32, #tpu.memory_space<hbm>> -> memref<32x128xf32, #tpu.memory_space<hbm>>
      %dma_wait3A_1305 = arith.constant 0 : i32
      %dma_wait3A_1306 = arith.constant 0 : i32
      %dma_wait3A_1307 = tpu.memref_slice %arg12[%dma_wait3A_1296, %dma_wait3A_1297, %dma_wait3A_1305, %dma_wait3A_1306] : memref<2x2x32x128xf32, #tpu.memory_space<vmem>> -> memref<1x1x32x128xf32, #tpu.memory_space<vmem>>
      %dma_wait3A_1308 = tpu.memref_squeeze %dma_wait3A_1307 : memref<1x1x32x128xf32, #tpu.memory_space<vmem>> -> memref<32x128xf32, #tpu.memory_space<vmem>>
      %dma_wait3A_1309 = arith.constant 0 : i32
      %dma_wait3A_1310 = arith.constant 0 : i32
      %dma_wait3A_1311 = tpu.memref_slice %arg5[%dma_wait3A_1309, %dma_wait3A_1310] : memref<32x1000000xf32, #tpu.memory_space<hbm>> -> memref<32x128xf32, #tpu.memory_space<hbm>>
      tpu.wait_dma2 semaphore(%arg18 : memref<!tpu.dma_semaphore, #tpu.memory_space<semaphore_mem>>) src(%dma_wait3A_1311 : memref<32x128xf32, #tpu.memory_space<hbm>>) dst(%dma_wait3A_1308 : memref<32x128xf32, #tpu.memory_space<vmem>>)
      %broadcast_in_dim3A_1312 = arith.constant 0 : i32
      %broadcast_in_dim3A_1313 = vector.broadcast %broadcast_in_dim3A_1312 : i32 to vector<16xi32>
      %slice3A_1314 = vector.extract_strided_slice %and3A_129 {offsets = [12], sizes = [1], strides = [1]} : vector<16xi32> to vector<1xi32>
      %squeeze3A_1315 = vector.extract %slice3A_1314[0] : i32 from vector<1xi32>
      %broadcast_in_dim3A_1316 = vector.broadcast %squeeze3A_1315 : i32 to vector<16xi32>
      %slice3A_1317 = vector.extract_strided_slice %and3A_138 {offsets = [12], sizes = [1], strides = [1]} : vector<16xi32> to vector<1xi32>
      %squeeze3A_1318 = vector.extract %slice3A_1317[0] : i32 from vector<1xi32>
      %broadcast_in_dim3A_1319 = vector.broadcast %squeeze3A_1318 : i32 to vector<16xi32>
      %broadcast_in_dim3A_1320 = arith.constant 0 : i32
      %broadcast_in_dim3A_1321 = vector.broadcast %broadcast_in_dim3A_1320 : i32 to vector<16xi32>
      %gather3A_1322 = tpu.vector_load_idx %arg11[%broadcast_in_dim3A_1313, %broadcast_in_dim3A_1321, %iota3A, %broadcast_in_dim3A_1316] : memref<2x2x32x128xf32, #tpu.memory_space<vmem>>[vector<16xi32>, vector<16xi32>, vector<16xi32>, vector<16xi32>], vector<16xf32>,
      %gather3A_1323 = tpu.vector_load_idx %arg11[%broadcast_in_dim3A_1313, %broadcast_in_dim3A_1321, %add3A_8, %broadcast_in_dim3A_1316] : memref<2x2x32x128xf32, #tpu.memory_space<vmem>>[vector<16xi32>, vector<16xi32>, vector<16xi32>, vector<16xi32>], vector<16xf32>,
      %gather3A_1324 = tpu.vector_load_idx %arg12[%broadcast_in_dim3A_1313, %broadcast_in_dim3A_1321, %iota3A, %broadcast_in_dim3A_1319] : memref<2x2x32x128xf32, #tpu.memory_space<vmem>>[vector<16xi32>, vector<16xi32>, vector<16xi32>, vector<16xi32>], vector<16xf32>,
      %gather3A_1325 = tpu.vector_load_idx %arg12[%broadcast_in_dim3A_1313, %broadcast_in_dim3A_1321, %add3A_8, %broadcast_in_dim3A_1319] : memref<2x2x32x128xf32, #tpu.memory_space<vmem>>[vector<16xi32>, vector<16xi32>, vector<16xi32>, vector<16xi32>], vector<16xf32>,
      %mul3A_1326 = arith.mulf %gather3A_1322, %gather3A_1324 : vector<16xf32>
      %mul3A_1327 = arith.mulf %gather3A_1323, %gather3A_1325 : vector<16xf32>
      %add3A_1328 = arith.addf %mul3A_1326, %mul3A_1327 : vector<16xf32>
      %add3A_1329 = arith.constant 12 : i32
      %add3A_1330 = arith.addi %mul3A_112, %add3A_1329 : i32
      %swap3A_1331 = arith.index_cast %add3A_1330 : i32 to index
      %swap3A_1332 = arith.constant 0 : index
      %swap3A_1333 = tpu.vector_load %arg13[%swap3A_1331, %swap3A_1332] {strides = array<i32>} : memref<512x16xf32, #tpu.memory_space<vmem>>, vector<16xf32>,
      tpu.vector_store %arg13[%swap3A_1331, %swap3A_1332], %add3A_1328 {strides = array<i32>} : memref<512x16xf32, #tpu.memory_space<vmem>>, vector<16xf32>,
      %slice3A_1334 = vector.extract_strided_slice %and3A_129 {offsets = [13], sizes = [1], strides = [1]} : vector<16xi32> to vector<1xi32>
      %squeeze3A_1335 = vector.extract %slice3A_1334[0] : i32 from vector<1xi32>
      %broadcast_in_dim3A_1336 = vector.broadcast %squeeze3A_1335 : i32 to vector<16xi32>
      %slice3A_1337 = vector.extract_strided_slice %and3A_138 {offsets = [13], sizes = [1], strides = [1]} : vector<16xi32> to vector<1xi32>
      %squeeze3A_1338 = vector.extract %slice3A_1337[0] : i32 from vector<1xi32>
      %broadcast_in_dim3A_1339 = vector.broadcast %squeeze3A_1338 : i32 to vector<16xi32>
      %broadcast_in_dim3A_1340 = arith.constant 1 : i32
      %broadcast_in_dim3A_1341 = vector.broadcast %broadcast_in_dim3A_1340 : i32 to vector<16xi32>
      %gather3A_1342 = tpu.vector_load_idx %arg11[%broadcast_in_dim3A_1313, %broadcast_in_dim3A_1341, %iota3A, %broadcast_in_dim3A_1336] : memref<2x2x32x128xf32, #tpu.memory_space<vmem>>[vector<16xi32>, vector<16xi32>, vector<16xi32>, vector<16xi32>], vector<16xf32>,
      %gather3A_1343 = tpu.vector_load_idx %arg11[%broadcast_in_dim3A_1313, %broadcast_in_dim3A_1341, %add3A_8, %broadcast_in_dim3A_1336] : memref<2x2x32x128xf32, #tpu.memory_space<vmem>>[vector<16xi32>, vector<16xi32>, vector<16xi32>, vector<16xi32>], vector<16xf32>,
      %gather3A_1344 = tpu.vector_load_idx %arg12[%broadcast_in_dim3A_1313, %broadcast_in_dim3A_1341, %iota3A, %broadcast_in_dim3A_1339] : memref<2x2x32x128xf32, #tpu.memory_space<vmem>>[vector<16xi32>, vector<16xi32>, vector<16xi32>, vector<16xi32>], vector<16xf32>,
      %gather3A_1345 = tpu.vector_load_idx %arg12[%broadcast_in_dim3A_1313, %broadcast_in_dim3A_1341, %add3A_8, %broadcast_in_dim3A_1339] : memref<2x2x32x128xf32, #tpu.memory_space<vmem>>[vector<16xi32>, vector<16xi32>, vector<16xi32>, vector<16xi32>], vector<16xf32>,
      %mul3A_1346 = arith.mulf %gather3A_1342, %gather3A_1344 : vector<16xf32>
      %mul3A_1347 = arith.mulf %gather3A_1343, %gather3A_1345 : vector<16xf32>
      %add3A_1348 = arith.addf %mul3A_1346, %mul3A_1347 : vector<16xf32>
      %add3A_1349 = arith.constant 13 : i32
      %add3A_1350 = arith.addi %mul3A_112, %add3A_1349 : i32
      %swap3A_1351 = arith.index_cast %add3A_1350 : i32 to index
      %swap3A_1352 = arith.constant 0 : index
      %swap3A_1353 = tpu.vector_load %arg13[%swap3A_1351, %swap3A_1352] {strides = array<i32>} : memref<512x16xf32, #tpu.memory_space<vmem>>, vector<16xf32>,
      tpu.vector_store %arg13[%swap3A_1351, %swap3A_1352], %add3A_1348 {strides = array<i32>} : memref<512x16xf32, #tpu.memory_space<vmem>>, vector<16xf32>,
      %lt3A = arith.constant 31 : i32
      %lt3A_1354 = arith.cmpi slt, %scan3A_110, %lt3A : i32
      %convert_element_type3A = arith.extui %lt3A_1354 : i1 to i32
      %cond3A = arith.constant 0 : i32
      %cond3A_1355 = arith.cmpi ne, %convert_element_type3A, %cond3A : i32
      scf.if %cond3A_1355 {
        %add3A_1462 = arith.constant 1 : i32
        %add3A_1463 = arith.addi %scan3A_110, %add3A_1462 : i32
        %mul3A_1464 = arith.constant 16 : i32
        %mul3A_1465 = arith.muli %add3A_1463, %mul3A_1464 : i32
        %get3A_1466 = arith.index_cast %mul3A_1465 : i32 to index
        %get3A_1467 = tpu.vector_load %arg9[%get3A_1466] {strides = array<i32>} : memref<512xi32, #tpu.memory_space<vmem>>, vector<16xi32>,
        %mul3A_1468 = arith.constant 16 : i32
        %mul3A_1469 = arith.muli %add3A_1463, %mul3A_1468 : i32
        %get3A_1470 = arith.index_cast %mul3A_1469 : i32 to index
        %get3A_1471 = tpu.vector_load %arg10[%get3A_1470] {strides = array<i32>} : memref<512xi32, #tpu.memory_space<vmem>>, vector<16xi32>,
        %shift_right_arithmetic3A_1472 = arith.constant 7 : i32
        %shift_right_arithmetic3A_1473 = vector.broadcast %shift_right_arithmetic3A_1472 : i32 to vector<16xi32>
        %shift_right_arithmetic3A_1474 = arith.shrsi %get3A_1467, %shift_right_arithmetic3A_1473 : vector<16xi32>
        %shift_left3A_1475 = arith.constant 7 : i32
        %shift_left3A_1476 = vector.broadcast %shift_left3A_1475 : i32 to vector<16xi32>
        %shift_left3A_1477 = arith.shli %shift_right_arithmetic3A_1474, %shift_left3A_1476 : vector<16xi32>
        %and3A_1478 = arith.constant 127 : i32
        %and3A_1479 = vector.broadcast %and3A_1478 : i32 to vector<16xi32>
        %and3A_1480 = arith.andi %get3A_1467, %and3A_1479 : vector<16xi32>
        %shift_right_arithmetic3A_1481 = arith.constant 7 : i32
        %shift_right_arithmetic3A_1482 = vector.broadcast %shift_right_arithmetic3A_1481 : i32 to vector<16xi32>
        %shift_right_arithmetic3A_1483 = arith.shrsi %get3A_1471, %shift_right_arithmetic3A_1482 : vector<16xi32>
        %shift_left3A_1484 = arith.constant 7 : i32
        %shift_left3A_1485 = vector.broadcast %shift_left3A_1484 : i32 to vector<16xi32>
        %shift_left3A_1486 = arith.shli %shift_right_arithmetic3A_1483, %shift_left3A_1485 : vector<16xi32>
        %and3A_1487 = arith.constant 127 : i32
        %and3A_1488 = vector.broadcast %and3A_1487 : i32 to vector<16xi32>
        %and3A_1489 = arith.andi %get3A_1471, %and3A_1488 : vector<16xi32>
        %slice3A_1490 = vector.extract_strided_slice %shift_left3A_1477 {offsets = [0], sizes = [1], strides = [1]} : vector<16xi32> to vector<1xi32>
        %squeeze3A_1491 = vector.extract %slice3A_1490[0] : i32 from vector<1xi32>
        %multiple_of3A_1492 = tpu.assume_multiple %squeeze3A_1491, 128 : i32
        %slice3A_1493 = vector.extract_strided_slice %shift_left3A_1486 {offsets = [0], sizes = [1], strides = [1]} : vector<16xi32> to vector<1xi32>
        %squeeze3A_1494 = vector.extract %slice3A_1493[0] : i32 from vector<1xi32>
        %multiple_of3A_1495 = tpu.assume_multiple %squeeze3A_1494, 128 : i32
        %dma_start3A_1496 = arith.constant 0 : i32
        %dma_start3A_1497 = arith.constant 0 : i32
        %dma_start3A_1498 = arith.constant 0 : i32
        %dma_start3A_1499 = arith.constant 0 : i32
        %dma_start3A_1500 = tpu.memref_slice %arg11[%dma_start3A_1496, %dma_start3A_1497, %dma_start3A_1498, %dma_start3A_1499] : memref<2x2x32x128xf32, #tpu.memory_space<vmem>> -> memref<1x1x32x128xf32, #tpu.memory_space<vmem>>
        %dma_start3A_1501 = tpu.memref_squeeze %dma_start3A_1500 : memref<1x1x32x128xf32, #tpu.memory_space<vmem>> -> memref<32x128xf32, #tpu.memory_space<vmem>>
        %dma_start3A_1502 = arith.constant 0 : i32
        %dma_start3A_1503 = tpu.memref_slice %arg4[%dma_start3A_1502, %multiple_of3A_1492] : memref<32x1000000xf32, #tpu.memory_space<hbm>> -> memref<32x128xf32, #tpu.memory_space<hbm>>
        %dma_start3A_1504 = arith.constant 0 : i32
        %dma_start3A_1505 = arith.constant 0 : i32
        %dma_start3A_1506 = tpu.memref_slice %arg11[%dma_start3A_1496, %dma_start3A_1497, %dma_start3A_1504, %dma_start3A_1505] : memref<2x2x32x128xf32, #tpu.memory_space<vmem>> -> memref<1x1x32x128xf32, #tpu.memory_space<vmem>>
        %dma_start3A_1507 = tpu.memref_squeeze %dma_start3A_1506 : memref<1x1x32x128xf32, #tpu.memory_space<vmem>> -> memref<32x128xf32, #tpu.memory_space<vmem>>
        %dma_start3A_1508 = arith.constant 0 : i32
        %dma_start3A_1509 = tpu.memref_slice %arg4[%dma_start3A_1508, %multiple_of3A_1492] : memref<32x1000000xf32, #tpu.memory_space<hbm>> -> memref<32x128xf32, #tpu.memory_space<hbm>>
        tpu.enqueue_dma source(%dma_start3A_1509 : memref<32x128xf32, #tpu.memory_space<hbm>>) target(%dma_start3A_1507 : memref<32x128xf32, #tpu.memory_space<vmem>>) target_semaphore(%arg17 : memref<!tpu.dma_semaphore, #tpu.memory_space<semaphore_mem>>)
        %dma_start3A_1510 = arith.constant 0 : i32
        %dma_start3A_1511 = arith.constant 0 : i32
        %dma_start3A_1512 = arith.constant 0 : i32
        %dma_start3A_1513 = arith.constant 0 : i32
        %dma_start3A_1514 = tpu.memref_slice %arg12[%dma_start3A_1510, %dma_start3A_1511, %dma_start3A_1512, %dma_start3A_1513] : memref<2x2x32x128xf32, #tpu.memory_space<vmem>> -> memref<1x1x32x128xf32, #tpu.memory_space<vmem>>
        %dma_start3A_1515 = tpu.memref_squeeze %dma_start3A_1514 : memref<1x1x32x128xf32, #tpu.memory_space<vmem>> -> memref<32x128xf32, #tpu.memory_space<vmem>>
        %dma_start3A_1516 = arith.constant 0 : i32
        %dma_start3A_1517 = tpu.memref_slice %arg5[%dma_start3A_1516, %multiple_of3A_1495] : memref<32x1000000xf32, #tpu.memory_space<hbm>> -> memref<32x128xf32, #tpu.memory_space<hbm>>
        %dma_start3A_1518 = arith.constant 0 : i32
        %dma_start3A_1519 = arith.constant 0 : i32
        %dma_start3A_1520 = tpu.memref_slice %arg12[%dma_start3A_1510, %dma_start3A_1511, %dma_start3A_1518, %dma_start3A_1519] : memref<2x2x32x128xf32, #tpu.memory_space<vmem>> -> memref<1x1x32x128xf32, #tpu.memory_space<vmem>>
        %dma_start3A_1521 = tpu.memref_squeeze %dma_start3A_1520 : memref<1x1x32x128xf32, #tpu.memory_space<vmem>> -> memref<32x128xf32, #tpu.memory_space<vmem>>
        %dma_start3A_1522 = arith.constant 0 : i32
        %dma_start3A_1523 = tpu.memref_slice %arg5[%dma_start3A_1522, %multiple_of3A_1495] : memref<32x1000000xf32, #tpu.memory_space<hbm>> -> memref<32x128xf32, #tpu.memory_space<hbm>>
        tpu.enqueue_dma source(%dma_start3A_1523 : memref<32x128xf32, #tpu.memory_space<hbm>>) target(%dma_start3A_1521 : memref<32x128xf32, #tpu.memory_space<vmem>>) target_semaphore(%arg18 : memref<!tpu.dma_semaphore, #tpu.memory_space<semaphore_mem>>)
        %slice3A_1524 = vector.extract_strided_slice %shift_left3A_1477 {offsets = [1], sizes = [1], strides = [1]} : vector<16xi32> to vector<1xi32>
        %squeeze3A_1525 = vector.extract %slice3A_1524[0] : i32 from vector<1xi32>
        %multiple_of3A_1526 = tpu.assume_multiple %squeeze3A_1525, 128 : i32
        %slice3A_1527 = vector.extract_strided_slice %shift_left3A_1486 {offsets = [1], sizes = [1], strides = [1]} : vector<16xi32> to vector<1xi32>
        %squeeze3A_1528 = vector.extract %slice3A_1527[0] : i32 from vector<1xi32>
        %multiple_of3A_1529 = tpu.assume_multiple %squeeze3A_1528, 128 : i32
        %dma_start3A_1530 = arith.constant 0 : i32
        %dma_start3A_1531 = arith.constant 1 : i32
        %dma_start3A_1532 = arith.constant 0 : i32
        %dma_start3A_1533 = arith.constant 0 : i32
        %dma_start3A_1534 = tpu.memref_slice %arg11[%dma_start3A_1530, %dma_start3A_1531, %dma_start3A_1532, %dma_start3A_1533] : memref<2x2x32x128xf32, #tpu.memory_space<vmem>> -> memref<1x1x32x128xf32, #tpu.memory_space<vmem>>
        %dma_start3A_1535 = tpu.memref_squeeze %dma_start3A_1534 : memref<1x1x32x128xf32, #tpu.memory_space<vmem>> -> memref<32x128xf32, #tpu.memory_space<vmem>>
        %dma_start3A_1536 = arith.constant 0 : i32
        %dma_start3A_1537 = tpu.memref_slice %arg4[%dma_start3A_1536, %multiple_of3A_1526] : memref<32x1000000xf32, #tpu.memory_space<hbm>> -> memref<32x128xf32, #tpu.memory_space<hbm>>
        %dma_start3A_1538 = arith.constant 0 : i32
        %dma_start3A_1539 = arith.constant 0 : i32
        %dma_start3A_1540 = tpu.memref_slice %arg11[%dma_start3A_1530, %dma_start3A_1531, %dma_start3A_1538, %dma_start3A_1539] : memref<2x2x32x128xf32, #tpu.memory_space<vmem>> -> memref<1x1x32x128xf32, #tpu.memory_space<vmem>>
        %dma_start3A_1541 = tpu.memref_squeeze %dma_start3A_1540 : memref<1x1x32x128xf32, #tpu.memory_space<vmem>> -> memref<32x128xf32, #tpu.memory_space<vmem>>
        %dma_start3A_1542 = arith.constant 0 : i32
        %dma_start3A_1543 = tpu.memref_slice %arg4[%dma_start3A_1542, %multiple_of3A_1526] : memref<32x1000000xf32, #tpu.memory_space<hbm>> -> memref<32x128xf32, #tpu.memory_space<hbm>>
        tpu.enqueue_dma source(%dma_start3A_1543 : memref<32x128xf32, #tpu.memory_space<hbm>>) target(%dma_start3A_1541 : memref<32x128xf32, #tpu.memory_space<vmem>>) target_semaphore(%arg17 : memref<!tpu.dma_semaphore, #tpu.memory_space<semaphore_mem>>)
        %dma_start3A_1544 = arith.constant 0 : i32
        %dma_start3A_1545 = arith.constant 1 : i32
        %dma_start3A_1546 = arith.constant 0 : i32
        %dma_start3A_1547 = arith.constant 0 : i32
        %dma_start3A_1548 = tpu.memref_slice %arg12[%dma_start3A_1544, %dma_start3A_1545, %dma_start3A_1546, %dma_start3A_1547] : memref<2x2x32x128xf32, #tpu.memory_space<vmem>> -> memref<1x1x32x128xf32, #tpu.memory_space<vmem>>
        %dma_start3A_1549 = tpu.memref_squeeze %dma_start3A_1548 : memref<1x1x32x128xf32, #tpu.memory_space<vmem>> -> memref<32x128xf32, #tpu.memory_space<vmem>>
        %dma_start3A_1550 = arith.constant 0 : i32
        %dma_start3A_1551 = tpu.memref_slice %arg5[%dma_start3A_1550, %multiple_of3A_1529] : memref<32x1000000xf32, #tpu.memory_space<hbm>> -> memref<32x128xf32, #tpu.memory_space<hbm>>
        %dma_start3A_1552 = arith.constant 0 : i32
        %dma_start3A_1553 = arith.constant 0 : i32
        %dma_start3A_1554 = tpu.memref_slice %arg12[%dma_start3A_1544, %dma_start3A_1545, %dma_start3A_1552, %dma_start3A_1553] : memref<2x2x32x128xf32, #tpu.memory_space<vmem>> -> memref<1x1x32x128xf32, #tpu.memory_space<vmem>>
        %dma_start3A_1555 = tpu.memref_squeeze %dma_start3A_1554 : memref<1x1x32x128xf32, #tpu.memory_space<vmem>> -> memref<32x128xf32, #tpu.memory_space<vmem>>
        %dma_start3A_1556 = arith.constant 0 : i32
        %dma_start3A_1557 = tpu.memref_slice %arg5[%dma_start3A_1556, %multiple_of3A_1529] : memref<32x1000000xf32, #tpu.memory_space<hbm>> -> memref<32x128xf32, #tpu.memory_space<hbm>>
        tpu.enqueue_dma source(%dma_start3A_1557 : memref<32x128xf32, #tpu.memory_space<hbm>>) target(%dma_start3A_1555 : memref<32x128xf32, #tpu.memory_space<vmem>>) target_semaphore(%arg18 : memref<!tpu.dma_semaphore, #tpu.memory_space<semaphore_mem>>)
      } else {
      }
      %dma_wait3A_1356 = arith.constant 1 : i32
      %dma_wait3A_1357 = arith.constant 0 : i32
      %dma_wait3A_1358 = arith.constant 0 : i32
      %dma_wait3A_1359 = arith.constant 0 : i32
      %dma_wait3A_1360 = tpu.memref_slice %arg11[%dma_wait3A_1356, %dma_wait3A_1357, %dma_wait3A_1358, %dma_wait3A_1359] : memref<2x2x32x128xf32, #tpu.memory_space<vmem>> -> memref<1x1x32x128xf32, #tpu.memory_space<vmem>>
      %dma_wait3A_1361 = tpu.memref_squeeze %dma_wait3A_1360 : memref<1x1x32x128xf32, #tpu.memory_space<vmem>> -> memref<32x128xf32, #tpu.memory_space<vmem>>
      %dma_wait3A_1362 = arith.constant 0 : i32
      %dma_wait3A_1363 = arith.constant 0 : i32
      %dma_wait3A_1364 = tpu.memref_slice %arg4[%dma_wait3A_1362, %dma_wait3A_1363] : memref<32x1000000xf32, #tpu.memory_space<hbm>> -> memref<32x128xf32, #tpu.memory_space<hbm>>
      %dma_wait3A_1365 = arith.constant 0 : i32
      %dma_wait3A_1366 = arith.constant 0 : i32
      %dma_wait3A_1367 = tpu.memref_slice %arg11[%dma_wait3A_1356, %dma_wait3A_1357, %dma_wait3A_1365, %dma_wait3A_1366] : memref<2x2x32x128xf32, #tpu.memory_space<vmem>> -> memref<1x1x32x128xf32, #tpu.memory_space<vmem>>
      %dma_wait3A_1368 = tpu.memref_squeeze %dma_wait3A_1367 : memref<1x1x32x128xf32, #tpu.memory_space<vmem>> -> memref<32x128xf32, #tpu.memory_space<vmem>>
      %dma_wait3A_1369 = arith.constant 0 : i32
      %dma_wait3A_1370 = arith.constant 0 : i32
      %dma_wait3A_1371 = tpu.memref_slice %arg4[%dma_wait3A_1369, %dma_wait3A_1370] : memref<32x1000000xf32, #tpu.memory_space<hbm>> -> memref<32x128xf32, #tpu.memory_space<hbm>>
      tpu.wait_dma2 semaphore(%arg19 : memref<!tpu.dma_semaphore, #tpu.memory_space<semaphore_mem>>) src(%dma_wait3A_1371 : memref<32x128xf32, #tpu.memory_space<hbm>>) dst(%dma_wait3A_1368 : memref<32x128xf32, #tpu.memory_space<vmem>>)
      %dma_wait3A_1372 = arith.constant 1 : i32
      %dma_wait3A_1373 = arith.constant 0 : i32
      %dma_wait3A_1374 = arith.constant 0 : i32
      %dma_wait3A_1375 = arith.constant 0 : i32
      %dma_wait3A_1376 = tpu.memref_slice %arg12[%dma_wait3A_1372, %dma_wait3A_1373, %dma_wait3A_1374, %dma_wait3A_1375] : memref<2x2x32x128xf32, #tpu.memory_space<vmem>> -> memref<1x1x32x128xf32, #tpu.memory_space<vmem>>
      %dma_wait3A_1377 = tpu.memref_squeeze %dma_wait3A_1376 : memref<1x1x32x128xf32, #tpu.memory_space<vmem>> -> memref<32x128xf32, #tpu.memory_space<vmem>>
      %dma_wait3A_1378 = arith.constant 0 : i32
      %dma_wait3A_1379 = arith.constant 0 : i32
      %dma_wait3A_1380 = tpu.memref_slice %arg5[%dma_wait3A_1378, %dma_wait3A_1379] : memref<32x1000000xf32, #tpu.memory_space<hbm>> -> memref<32x128xf32, #tpu.memory_space<hbm>>
      %dma_wait3A_1381 = arith.constant 0 : i32
      %dma_wait3A_1382 = arith.constant 0 : i32
      %dma_wait3A_1383 = tpu.memref_slice %arg12[%dma_wait3A_1372, %dma_wait3A_1373, %dma_wait3A_1381, %dma_wait3A_1382] : memref<2x2x32x128xf32, #tpu.memory_space<vmem>> -> memref<1x1x32x128xf32, #tpu.memory_space<vmem>>
      %dma_wait3A_1384 = tpu.memref_squeeze %dma_wait3A_1383 : memref<1x1x32x128xf32, #tpu.memory_space<vmem>> -> memref<32x128xf32, #tpu.memory_space<vmem>>
      %dma_wait3A_1385 = arith.constant 0 : i32
      %dma_wait3A_1386 = arith.constant 0 : i32
      %dma_wait3A_1387 = tpu.memref_slice %arg5[%dma_wait3A_1385, %dma_wait3A_1386] : memref<32x1000000xf32, #tpu.memory_space<hbm>> -> memref<32x128xf32, #tpu.memory_space<hbm>>
      tpu.wait_dma2 semaphore(%arg20 : memref<!tpu.dma_semaphore, #tpu.memory_space<semaphore_mem>>) src(%dma_wait3A_1387 : memref<32x128xf32, #tpu.memory_space<hbm>>) dst(%dma_wait3A_1384 : memref<32x128xf32, #tpu.memory_space<vmem>>)
      %dma_wait3A_1388 = arith.constant 1 : i32
      %dma_wait3A_1389 = arith.constant 1 : i32
      %dma_wait3A_1390 = arith.constant 0 : i32
      %dma_wait3A_1391 = arith.constant 0 : i32
      %dma_wait3A_1392 = tpu.memref_slice %arg11[%dma_wait3A_1388, %dma_wait3A_1389, %dma_wait3A_1390, %dma_wait3A_1391] : memref<2x2x32x128xf32, #tpu.memory_space<vmem>> -> memref<1x1x32x128xf32, #tpu.memory_space<vmem>>
      %dma_wait3A_1393 = tpu.memref_squeeze %dma_wait3A_1392 : memref<1x1x32x128xf32, #tpu.memory_space<vmem>> -> memref<32x128xf32, #tpu.memory_space<vmem>>
      %dma_wait3A_1394 = arith.constant 0 : i32
      %dma_wait3A_1395 = arith.constant 0 : i32
      %dma_wait3A_1396 = tpu.memref_slice %arg4[%dma_wait3A_1394, %dma_wait3A_1395] : memref<32x1000000xf32, #tpu.memory_space<hbm>> -> memref<32x128xf32, #tpu.memory_space<hbm>>
      %dma_wait3A_1397 = arith.constant 0 : i32
      %dma_wait3A_1398 = arith.constant 0 : i32
      %dma_wait3A_1399 = tpu.memref_slice %arg11[%dma_wait3A_1388, %dma_wait3A_1389, %dma_wait3A_1397, %dma_wait3A_1398] : memref<2x2x32x128xf32, #tpu.memory_space<vmem>> -> memref<1x1x32x128xf32, #tpu.memory_space<vmem>>
      %dma_wait3A_1400 = tpu.memref_squeeze %dma_wait3A_1399 : memref<1x1x32x128xf32, #tpu.memory_space<vmem>> -> memref<32x128xf32, #tpu.memory_space<vmem>>
      %dma_wait3A_1401 = arith.constant 0 : i32
      %dma_wait3A_1402 = arith.constant 0 : i32
      %dma_wait3A_1403 = tpu.memref_slice %arg4[%dma_wait3A_1401, %dma_wait3A_1402] : memref<32x1000000xf32, #tpu.memory_space<hbm>> -> memref<32x128xf32, #tpu.memory_space<hbm>>
      tpu.wait_dma2 semaphore(%arg19 : memref<!tpu.dma_semaphore, #tpu.memory_space<semaphore_mem>>) src(%dma_wait3A_1403 : memref<32x128xf32, #tpu.memory_space<hbm>>) dst(%dma_wait3A_1400 : memref<32x128xf32, #tpu.memory_space<vmem>>)
      %dma_wait3A_1404 = arith.constant 1 : i32
      %dma_wait3A_1405 = arith.constant 1 : i32
      %dma_wait3A_1406 = arith.constant 0 : i32
      %dma_wait3A_1407 = arith.constant 0 : i32
      %dma_wait3A_1408 = tpu.memref_slice %arg12[%dma_wait3A_1404, %dma_wait3A_1405, %dma_wait3A_1406, %dma_wait3A_1407] : memref<2x2x32x128xf32, #tpu.memory_space<vmem>> -> memref<1x1x32x128xf32, #tpu.memory_space<vmem>>
      %dma_wait3A_1409 = tpu.memref_squeeze %dma_wait3A_1408 : memref<1x1x32x128xf32, #tpu.memory_space<vmem>> -> memref<32x128xf32, #tpu.memory_space<vmem>>
      %dma_wait3A_1410 = arith.constant 0 : i32
      %dma_wait3A_1411 = arith.constant 0 : i32
      %dma_wait3A_1412 = tpu.memref_slice %arg5[%dma_wait3A_1410, %dma_wait3A_1411] : memref<32x1000000xf32, #tpu.memory_space<hbm>> -> memref<32x128xf32, #tpu.memory_space<hbm>>
      %dma_wait3A_1413 = arith.constant 0 : i32
      %dma_wait3A_1414 = arith.constant 0 : i32
      %dma_wait3A_1415 = tpu.memref_slice %arg12[%dma_wait3A_1404, %dma_wait3A_1405, %dma_wait3A_1413, %dma_wait3A_1414] : memref<2x2x32x128xf32, #tpu.memory_space<vmem>> -> memref<1x1x32x128xf32, #tpu.memory_space<vmem>>
      %dma_wait3A_1416 = tpu.memref_squeeze %dma_wait3A_1415 : memref<1x1x32x128xf32, #tpu.memory_space<vmem>> -> memref<32x128xf32, #tpu.memory_space<vmem>>
      %dma_wait3A_1417 = arith.constant 0 : i32
      %dma_wait3A_1418 = arith.constant 0 : i32
      %dma_wait3A_1419 = tpu.memref_slice %arg5[%dma_wait3A_1417, %dma_wait3A_1418] : memref<32x1000000xf32, #tpu.memory_space<hbm>> -> memref<32x128xf32, #tpu.memory_space<hbm>>
      tpu.wait_dma2 semaphore(%arg20 : memref<!tpu.dma_semaphore, #tpu.memory_space<semaphore_mem>>) src(%dma_wait3A_1419 : memref<32x128xf32, #tpu.memory_space<hbm>>) dst(%dma_wait3A_1416 : memref<32x128xf32, #tpu.memory_space<vmem>>)
      %broadcast_in_dim3A_1420 = arith.constant 1 : i32
      %broadcast_in_dim3A_1421 = vector.broadcast %broadcast_in_dim3A_1420 : i32 to vector<16xi32>
      %slice3A_1422 = vector.extract_strided_slice %and3A_129 {offsets = [14], sizes = [1], strides = [1]} : vector<16xi32> to vector<1xi32>
      %squeeze3A_1423 = vector.extract %slice3A_1422[0] : i32 from vector<1xi32>
      %broadcast_in_dim3A_1424 = vector.broadcast %squeeze3A_1423 : i32 to vector<16xi32>
      %slice3A_1425 = vector.extract_strided_slice %and3A_138 {offsets = [14], sizes = [1], strides = [1]} : vector<16xi32> to vector<1xi32>
      %squeeze3A_1426 = vector.extract %slice3A_1425[0] : i32 from vector<1xi32>
      %broadcast_in_dim3A_1427 = vector.broadcast %squeeze3A_1426 : i32 to vector<16xi32>
      %broadcast_in_dim3A_1428 = arith.constant 0 : i32
      %broadcast_in_dim3A_1429 = vector.broadcast %broadcast_in_dim3A_1428 : i32 to vector<16xi32>
      %gather3A_1430 = tpu.vector_load_idx %arg11[%broadcast_in_dim3A_1421, %broadcast_in_dim3A_1429, %iota3A, %broadcast_in_dim3A_1424] : memref<2x2x32x128xf32, #tpu.memory_space<vmem>>[vector<16xi32>, vector<16xi32>, vector<16xi32>, vector<16xi32>], vector<16xf32>,
      %gather3A_1431 = tpu.vector_load_idx %arg11[%broadcast_in_dim3A_1421, %broadcast_in_dim3A_1429, %add3A_8, %broadcast_in_dim3A_1424] : memref<2x2x32x128xf32, #tpu.memory_space<vmem>>[vector<16xi32>, vector<16xi32>, vector<16xi32>, vector<16xi32>], vector<16xf32>,
      %gather3A_1432 = tpu.vector_load_idx %arg12[%broadcast_in_dim3A_1421, %broadcast_in_dim3A_1429, %iota3A, %broadcast_in_dim3A_1427] : memref<2x2x32x128xf32, #tpu.memory_space<vmem>>[vector<16xi32>, vector<16xi32>, vector<16xi32>, vector<16xi32>], vector<16xf32>,
      %gather3A_1433 = tpu.vector_load_idx %arg12[%broadcast_in_dim3A_1421, %broadcast_in_dim3A_1429, %add3A_8, %broadcast_in_dim3A_1427] : memref<2x2x32x128xf32, #tpu.memory_space<vmem>>[vector<16xi32>, vector<16xi32>, vector<16xi32>, vector<16xi32>], vector<16xf32>,
      %mul3A_1434 = arith.mulf %gather3A_1430, %gather3A_1432 : vector<16xf32>
      %mul3A_1435 = arith.mulf %gather3A_1431, %gather3A_1433 : vector<16xf32>
      %add3A_1436 = arith.addf %mul3A_1434, %mul3A_1435 : vector<16xf32>
      %add3A_1437 = arith.constant 14 : i32
      %add3A_1438 = arith.addi %mul3A_112, %add3A_1437 : i32
      %swap3A_1439 = arith.index_cast %add3A_1438 : i32 to index
      %swap3A_1440 = arith.constant 0 : index
      %swap3A_1441 = tpu.vector_load %arg13[%swap3A_1439, %swap3A_1440] {strides = array<i32>} : memref<512x16xf32, #tpu.memory_space<vmem>>, vector<16xf32>,
      tpu.vector_store %arg13[%swap3A_1439, %swap3A_1440], %add3A_1436 {strides = array<i32>} : memref<512x16xf32, #tpu.memory_space<vmem>>, vector<16xf32>,
      %slice3A_1442 = vector.extract_strided_slice %and3A_129 {offsets = [15], sizes = [1], strides = [1]} : vector<16xi32> to vector<1xi32>
      %squeeze3A_1443 = vector.extract %slice3A_1442[0] : i32 from vector<1xi32>
      %broadcast_in_dim3A_1444 = vector.broadcast %squeeze3A_1443 : i32 to vector<16xi32>
      %slice3A_1445 = vector.extract_strided_slice %and3A_138 {offsets = [15], sizes = [1], strides = [1]} : vector<16xi32> to vector<1xi32>
      %squeeze3A_1446 = vector.extract %slice3A_1445[0] : i32 from vector<1xi32>
      %broadcast_in_dim3A_1447 = vector.broadcast %squeeze3A_1446 : i32 to vector<16xi32>
      %broadcast_in_dim3A_1448 = arith.constant 1 : i32
      %broadcast_in_dim3A_1449 = vector.broadcast %broadcast_in_dim3A_1448 : i32 to vector<16xi32>
      %gather3A_1450 = tpu.vector_load_idx %arg11[%broadcast_in_dim3A_1421, %broadcast_in_dim3A_1449, %iota3A, %broadcast_in_dim3A_1444] : memref<2x2x32x128xf32, #tpu.memory_space<vmem>>[vector<16xi32>, vector<16xi32>, vector<16xi32>, vector<16xi32>], vector<16xf32>,
      %gather3A_1451 = tpu.vector_load_idx %arg11[%broadcast_in_dim3A_1421, %broadcast_in_dim3A_1449, %add3A_8, %broadcast_in_dim3A_1444] : memref<2x2x32x128xf32, #tpu.memory_space<vmem>>[vector<16xi32>, vector<16xi32>, vector<16xi32>, vector<16xi32>], vector<16xf32>,
      %gather3A_1452 = tpu.vector_load_idx %arg12[%broadcast_in_dim3A_1421, %broadcast_in_dim3A_1449, %iota3A, %broadcast_in_dim3A_1447] : memref<2x2x32x128xf32, #tpu.memory_space<vmem>>[vector<16xi32>, vector<16xi32>, vector<16xi32>, vector<16xi32>], vector<16xf32>,
      %gather3A_1453 = tpu.vector_load_idx %arg12[%broadcast_in_dim3A_1421, %broadcast_in_dim3A_1449, %add3A_8, %broadcast_in_dim3A_1447] : memref<2x2x32x128xf32, #tpu.memory_space<vmem>>[vector<16xi32>, vector<16xi32>, vector<16xi32>, vector<16xi32>], vector<16xf32>,
      %mul3A_1454 = arith.mulf %gather3A_1450, %gather3A_1452 : vector<16xf32>
      %mul3A_1455 = arith.mulf %gather3A_1451, %gather3A_1453 : vector<16xf32>
      %add3A_1456 = arith.addf %mul3A_1454, %mul3A_1455 : vector<16xf32>
      %add3A_1457 = arith.constant 15 : i32
      %add3A_1458 = arith.addi %mul3A_112, %add3A_1457 : i32
      %swap3A_1459 = arith.index_cast %add3A_1458 : i32 to index
      %swap3A_1460 = arith.constant 0 : index
      %swap3A_1461 = tpu.vector_load %arg13[%swap3A_1459, %swap3A_1460] {strides = array<i32>} : memref<512x16xf32, #tpu.memory_space<vmem>>, vector<16xf32>,
      tpu.vector_store %arg13[%swap3A_1459, %swap3A_1460], %add3A_1456 {strides = array<i32>} : memref<512x16xf32, #tpu.memory_space<vmem>>, vector<16xf32>,
    }
    %scan3A_96 = arith.constant 32 : i32
    %dma_wait3A = arith.constant 0 : i32
    %dma_wait3A_97 = tpu.memref_slice %arg6[%dma_wait3A] : memref<1000000xf32, #tpu.memory_space<hbm>> -> memref<512xf32, #tpu.memory_space<hbm>>
    %dma_wait3A_98 = arith.constant 0 : i32
    %dma_wait3A_99 = tpu.memref_slice %arg6[%dma_wait3A_98] : memref<1000000xf32, #tpu.memory_space<hbm>> -> memref<512xf32, #tpu.memory_space<hbm>>
    tpu.wait_dma2 semaphore(%arg21 : memref<!tpu.dma_semaphore, #tpu.memory_space<semaphore_mem>>) src(%dma_wait3A_99 : memref<512xf32, #tpu.memory_space<hbm>>) dst(%arg14 : memref<512xf32, #tpu.memory_space<vmem>>)
    %dma_wait3A_100 = arith.constant 0 : i32
    %dma_wait3A_101 = tpu.memref_slice %arg7[%dma_wait3A_100] : memref<1000000xf32, #tpu.memory_space<hbm>> -> memref<512xf32, #tpu.memory_space<hbm>>
    %dma_wait3A_102 = arith.constant 0 : i32
    %dma_wait3A_103 = tpu.memref_slice %arg7[%dma_wait3A_102] : memref<1000000xf32, #tpu.memory_space<hbm>> -> memref<512xf32, #tpu.memory_space<hbm>>
    tpu.wait_dma2 semaphore(%arg22 : memref<!tpu.dma_semaphore, #tpu.memory_space<semaphore_mem>>) src(%dma_wait3A_103 : memref<512xf32, #tpu.memory_space<hbm>>) dst(%arg15 : memref<512xf32, #tpu.memory_space<vmem>>)
    %scan3A_104 = arith.constant 0 : i32
    %scan3A_105 = arith.constant 0 : i32
    %scan3A_106 = arith.constant 32 : i32
    %scan3A_107 = arith.addi %scan3A_105, %scan3A_106 : i32
    %scan3A_108 = arith.constant 1 : i32
    scf.for %scan3A_110 = %scan3A_105 to %scan3A_107 step %scan3A_108  : i32 {
      %mul3A_111 = arith.constant 16 : i32
      %mul3A_112 = arith.muli %scan3A_110, %mul3A_111 : i32
      %add3A_113 = vector.broadcast %mul3A_112 : i32 to vector<16xi32>
      %add3A_114 = arith.addi %iota3A, %add3A_113 : vector<16xi32>
      %get3A_115 = arith.index_cast %mul3A_112 : i32 to index
      %get3A_116 = tpu.vector_load %arg14[%get3A_115] {strides = array<i32>} : memref<512xf32, #tpu.memory_space<vmem>>, vector<16xf32>,
      %get3A_117 = arith.index_cast %mul3A_112 : i32 to index
      %get3A_118 = tpu.vector_load %arg15[%get3A_117] {strides = array<i32>} : memref<512xf32, #tpu.memory_space<vmem>>, vector<16xf32>,
      %add3A_119 = arith.addf %get3A_116, %get3A_118 : vector<16xf32>
      %broadcast_in_dim3A = arith.constant 0 : i32
      %broadcast_in_dim3A_120 = vector.broadcast %broadcast_in_dim3A : i32 to vector<16xi32>
      %gather3A = tpu.vector_load_idx %arg13[%add3A_114, %broadcast_in_dim3A_120] : memref<512x16xf32, #tpu.memory_space<vmem>>[vector<16xi32>, vector<16xi32>], vector<16xf32>,
      %add3A_121 = arith.addf %add3A_119, %gather3A : vector<16xf32>
      %broadcast_in_dim3A_122 = arith.constant 1 : i32
      %broadcast_in_dim3A_123 = vector.broadcast %broadcast_in_dim3A_122 : i32 to vector<16xi32>
      %gather3A_124 = tpu.vector_load_idx %arg13[%add3A_114, %broadcast_in_dim3A_123] : memref<512x16xf32, #tpu.memory_space<vmem>>[vector<16xi32>, vector<16xi32>], vector<16xf32>,
      %add3A_125 = arith.addf %add3A_121, %gather3A_124 : vector<16xf32>
      %broadcast_in_dim3A_126 = arith.constant 2 : i32
      %broadcast_in_dim3A_127 = vector.broadcast %broadcast_in_dim3A_126 : i32 to vector<16xi32>
      %gather3A_128 = tpu.vector_load_idx %arg13[%add3A_114, %broadcast_in_dim3A_127] : memref<512x16xf32, #tpu.memory_space<vmem>>[vector<16xi32>, vector<16xi32>], vector<16xf32>,
      %add3A_129 = arith.addf %add3A_125, %gather3A_128 : vector<16xf32>
      %broadcast_in_dim3A_130 = arith.constant 3 : i32
      %broadcast_in_dim3A_131 = vector.broadcast %broadcast_in_dim3A_130 : i32 to vector<16xi32>
      %gather3A_132 = tpu.vector_load_idx %arg13[%add3A_114, %broadcast_in_dim3A_131] : memref<512x16xf32, #tpu.memory_space<vmem>>[vector<16xi32>, vector<16xi32>], vector<16xf32>,
      %add3A_133 = arith.addf %add3A_129, %gather3A_132 : vector<16xf32>
      %broadcast_in_dim3A_134 = arith.constant 4 : i32
      %broadcast_in_dim3A_135 = vector.broadcast %broadcast_in_dim3A_134 : i32 to vector<16xi32>
      %gather3A_136 = tpu.vector_load_idx %arg13[%add3A_114, %broadcast_in_dim3A_135] : memref<512x16xf32, #tpu.memory_space<vmem>>[vector<16xi32>, vector<16xi32>], vector<16xf32>,
      %add3A_137 = arith.addf %add3A_133, %gather3A_136 : vector<16xf32>
      %broadcast_in_dim3A_138 = arith.constant 5 : i32
      %broadcast_in_dim3A_139 = vector.broadcast %broadcast_in_dim3A_138 : i32 to vector<16xi32>
      %gather3A_140 = tpu.vector_load_idx %arg13[%add3A_114, %broadcast_in_dim3A_139] : memref<512x16xf32, #tpu.memory_space<vmem>>[vector<16xi32>, vector<16xi32>], vector<16xf32>,
      %add3A_141 = arith.addf %add3A_137, %gather3A_140 : vector<16xf32>
      %broadcast_in_dim3A_142 = arith.constant 6 : i32
      %broadcast_in_dim3A_143 = vector.broadcast %broadcast_in_dim3A_142 : i32 to vector<16xi32>
      %gather3A_144 = tpu.vector_load_idx %arg13[%add3A_114, %broadcast_in_dim3A_143] : memref<512x16xf32, #tpu.memory_space<vmem>>[vector<16xi32>, vector<16xi32>], vector<16xf32>,
      %add3A_145 = arith.addf %add3A_141, %gather3A_144 : vector<16xf32>
      %broadcast_in_dim3A_146 = arith.constant 7 : i32
      %broadcast_in_dim3A_147 = vector.broadcast %broadcast_in_dim3A_146 : i32 to vector<16xi32>
      %gather3A_148 = tpu.vector_load_idx %arg13[%add3A_114, %broadcast_in_dim3A_147] : memref<512x16xf32, #tpu.memory_space<vmem>>[vector<16xi32>, vector<16xi32>], vector<16xf32>,
      %add3A_149 = arith.addf %add3A_145, %gather3A_148 : vector<16xf32>
      %broadcast_in_dim3A_150 = arith.constant 8 : i32
      %broadcast_in_dim3A_151 = vector.broadcast %broadcast_in_dim3A_150 : i32 to vector<16xi32>
      %gather3A_152 = tpu.vector_load_idx %arg13[%add3A_114, %broadcast_in_dim3A_151] : memref<512x16xf32, #tpu.memory_space<vmem>>[vector<16xi32>, vector<16xi32>], vector<16xf32>,
      %add3A_153 = arith.addf %add3A_149, %gather3A_152 : vector<16xf32>
      %broadcast_in_dim3A_154 = arith.constant 9 : i32
      %broadcast_in_dim3A_155 = vector.broadcast %broadcast_in_dim3A_154 : i32 to vector<16xi32>
      %gather3A_156 = tpu.vector_load_idx %arg13[%add3A_114, %broadcast_in_dim3A_155] : memref<512x16xf32, #tpu.memory_space<vmem>>[vector<16xi32>, vector<16xi32>], vector<16xf32>,
      %add3A_157 = arith.addf %add3A_153, %gather3A_156 : vector<16xf32>
      %broadcast_in_dim3A_158 = arith.constant 10 : i32
      %broadcast_in_dim3A_159 = vector.broadcast %broadcast_in_dim3A_158 : i32 to vector<16xi32>
      %gather3A_160 = tpu.vector_load_idx %arg13[%add3A_114, %broadcast_in_dim3A_159] : memref<512x16xf32, #tpu.memory_space<vmem>>[vector<16xi32>, vector<16xi32>], vector<16xf32>,
      %add3A_161 = arith.addf %add3A_157, %gather3A_160 : vector<16xf32>
      %broadcast_in_dim3A_162 = arith.constant 11 : i32
      %broadcast_in_dim3A_163 = vector.broadcast %broadcast_in_dim3A_162 : i32 to vector<16xi32>
      %gather3A_164 = tpu.vector_load_idx %arg13[%add3A_114, %broadcast_in_dim3A_163] : memref<512x16xf32, #tpu.memory_space<vmem>>[vector<16xi32>, vector<16xi32>], vector<16xf32>,
      %add3A_165 = arith.addf %add3A_161, %gather3A_164 : vector<16xf32>
      %broadcast_in_dim3A_166 = arith.constant 12 : i32
      %broadcast_in_dim3A_167 = vector.broadcast %broadcast_in_dim3A_166 : i32 to vector<16xi32>
      %gather3A_168 = tpu.vector_load_idx %arg13[%add3A_114, %broadcast_in_dim3A_167] : memref<512x16xf32, #tpu.memory_space<vmem>>[vector<16xi32>, vector<16xi32>], vector<16xf32>,
      %add3A_169 = arith.addf %add3A_165, %gather3A_168 : vector<16xf32>
      %broadcast_in_dim3A_170 = arith.constant 13 : i32
      %broadcast_in_dim3A_171 = vector.broadcast %broadcast_in_dim3A_170 : i32 to vector<16xi32>
      %gather3A_172 = tpu.vector_load_idx %arg13[%add3A_114, %broadcast_in_dim3A_171] : memref<512x16xf32, #tpu.memory_space<vmem>>[vector<16xi32>, vector<16xi32>], vector<16xf32>,
      %add3A_173 = arith.addf %add3A_169, %gather3A_172 : vector<16xf32>
      %broadcast_in_dim3A_174 = arith.constant 14 : i32
      %broadcast_in_dim3A_175 = vector.broadcast %broadcast_in_dim3A_174 : i32 to vector<16xi32>
      %gather3A_176 = tpu.vector_load_idx %arg13[%add3A_114, %broadcast_in_dim3A_175] : memref<512x16xf32, #tpu.memory_space<vmem>>[vector<16xi32>, vector<16xi32>], vector<16xf32>,
      %add3A_177 = arith.addf %add3A_173, %gather3A_176 : vector<16xf32>
      %broadcast_in_dim3A_178 = arith.constant 15 : i32
      %broadcast_in_dim3A_179 = vector.broadcast %broadcast_in_dim3A_178 : i32 to vector<16xi32>
      %gather3A_180 = tpu.vector_load_idx %arg13[%add3A_114, %broadcast_in_dim3A_179] : memref<512x16xf32, #tpu.memory_space<vmem>>[vector<16xi32>, vector<16xi32>], vector<16xf32>,
      %add3A_181 = arith.addf %add3A_177, %gather3A_180 : vector<16xf32>
      %swap3A = arith.index_cast %mul3A_112 : i32 to index
      %swap3A_182 = tpu.vector_load %arg16[%swap3A] {strides = array<i32>} : memref<512xf32, #tpu.memory_space<vmem>>, vector<16xf32>,
      tpu.vector_store %arg16[%swap3A], %add3A_181 {strides = array<i32>} : memref<512xf32, #tpu.memory_space<vmem>>, vector<16xf32>,
    }
    %scan3A_109 = arith.constant 32 : i32
    "tpu.region"() ({
      %run_scoped3A = tpu.sem_alloc : memref<!tpu.dma_semaphore, #tpu.memory_space<semaphore_mem>>
      %dma_start3A_110 = tpu.memref_slice %arg8[%mul3A_2] : memref<16384xf32, #tpu.memory_space<hbm>> -> memref<512xf32, #tpu.memory_space<hbm>>
      %dma_start3A_111 = tpu.memref_slice %arg8[%mul3A_2] : memref<16384xf32, #tpu.memory_space<hbm>> -> memref<512xf32, #tpu.memory_space<hbm>>
      tpu.enqueue_dma source(%arg16 : memref<512xf32, #tpu.memory_space<vmem>>) target(%dma_start3A_111 : memref<512xf32, #tpu.memory_space<hbm>>) target_semaphore(%run_scoped3A : memref<!tpu.dma_semaphore, #tpu.memory_space<semaphore_mem>>)
      %dma_wait3A_112 = tpu.memref_slice %arg8[%mul3A_2] : memref<16384xf32, #tpu.memory_space<hbm>> -> memref<512xf32, #tpu.memory_space<hbm>>
      %dma_wait3A_113 = tpu.memref_slice %arg8[%mul3A_2] : memref<16384xf32, #tpu.memory_space<hbm>> -> memref<512xf32, #tpu.memory_space<hbm>>
      tpu.wait_dma2 semaphore(%run_scoped3A : memref<!tpu.dma_semaphore, #tpu.memory_space<semaphore_mem>>) src(%arg16 : memref<512xf32, #tpu.memory_space<vmem>>) dst(%dma_wait3A_113 : memref<512xf32, #tpu.memory_space<hbm>>)
      tpu.yield
    }) : () -> ()
    return
  }
}

</mosaic_0001>

<sc_bundles>
// kernel: kernel.3.cloned.1.call-start
scs
__scs_entry_jumppad:
0x0: {  	(pc) =	sbr.rel $0x88, $3  }
0x1: {  	(tag) =	ssettag $0x0;
	lr =	simm.s32 $0x1  }
0x2: {  	[smem:$0x3F9B] =	sst lr;
	_ =	strace $0xD0000000  }
0x3: {  	_ = 	snop  }
0x4: {  	_ = 	snop  }
0x5: {  	_ = 	snop  }
0x6: {  	_ = 	snop  }
0x7: {  	_ = 	snop  }
__scs_overlays_trampoline_lowered:
0x8: {  	[smem:$0x3FAA] =	sst s0  }
0x9: {  	[smem:$0x3FAB] =	sst s1  }
0xa: {  	[smem:$0x3FAC] =	sst s2  }
0xb: {  	[smem:$0x3FAD] =	sst s3  }
0xc: {  	[smem:$0x3FAE] =	sst s4  }
0xd: {  	[smem:$0x3FAF] =	sst s5  }
0xe: {  	[smem:$0x3FB0] =	sst s6  }
0xf: {  	[smem:$0x3FB1] =	sst s7  }
0x10: {  	[smem:$0x3FB2] =	sst s8  }
0x11: {  	[smem:$0x3FB3] =	sst s9;
	s0 =	simm.s32 @!p0 $0x0  }
0x12: {  	s1 =	sld [smem:$0x3F99];
	s0 =	simm.s32 @p0 $0x1  }
0x13: {  	[smem:$0x3FB4] =	sst s0;
	s0 =	simm.s32 @!p1 $0x0  }
0x14: {  	s2 =	sld [smem:$0x3F98];
	s0 =	simm.s32 @p1 $0x1  }
0x15: {  	[smem:$0x3FB5] =	sst s0;
	s0 =	simm.s32 @!p2 $0x0  }
0x16: {  	s3 =	sld [smem:$0x3FDB];
	s0 =	simm.s32 @p2 $0x1  }
0x17: {  	s4 =	simm.s32 $0x1BF5;
	[smem:$0x3FB7] =	sst s0  }
0x18: {  	s0 =	sld [smem:$0x3F9A];
	_ =	swait.ge [sflag:s4], $0x0  }
0x19: {  	s7 =	sld [smem:$0x3F9B]  }
0x1a: {  	s8 =	sadd.s32 $0xFFFFE003, lr  }
0x1b: {  	s9 =	sadd.s32 $0xFFFFFEF7, lr;
	s5 =	simm.s32 $0xFFFFFFFF;
	p2 =	slt.u32 s8, $0xFFFFF086  }
0x1c: {  	p1 =	slt.u32 s9, $0xF7A;
	s5 =	simm.s32 @!p2 $0x0  }
0x1d: {  	s5 =	simm.s32 @p1 $0x1;
	p0 =	seq.s32 s7, s2  }
0x1e: {  	s7 =	smul.u32 @!p0 $0xF7A, s2;
	p2 =	seq.s32 @!p0 s5, $0x0  }
0x1f: {  	s9 =	smul.u32 $0xF7A, s1;
	s8 =	simm.s32 @!p0 $0x1BF5;
	p2 =	por !p2, p0  }
0x20: {  	[sflag:s8] =	ssyncset.s32 @!p0 $0xFFFFF086;
	s6 =	sadd.s32 @!p0 s3, s7;
	s7 =	simm.s32 @!p0 $0x108  }
0x21: {  	s3 =	sadd.s32 s3, s9;
	s6 =	sadd.s32 @!p0 $0x88, s6;
	s7 =	simm.s32 @p2 $0x1082  }
0x22: {  	[simem:s7], [sflag:s8] =	dma.local @!p0 [hbm:s6], $0xF7A  }
0x23: {  	s9 =	sor.u32 $0xD0000000, s2;
	s6 =	simm.s32 $0x108;
	_ =	swait.ge @!p0 [sflag:s8], $0x0  }
0x24: {  	s3 =	sadd.s32 $0x88, s3;
	s6 =	simm.s32 @!p1 $0x1082;
	[sflag:s4] =	ssyncset.s32 $0xFFFFF086  }
0x25: {  	[simem:s6], [sflag:s4] =	dma.local [hbm:s3], $0xF7A  }
0x26: {  	[smem:$0x3F9B] =	sst s1;
	(tag) =	ssettag s2;
	_ =	strace s9  }
0x27: {  	s1 =	sld [smem:$0x3FAB]  }
0x28: {  	s2 =	sld [smem:$0x3FAC]  }
0x29: {  	s4 =	sld [smem:$0x3FAE]  }
0x2a: {  	p0 =	seq.s32 s5, $0x0;
	s5 =	sld [smem:$0x3FAF]  }
0x2b: {  	s6 =	sld [smem:$0x3FB0]  }
0x2c: {  	s7 =	sld [smem:$0x3FB1]  }
0x2d: {  	s3 =	simm.s32 $0x108;
	s8 =	sld [smem:$0x3FB2]  }
0x2e: {  	s3 =	simm.s32 @!p0 $0x1082;
	s9 =	sld [smem:$0x3FB3]  }
0x2f: {  	lr =	sadd.s32 s0, s3;
	s0 =	sld [smem:$0x3FAA]  }
0x30: {  	s3 =	sld [smem:$0x3FAD]  }
0x31: {  	[smem:$0x3FB6] =	sst s10  }
0x32: {  	s10 =	sld [smem:$0x3FB4];
	_ =	sdelay $0x3  }
0x33: {  	p0 =	seq.s32 s10, $0x1;
	s10 =	sld [smem:$0x3FB6];
	_ =	sdelay $0x3  }
0x34: {  	[smem:$0x3FB6] =	sst s10  }
0x35: {  	s10 =	sld [smem:$0x3FB5];
	_ =	sdelay $0x3  }
0x36: {  	p1 =	seq.s32 s10, $0x1;
	s10 =	sld [smem:$0x3FB6];
	_ =	sdelay $0x3  }
0x37: {  	[smem:$0x3FB6] =	sst s10  }
0x38: {  	s10 =	sld [smem:$0x3FB7]  }
0x39: {  	_ = 	snop;
	(pc) =	sbr.ind lr, $3  }
0x3a: {  	_ = 	snop  }
0x3b: {  	_ = 	snop  }
0x3c: {  	p2 =	seq.s32 s10, $0x1;
	s10 =	sld [smem:$0x3FB6]  }
0x3d: {  	_ =	shalt  }
0x3e: {  	_ =	shalt  }
0x3f: {  	_ =	shalt  }
0x40: {  	_ =	shalt  }
0x41: {  	_ =	shalt  }
0x42: {  	_ =	shalt  }
0x43: {  	_ =	shalt  }
0x44: {  	_ =	shalt  }
0x45: {  	_ =	shalt  }
0x46: {  	_ =	shalt  }
0x47: {  	_ =	shalt  }
0x48: {  	_ =	shalt  }
0x49: {  	_ =	shalt  }
0x4a: {  	_ =	shalt  }
0x4b: {  	_ =	shalt  }
0x4c: {  	_ =	shalt  }
0x4d: {  	_ =	shalt  }
0x4e: {  	_ =	shalt  }
0x4f: {  	_ =	shalt  }
0x50: {  	_ =	shalt  }
0x51: {  	_ =	shalt  }
0x52: {  	_ =	shalt  }
0x53: {  	_ =	shalt  }
0x54: {  	_ =	shalt  }
0x55: {  	_ =	shalt  }
0x56: {  	_ =	shalt  }
0x57: {  	_ =	shalt  }
0x58: {  	_ =	shalt  }
0x59: {  	_ =	shalt  }
0x5a: {  	_ =	shalt  }
0x5b: {  	_ =	shalt  }
0x5c: {  	_ =	shalt  }
0x5d: {  	_ =	shalt  }
0x5e: {  	_ =	shalt  }
0x5f: {  	_ =	shalt  }
0x60: {  	_ =	shalt  }
0x61: {  	_ =	shalt  }
0x62: {  	_ =	shalt  }
0x63: {  	_ =	shalt  }
0x64: {  	_ =	shalt  }
0x65: {  	_ =	shalt  }
0x66: {  	_ =	shalt  }
0x67: {  	_ =	shalt  }
0x68: {  	_ =	shalt  }
0x69: {  	_ =	shalt  }
0x6a: {  	_ =	shalt  }
0x6b: {  	_ =	shalt  }
0x6c: {  	_ =	shalt  }
0x6d: {  	_ =	shalt  }
0x6e: {  	_ =	shalt  }
0x6f: {  	_ =	shalt  }
0x70: {  	_ =	shalt  }
0x71: {  	_ =	shalt  }
0x72: {  	_ =	shalt  }
0x73: {  	_ =	shalt  }
0x74: {  	_ =	shalt  }
0x75: {  	_ =	shalt  }
0x76: {  	_ =	shalt  }
0x77: {  	_ =	shalt  }
0x78: {  	_ =	shalt  }
0x79: {  	_ =	shalt  }
0x7a: {  	_ =	shalt  }
0x7b: {  	_ =	shalt  }
0x7c: {  	_ =	shalt  }
0x7d: {  	_ =	shalt  }
0x7e: {  	_ =	shalt  }
0x7f: {  	_ =	shalt  }
0x80: {  	_ =	shalt  }
0x81: {  	_ =	shalt  }
0x82: {  	_ =	shalt  }
0x83: {  	_ =	shalt  }
0x84: {  	_ =	shalt  }
0x85: {  	_ =	shalt  }
0x86: {  	_ =	shalt  }
0x87: {  	_ =	shalt  }
.Lfunc_end0:
.L_simem_size_0:
called_computation_lowered:
.L_overlay_start_0:
0x88: {  	s2 =	sld [smem:$0x3FD9]  }
0x89: {  	s3 =	sld [smem:$0x3FFE];
	_ =	sdelay $0x1  }
0x8a: {  	s1 =	srdreg.scid  }
0x8b: {  	s0 =	sand.u32 $0x1, s1  }
0x8c: {  	s18 =	sshll.u32 s0, $0xA;
	s2 =	sadd.s32 s3, s2  }
0x8d: {  	s2 =	sadd.s32 s2, s18  }
0x8e: {  	[smem:$0x3FC2] =	sst s2  }
0x8f: {  	_ = 	snop  }
0x90: {  	s2 =	sld [smem:$0x3FC9]  }
0x91: {  	s19 =	sld [smem:$0x3FC8]  }
0x92: {  	s4 =	sld [smem:$0x3FC7]  }
0x93: {  	s5 =	sld [smem:$0x3FC6]  }
0x94: {  	s6 =	sld [smem:$0x3FC5]  }
0x95: {  	s7 =	sld [smem:$0x3FC4]  }
0x96: {  	s8 =	sld [smem:$0x3FD0];
	(tm) =	ssettm $0x1  }
0x97: {  	s9 =	sld [smem:$0x3FFB];
	_ =	sdelay $0x3  }
0x98: {  	_ =	strace s9  }
0x99: {  	s9 =	sld [smem:$0x3FFC];
	_ =	sdelay $0x3  }
0x9a: {  	_ =	strace s9  }
0x9b: {  	s9 =	sld [smem:$0x3FFD];
	_ =	sdelay $0x3  }
0x9c: {  	_ =	strace s9  }
0x9d: {  	_ =	strace $0x8FFFFFFF  }
0x9e: {  	s20 =	sld [smem:$0x3FDB];
	_ =	sdelay $0x1  }
0x9f: {  	s10 =	simm.s32 $_scs_section_size  }
0xa0: {  	s11 =	simm.s32 $_size__tile_overlayer_lowered;
	s12 =	simm.s32 $_tile_overlayer_lowered  }
0xa1: {  	s23 =	simm.s32 $0x1BFF;
	s22 =	sshll.u32 s12, $0x1;
	s9 =	sadd.s32 s10, s20  }
0xa2: {  	s13 =	simm.s32 $0x0;
	s21 =	sshll.u32 s11, $0x1;
	s11 =	sadd.s32 s22, s9  }
0xa3: {  	[timem:s13], [sflag:s23] =	dma.local [hbm:s11], s21  }
0xa4: {  	_ =	swait.ge [sflag:s23], s21  }
0xa5: {  	s10 =	ssub.s32 $0x0, s21;
	[sflag:s23] =	ssyncset.done $0x0  }
0xa6: {  	[sflag:s23] =	ssyncadd.s32 s10;
	_ =	sdelay $0x1  }
0xa7: {  	s24 =	simm.s32 $0x1B8B  }
0xa8: {  	_ =	swait.ge [sflag:s24], $0x1  }
0xa9: {  	[sflag:s24] =	ssyncset.done $0x0  }
0xaa: {  	s25 =	simm.s32 $0x1B8E;
	[sflag:s24] =	ssyncadd.s32 $0xFFFFFFFF  }
0xab: {  	s26 =	simm.s32 $execute0_lowered;
	[smem:$0x3FD2] =	sst s25  }
0xac: {  	s10 =	sshll.u32 s26, $0x1;
	_ =	strace $0x80000046;
	[dreg:$0x1] =	wrdreg $0xFFFFFFFF  }
0xad: {  	s28 =	simm.s32 $_size_execute0_lowered;
	s9 =	sadd.s32 s9, s10;
	[dreg:$0x0] =	wrdreg $0x0  }
0xae: {  	s10 =	sshll.u32 s28, $0x1;
	[dreg:$0x2] =	wrdreg s9  }
0xaf: {  	[dreg:$0x3] =	wrdreg s10  }
0xb0: {  	[dreg:$0x4] =	wrdreg $0xC0  }
0xb1: {  	_ =	task [dreg:s13], $0x5FFFF  }
0xb2: {  	[dreg:$0x1] =	wrdreg $0xFFFFFFFF  }
0xb3: {  	[dreg:$0x0] =	wrdreg $0x60  }
0xb4: {  	[dreg:$0x2] =	wrdreg s2  }
0xb5: {  	[dreg:$0x3] =	wrdreg s19  }
0xb6: {  	[dreg:$0x4] =	wrdreg s4  }
0xb7: {  	[dreg:$0x5] =	wrdreg s5  }
0xb8: {  	[dreg:$0x6] =	wrdreg s6  }
0xb9: {  	[dreg:$0x7] =	wrdreg s7  }
0xba: {  	[dreg:$0x8] =	wrdreg s8  }
0xbb: {  	[dreg:$0x9] =	wrdreg $0x9  }
0xbc: {  	_ =	task.clear_ibuf [dreg:s13], $0xAFFFF;
	_ =	strace $0x90000046  }
0xbd: {  	s29 =	simm.s32 $0x9;
	_ =	strace $0x80000048  }
0xbe: {  	_ =	swait.ge [sflag:s29], $0x1  }
0xbf: {  	[sflag:s29] =	ssyncadd.s32 $0xFFFFFFFF  }
0xc0: {  	_ =	strace $0x90000048  }
0xc1: {  	_ =	sfence  }
0xc2: {  	s30 =	sld [smem:$0x0];
	_ =	sdelay $0x2  }
0xc3: {  	s31 =	sshll.u32 s1, $0xD;
	s1 =	sshrl.u32 s1, $0x2  }
0xc4: {  	s3 =	sand.u32 $0x4000, s31;
	s1 =	sadd.s32 s1, s30  }
0xc5: {  	s0 =	sor.u32 s3, s0;
	s1 =	sshll.u32 s1, $0x11  }
0xc6: {  	s0 =	sor.u32 s1, s0  }
0xc7: {  	s0 =	sadd.s32 $0x8F2B, s0  }
0xc8: {  	[sflag:s0] =	ssyncadd.remote.s32 $0x1  }
0xc9: {  	_ =	sfence.sel $0xFFFF  }
0xca: {  	[dreg:$0x0] =	wrdreg $0xFFFFFFFF;
	(pc) =	sbr.abs _section_cstart, $3  }
0xcb: {  	[dreg:$0x1] =	wrdreg $0xFFFFFFFF  }
0xcc: {  	_ =	task.clear_ibuf [dreg:s13], $0x2FFFF;
	_ =	strace $0x9FFFFFFF  }
0xcd: {  	(tm) =	ssettm $0x7FFFFFFF  }
tec
execute0_lowered:
.L_overlay_start_1:
0x0: {  	(tag) =	ssettag $0x1  }
0x1: {  	s0 =	rddreg [dreg:$0x0]  }
0x2: {  	s3 =	rddreg [dreg:$0x1]  }
0x3: {  	s1 =	rddreg [dreg:$0x2]  }
0x4: {  	s2 =	rddreg [dreg:$0x3]  }
0x5: {  	s4 =	rddreg [dreg:$0x6]  }
0x6: {  	s6 =	simm.s32 $0x0;
	s5 =	srdreg.scid;
	s8 =	stileid.u32  }
0x7: {  	s11 =	simm.s32 $0x7;
	s12 =	simm.s32 $0x200;
	s15 =	simm.s32 $0x7A1400  }
0x8: {  	s16 =	simm.s32 $0x400;
	s17 =	simm.s32 $0x4400;
	s18 =	simm.s32 $0x1400  }
0x9: {  	s19 =	simm.s32 $0x5400;
	s20 =	simm.s32 $0x2400;
	s21 =	simm.s32 $0x6400  }
0xa: {  	s22 =	simm.s32 $0x3400;
	s23 =	simm.s32 $0x7400;
	s24 =	simm.s32 $0x1  }
0xb: {  	s25 =	simm.s32 $0x2;
	s26 =	simm.s32 $0x3;
	s28 =	simm.s32 $0x4  }
0xc: {  	v0 =	vlaneseq.u32;
	s29 =	simm.s32 $0x5;
	s30 =	simm.s32 $0x6;
	s5 =	sand.u32 $0x1, s5  }
0xd: {  	s31 =	simm.s32 $0x8400;
	[smem:$0x7FF] =	sst s6;
	v0 =	vmul.u32 $0x80, v0;
	s7 =	ssub.s32 $0x2, s5  }
0xe: {  	s8 =	sshll.u32 s8, $0x7;
	s5 =	sshll.u32 s5, $0x6;
	s9 =	sshrl.u32 s7, $0x1  }
0xf: {  	_ =	strace $0x80000047;
	s5 =	sor.u32 s5, s8;
	v1 =	vor.u32 $0x800, v0;
	s10 =	ssub.s32 s7, s9  }
0x10: {  	v2 =	vor.u32 $0x1000, v0;
	v3 =	vor.u32 $0x1800, v0;
	v4 =	vor.u32 $0x2000, v0;
	s0 =	sadd.s32 s0, s5;
	s8 =	sadd.s32 s3, s5;
	s9 =	sadd.s32 s4, s5  }
0x11: {  	v5 =	vor.u32 $0x2800, v0;
	v6 =	vor.u32 $0x3000, v0;
	v7 =	vor.u32 $0x3800, v0;
	s5 =	simm.s32 $0x0;
	[dreg:$0x8] =	wrdreg s0;
	s10 =	smax.u32 s10, $0x1  }
.LBB2_1:
0x12: {  	s0 =	rddreg [dreg:$0x8]  }
0x13: {  	[tilespmem:s6], [sflag:$0x7] =	stream.linear.gather [hbm4b:s0+s6], $0x200, $0x38;
	[tilespmem:$0x18A00] =	vst v63  }
0x14: {  	_ =	swait.ge [sflag:s11], $0x200  }
0x15: {  	[sflag:s11] =	ssyncset.done $0x0  }
0x16: {  	[sflag:s11] =	ssyncadd.s32 $0xFFFFFE00  }
0x17: {  	[tilespmem:s12], [sflag:$0x7] =	stream.linear.gather [hbm4b:s8+s6], $0x200, $0x38;
	[tilespmem:$0x18A00] =	vst v63  }
0x18: {  	_ =	swait.ge [sflag:s11], $0x200  }
0x19: {  	[sflag:s11] =	ssyncset.done $0x0  }
0x1a: {  	[sflag:s11] =	ssyncadd.s32 $0xFFFFFE00  }
0x1b: {  	s3 =	simm.s32 $0x18400;
	s7 =	rddreg [dreg:$0x4]  }
0x1c: {  	[tilespmem:s3], [sflag:$0x5] =	stream.indirect.gather [hbm4b:s7+s12], $0x1, s6, s12, $0xb8;
	[tilespmem:$0x18A00] =	vst v63  }
0x1d: {  	s14 =	simm.s32 $0x18600;
	s13 =	rddreg [dreg:$0x5]  }
0x1e: {  	[tilespmem:s14], [sflag:$0x6] =	stream.indirect.gather [hbm4b:s13+s12], $0x1, s12, s12, $0xb8;
	[tilespmem:$0x18A00] =	vst v63  }
0x1f: {  	v8 =	vld [tilespmem:$0x0];
	_ =	sdelay $0x1  }
0x20: {  	v9 =	vld [tilespmem:$0x200];
	_ =	sdelay $0x2  }
0x21: {  	v8 =	vand.u32 $0xFFFFFF80, v8  }
0x22: {  	v8 =	vadd.s32 s1, v8  }
0x23: {  	v9 =	vand.u32 $0xFFFFFF80, v9;
	(v2sf) =	vpush v8, $0x0  }
0x24: {  	v9 =	vadd.s32 s2, v9  }
0x25: {  	(v2sf) =	vpush v9, $0x0;
	_ =	sdelay $0x1  }
0x26: {  	(v2sf) =	vpush v8, $0x1;
	_ =	sdelay $0x1  }
0x27: {  	(v2sf) =	vpush v9, $0x1;
	_ =	sdelay $0x8  }
0x28: {  	s4 =	spop (v2sf)  }
0x29: {  	[tilespmem:s16], [sflag:$0x1] =	stream.strided.gather [hbm4b:s4+s16], $0x1000, s15, s16, $0x38;
	[tilespmem:$0x18A00] =	vst v63  }
0x2a: {  	s7 =	spop (v2sf)  }
0x2b: {  	[tilespmem:s17], [sflag:$0x2] =	stream.strided.gather [hbm4b:s7+s16], $0x1000, s15, s16, $0x38;
	[tilespmem:$0x18A00] =	vst v63  }
0x2c: {  	s13 =	spop (v2sf)  }
0x2d: {  	[tilespmem:s18], [sflag:$0x1] =	stream.strided.gather [hbm4b:s13+s16], $0x1000, s15, s16, $0x38;
	[tilespmem:$0x18A00] =	vst v63  }
0x2e: {  	s3 =	simm.s32 $0x8800;
	s4 =	simm.s32 $0x0;
	s14 =	spop (v2sf)  }
0x2f: {  	[tilespmem:s19], [sflag:$0x2] =	stream.strided.gather [hbm4b:s14+s16], $0x1000, s15, s16, $0x38;
	[tilespmem:$0x18A00] =	vst v63  }
.LBB2_2:
0x30: {  	s13 =	sshra.s32 s4, $0x2  }
0x31: {  	v8 =	vld [tilespmem:s13+$0x0];
	_ =	sdelay $0x1  }
0x32: {  	v9 =	vld [tilespmem:s13+$0x200];
	_ =	sdelay $0x2  }
0x33: {  	v10 =	vand.u32 $0xFFFFFF80, v8  }
0x34: {  	v10 =	vadd.s32 s1, v10  }
0x35: {  	v11 =	vand.u32 $0xFFFFFF80, v9;
	(v2sf) =	vpush v10, $0x2  }
0x36: {  	v11 =	vadd.s32 s2, v11  }
0x37: {  	(v2sf) =	vpush v11, $0x2;
	_ =	sdelay $0x1  }
0x38: {  	(v2sf) =	vpush v10, $0x3;
	_ =	sdelay $0x1  }
0x39: {  	(v2sf) =	vpush v11, $0x3;
	_ =	sdelay $0x8  }
0x3a: {  	s14 =	spop (v2sf)  }
0x3b: {  	[tilespmem:s20], [sflag:$0x3] =	stream.strided.gather [hbm4b:s14+s16], $0x1000, s15, s16, $0x38;
	[tilespmem:$0x18A00] =	vst v63  }
0x3c: {  	s0 =	spop (v2sf)  }
0x3d: {  	[tilespmem:s21], [sflag:$0x4] =	stream.strided.gather [hbm4b:s0+s16], $0x1000, s15, s16, $0x38;
	[tilespmem:$0x18A00] =	vst v63  }
0x3e: {  	s7 =	spop (v2sf)  }
0x3f: {  	[tilespmem:s22], [sflag:$0x3] =	stream.strided.gather [hbm4b:s7+s16], $0x1000, s15, s16, $0x38;
	[tilespmem:$0x18A00] =	vst v63  }
0x40: {  	s14 =	spop (v2sf)  }
0x41: {  	[tilespmem:s23], [sflag:$0x4] =	stream.strided.gather [hbm4b:s14+s16], $0x1000, s15, s16, $0x38;
	[tilespmem:$0x18A00] =	vst v63  }
0x42: {  	_ =	swait.ge [sflag:s24], $0x1000  }
0x43: {  	[sflag:s24] =	ssyncset.done $0x0  }
0x44: {  	[sflag:s24] =	ssyncadd.s32 $0xFFFFF000  }
0x45: {  	_ =	swait.ge [sflag:s25], $0x1000  }
0x46: {  	v8 =	vand.u32 $0x7F, v8;
	[sflag:s25] =	ssyncset.done $0x0  }
0x47: {  	v12 =	vbroadcast v8, $0x0;
	[sflag:s25] =	ssyncadd.s32 $0xFFFFF000  }
0x48: {  	v9 =	vand.u32 $0x7F, v9;
	_ =	swait.ge [sflag:s24], $0x1000  }
0x49: {  	v13 =	vbroadcast v9, $0x0;
	v14 =	vor.u32 v0, v12;
	[sflag:s24] =	ssyncset.done $0x0  }
0x4a: {  	v12 =	vor.u32 v1, v12;
	[sflag:s24] =	ssyncadd.s32 $0xFFFFF000  }
0x4b: {  	v15 =	vor.u32 v0, v13;
	_ =	swait.ge [sflag:s25], $0x1000  }
0x4c: {  	v13 =	vor.u32 v1, v13;
	[sflag:s25] =	ssyncset.done $0x0  }
0x4d: {  	[sflag:s25] =	ssyncadd.s32 $0xFFFFF000  }
0x4e: {  	v14 =	vld.idx.msk [tilespmem:v14+s16+$0x0], $0xffff  }
0x4f: {  	v12 =	vld.idx.msk [tilespmem:v12+s16+$0x0], $0xffff  }
0x50: {  	v15 =	vld.idx.msk [tilespmem:v15+s17+$0x0], $0xffff  }
0x51: {  	v13 =	vld.idx.msk [tilespmem:v13+s17+$0x0], $0xffff;
	_ =	sdelay $0x2  }
0x52: {  	v16 =	vbroadcast v8, $0x1  }
0x53: {  	v43 =	vbroadcast v9, $0x1  }
0x54: {  	v44 =	vor.u32 v2, v16;
	v14 =	vmul.f32 v15, v14;
	v12 =	vmul.f32 v13, v12  }
0x55: {  	v16 =	vor.u32 v3, v16  }
0x56: {  	v45 =	vor.u32 v2, v43;
	(v2sf) =	vpush v10, $0x4;
	v12 =	vadd.f32 v12, v14  }
0x57: {  	v13 =	vor.u32 v3, v43  }
0x58: {  	(v2sf) =	vpush v11, $0x4;
	[tilespmem:s3+$0xFFFFFC00] =	vst v12  }
0x59: {  	v12 =	vld.idx.msk [tilespmem:v44+s16+$0x0], $0xffff  }
0x5a: {  	(v2sf) =	vpush v10, $0x5;
	v46 =	vld.idx.msk [tilespmem:v16+s16+$0x0], $0xffff  }
0x5b: {  	v14 =	vld.idx.msk [tilespmem:v45+s17+$0x0], $0xffff  }
0x5c: {  	(v2sf) =	vpush v11, $0x5;
	v13 =	vld.idx.msk [tilespmem:v13+s17+$0x0], $0xffff;
	_ =	sdelay $0x4  }
0x5d: {  	v12 =	vmul.f32 v14, v12;
	v13 =	vmul.f32 v13, v46;
	_ =	sdelay $0x1  }
0x5e: {  	v12 =	vadd.f32 v13, v12;
	_ =	sdelay $0x1  }
0x5f: {  	s0 =	spop (v2sf);
	[tilespmem:s3+$0xFFFFFC80] =	vst v12  }
0x60: {  	[tilespmem:s16], [sflag:$0x1] =	stream.strided.gather [hbm4b:s0+s16], $0x1000, s15, s16, $0x38;
	[tilespmem:$0x18A00] =	vst v63  }
0x61: {  	s7 =	spop (v2sf)  }
0x62: {  	[tilespmem:s17], [sflag:$0x2] =	stream.strided.gather [hbm4b:s7+s16], $0x1000, s15, s16, $0x38;
	[tilespmem:$0x18A00] =	vst v63  }
0x63: {  	s14 =	spop (v2sf)  }
0x64: {  	[tilespmem:s18], [sflag:$0x1] =	stream.strided.gather [hbm4b:s14+s16], $0x1000, s15, s16, $0x38;
	[tilespmem:$0x18A00] =	vst v63  }
0x65: {  	s0 =	spop (v2sf)  }
0x66: {  	[tilespmem:s19], [sflag:$0x2] =	stream.strided.gather [hbm4b:s0+s16], $0x1000, s15, s16, $0x38;
	[tilespmem:$0x18A00] =	vst v63  }
0x67: {  	_ =	swait.ge [sflag:s26], $0x1000  }
0x68: {  	[sflag:s26] =	ssyncset.done $0x0  }
0x69: {  	[sflag:s26] =	ssyncadd.s32 $0xFFFFF000  }
0x6a: {  	_ =	swait.ge [sflag:s28], $0x1000  }
0x6b: {  	[sflag:s28] =	ssyncset.done $0x0  }
0x6c: {  	v47 =	vbroadcast v8, $0x2;
	[sflag:s28] =	ssyncadd.s32 $0xFFFFF000  }
0x6d: {  	_ =	swait.ge [sflag:s26], $0x1000  }
0x6e: {  	v48 =	vbroadcast v9, $0x2;
	v49 =	vor.u32 v4, v47;
	[sflag:s26] =	ssyncset.done $0x0  }
0x6f: {  	v12 =	vor.u32 v5, v47;
	[sflag:s26] =	ssyncadd.s32 $0xFFFFF000  }
0x70: {  	v50 =	vor.u32 v4, v48;
	_ =	swait.ge [sflag:s28], $0x1000  }
0x71: {  	v13 =	vor.u32 v5, v48;
	[sflag:s28] =	ssyncset.done $0x0  }
0x72: {  	[sflag:s28] =	ssyncadd.s32 $0xFFFFF000  }
0x73: {  	v14 =	vld.idx.msk [tilespmem:v49+s16+$0x0], $0xffff  }
0x74: {  	v12 =	vld.idx.msk [tilespmem:v12+s16+$0x0], $0xffff  }
0x75: {  	v15 =	vld.idx.msk [tilespmem:v50+s17+$0x0], $0xffff  }
0x76: {  	v13 =	vld.idx.msk [tilespmem:v13+s17+$0x0], $0xffff;
	_ =	sdelay $0x2  }
0x77: {  	v51 =	vbroadcast v8, $0x3  }
0x78: {  	v52 =	vbroadcast v9, $0x3  }
0x79: {  	v53 =	vor.u32 v6, v51;
	v14 =	vmul.f32 v15, v14;
	v12 =	vmul.f32 v13, v12  }
0x7a: {  	v16 =	vor.u32 v7, v51  }
0x7b: {  	v54 =	vor.u32 v6, v52;
	(v2sf) =	vpush v10, $0x6;
	v12 =	vadd.f32 v12, v14  }
0x7c: {  	v13 =	vor.u32 v7, v52  }
0x7d: {  	(v2sf) =	vpush v11, $0x6;
	[tilespmem:s3+$0xFFFFFD00] =	vst v12  }
0x7e: {  	v12 =	vld.idx.msk [tilespmem:v53+s16+$0x0], $0xffff  }
0x7f: {  	(v2sf) =	vpush v10, $0x7;
	v55 =	vld.idx.msk [tilespmem:v16+s16+$0x0], $0xffff  }
0x80: {  	v14 =	vld.idx.msk [tilespmem:v54+s17+$0x0], $0xffff  }
0x81: {  	(v2sf) =	vpush v11, $0x7;
	v13 =	vld.idx.msk [tilespmem:v13+s17+$0x0], $0xffff;
	_ =	sdelay $0x4  }
0x82: {  	v12 =	vmul.f32 v14, v12;
	v13 =	vmul.f32 v13, v55;
	_ =	sdelay $0x1  }
0x83: {  	v12 =	vadd.f32 v13, v12;
	_ =	sdelay $0x1  }
0x84: {  	s7 =	spop (v2sf);
	[tilespmem:s3+$0xFFFFFD80] =	vst v12  }
0x85: {  	[tilespmem:s20], [sflag:$0x3] =	stream.strided.gather [hbm4b:s7+s16], $0x1000, s15, s16, $0x38;
	[tilespmem:$0x18A00] =	vst v63  }
0x86: {  	s14 =	spop (v2sf)  }
0x87: {  	[tilespmem:s21], [sflag:$0x4] =	stream.strided.gather [hbm4b:s14+s16], $0x1000, s15, s16, $0x38;
	[tilespmem:$0x18A00] =	vst v63  }
0x88: {  	s0 =	spop (v2sf)  }
0x89: {  	[tilespmem:s22], [sflag:$0x3] =	stream.strided.gather [hbm4b:s0+s16], $0x1000, s15, s16, $0x38;
	[tilespmem:$0x18A00] =	vst v63  }
0x8a: {  	s7 =	spop (v2sf)  }
0x8b: {  	[tilespmem:s23], [sflag:$0x4] =	stream.strided.gather [hbm4b:s7+s16], $0x1000, s15, s16, $0x38;
	[tilespmem:$0x18A00] =	vst v63  }
0x8c: {  	_ =	swait.ge [sflag:s24], $0x1000  }
0x8d: {  	[sflag:s24] =	ssyncset.done $0x0  }
0x8e: {  	[sflag:s24] =	ssyncadd.s32 $0xFFFFF000  }
0x8f: {  	_ =	swait.ge [sflag:s25], $0x1000  }
0x90: {  	[sflag:s25] =	ssyncset.done $0x0  }
0x91: {  	v56 =	vbroadcast v8, $0x4;
	[sflag:s25] =	ssyncadd.s32 $0xFFFFF000  }
0x92: {  	_ =	swait.ge [sflag:s24], $0x1000  }
0x93: {  	v57 =	vbroadcast v9, $0x4;
	v58 =	vor.u32 v0, v56;
	[sflag:s24] =	ssyncset.done $0x0  }
0x94: {  	v12 =	vor.u32 v1, v56;
	[sflag:s24] =	ssyncadd.s32 $0xFFFFF000  }
0x95: {  	v59 =	vor.u32 v0, v57;
	_ =	swait.ge [sflag:s25], $0x1000  }
0x96: {  	v13 =	vor.u32 v1, v57;
	[sflag:s25] =	ssyncset.done $0x0  }
0x97: {  	[sflag:s25] =	ssyncadd.s32 $0xFFFFF000  }
0x98: {  	v14 =	vld.idx.msk [tilespmem:v58+s16+$0x0], $0xffff  }
0x99: {  	v12 =	vld.idx.msk [tilespmem:v12+s16+$0x0], $0xffff  }
0x9a: {  	v15 =	vld.idx.msk [tilespmem:v59+s17+$0x0], $0xffff  }
0x9b: {  	v13 =	vld.idx.msk [tilespmem:v13+s17+$0x0], $0xffff;
	_ =	sdelay $0x2  }
0x9c: {  	v60 =	vbroadcast v8, $0x5  }
0x9d: {  	v61 =	vbroadcast v9, $0x5  }
0x9e: {  	v62 =	vor.u32 v2, v60;
	v14 =	vmul.f32 v15, v14;
	v12 =	vmul.f32 v13, v12  }
0x9f: {  	v16 =	vor.u32 v3, v60  }
0xa0: {  	v63 =	vor.u32 v2, v61;
	(v2sf) =	vpush v10, $0x8;
	v12 =	vadd.f32 v12, v14  }
0xa1: {  	v13 =	vor.u32 v3, v61  }
0xa2: {  	(v2sf) =	vpush v11, $0x8;
	[tilespmem:s3+$0xFFFFFE00] =	vst v12  }
0xa3: {  	v12 =	vld.idx.msk [tilespmem:v62+s16+$0x0], $0xffff  }
0xa4: {  	(v2sf) =	vpush v10, $0x9;
	v18 =	vld.idx.msk [tilespmem:v16+s16+$0x0], $0xffff  }
0xa5: {  	v14 =	vld.idx.msk [tilespmem:v63+s17+$0x0], $0xffff  }
0xa6: {  	(v2sf) =	vpush v11, $0x9;
	v13 =	vld.idx.msk [tilespmem:v13+s17+$0x0], $0xffff;
	_ =	sdelay $0x4  }
0xa7: {  	v12 =	vmul.f32 v14, v12;
	v13 =	vmul.f32 v13, v18;
	_ =	sdelay $0x1  }
0xa8: {  	v12 =	vadd.f32 v13, v12;
	_ =	sdelay $0x1  }
0xa9: {  	s14 =	spop (v2sf);
	[tilespmem:s3+$0xFFFFFE80] =	vst v12  }
0xaa: {  	[tilespmem:s16], [sflag:$0x1] =	stream.strided.gather [hbm4b:s14+s16], $0x1000, s15, s16, $0x38;
	[tilespmem:$0x18A00] =	vst v63  }
0xab: {  	s0 =	spop (v2sf)  }
0xac: {  	[tilespmem:s17], [sflag:$0x2] =	stream.strided.gather [hbm4b:s0+s16], $0x1000, s15, s16, $0x38;
	[tilespmem:$0x18A00] =	vst v63  }
0xad: {  	s7 =	spop (v2sf)  }
0xae: {  	[tilespmem:s18], [sflag:$0x1] =	stream.strided.gather [hbm4b:s7+s16], $0x1000, s15, s16, $0x38;
	[tilespmem:$0x18A00] =	vst v63  }
0xaf: {  	s14 =	spop (v2sf)  }
0xb0: {  	[tilespmem:s19], [sflag:$0x2] =	stream.strided.gather [hbm4b:s14+s16], $0x1000, s15, s16, $0x38;
	[tilespmem:$0x18A00] =	vst v63  }
0xb1: {  	_ =	swait.ge [sflag:s26], $0x1000  }
0xb2: {  	[sflag:s26] =	ssyncset.done $0x0  }
0xb3: {  	[sflag:s26] =	ssyncadd.s32 $0xFFFFF000  }
0xb4: {  	_ =	swait.ge [sflag:s28], $0x1000  }
0xb5: {  	[sflag:s28] =	ssyncset.done $0x0  }
0xb6: {  	v19 =	vbroadcast v8, $0x6;
	[sflag:s28] =	ssyncadd.s32 $0xFFFFF000  }
0xb7: {  	_ =	swait.ge [sflag:s26], $0x1000  }
0xb8: {  	v20 =	vbroadcast v9, $0x6;
	v21 =	vor.u32 v4, v19;
	[sflag:s26] =	ssyncset.done $0x0  }
0xb9: {  	v12 =	vor.u32 v5, v19;
	[sflag:s26] =	ssyncadd.s32 $0xFFFFF000  }
0xba: {  	v22 =	vor.u32 v4, v20;
	_ =	swait.ge [sflag:s28], $0x1000  }
0xbb: {  	v13 =	vor.u32 v5, v20;
	[sflag:s28] =	ssyncset.done $0x0  }
0xbc: {  	[sflag:s28] =	ssyncadd.s32 $0xFFFFF000  }
0xbd: {  	v14 =	vld.idx.msk [tilespmem:v21+s16+$0x0], $0xffff  }
0xbe: {  	v12 =	vld.idx.msk [tilespmem:v12+s16+$0x0], $0xffff  }
0xbf: {  	v15 =	vld.idx.msk [tilespmem:v22+s17+$0x0], $0xffff  }
0xc0: {  	v13 =	vld.idx.msk [tilespmem:v13+s17+$0x0], $0xffff;
	_ =	sdelay $0x2  }
0xc1: {  	v23 =	vbroadcast v8, $0x7  }
0xc2: {  	v24 =	vbroadcast v9, $0x7  }
0xc3: {  	v25 =	vor.u32 v6, v23;
	v14 =	vmul.f32 v15, v14;
	v12 =	vmul.f32 v13, v12  }
0xc4: {  	v16 =	vor.u32 v7, v23  }
0xc5: {  	v26 =	vor.u32 v6, v24;
	(v2sf) =	vpush v10, $0xA;
	v12 =	vadd.f32 v12, v14  }
0xc6: {  	v13 =	vor.u32 v7, v24  }
0xc7: {  	(v2sf) =	vpush v11, $0xA;
	[tilespmem:s3+$0xFFFFFF00] =	vst v12  }
0xc8: {  	v12 =	vld.idx.msk [tilespmem:v25+s16+$0x0], $0xffff  }
0xc9: {  	(v2sf) =	vpush v10, $0xB;
	v27 =	vld.idx.msk [tilespmem:v16+s16+$0x0], $0xffff  }
0xca: {  	v14 =	vld.idx.msk [tilespmem:v26+s17+$0x0], $0xffff  }
0xcb: {  	(v2sf) =	vpush v11, $0xB;
	v13 =	vld.idx.msk [tilespmem:v13+s17+$0x0], $0xffff;
	_ =	sdelay $0x4  }
0xcc: {  	v12 =	vmul.f32 v14, v12;
	v13 =	vmul.f32 v13, v27;
	_ =	sdelay $0x1  }
0xcd: {  	v12 =	vadd.f32 v13, v12;
	_ =	sdelay $0x1  }
0xce: {  	s0 =	spop (v2sf);
	[tilespmem:s3+$0xFFFFFF80] =	vst v12  }
0xcf: {  	[tilespmem:s20], [sflag:$0x3] =	stream.strided.gather [hbm4b:s0+s16], $0x1000, s15, s16, $0x38;
	[tilespmem:$0x18A00] =	vst v63  }
0xd0: {  	s7 =	spop (v2sf)  }
0xd1: {  	[tilespmem:s21], [sflag:$0x4] =	stream.strided.gather [hbm4b:s7+s16], $0x1000, s15, s16, $0x38;
	[tilespmem:$0x18A00] =	vst v63  }
0xd2: {  	s14 =	spop (v2sf)  }
0xd3: {  	[tilespmem:s22], [sflag:$0x3] =	stream.strided.gather [hbm4b:s14+s16], $0x1000, s15, s16, $0x38;
	[tilespmem:$0x18A00] =	vst v63  }
0xd4: {  	s0 =	spop (v2sf)  }
0xd5: {  	[tilespmem:s23], [sflag:$0x4] =	stream.strided.gather [hbm4b:s0+s16], $0x1000, s15, s16, $0x38;
	[tilespmem:$0x18A00] =	vst v63  }
0xd6: {  	_ =	swait.ge [sflag:s24], $0x1000  }
0xd7: {  	[sflag:s24] =	ssyncset.done $0x0  }
0xd8: {  	[sflag:s24] =	ssyncadd.s32 $0xFFFFF000  }
0xd9: {  	_ =	swait.ge [sflag:s25], $0x1000  }
0xda: {  	[sflag:s25] =	ssyncset.done $0x0  }
0xdb: {  	v28 =	vbroadcast v8, $0x8;
	[sflag:s25] =	ssyncadd.s32 $0xFFFFF000  }
0xdc: {  	_ =	swait.ge [sflag:s24], $0x1000  }
0xdd: {  	v29 =	vbroadcast v9, $0x8;
	v30 =	vor.u32 v0, v28;
	[sflag:s24] =	ssyncset.done $0x0  }
0xde: {  	v12 =	vor.u32 v1, v28;
	[sflag:s24] =	ssyncadd.s32 $0xFFFFF000  }
0xdf: {  	v31 =	vor.u32 v0, v29;
	_ =	swait.ge [sflag:s25], $0x1000  }
0xe0: {  	v13 =	vor.u32 v1, v29;
	[sflag:s25] =	ssyncset.done $0x0  }
0xe1: {  	[sflag:s25] =	ssyncadd.s32 $0xFFFFF000  }
0xe2: {  	v14 =	vld.idx.msk [tilespmem:v30+s16+$0x0], $0xffff  }
0xe3: {  	v12 =	vld.idx.msk [tilespmem:v12+s16+$0x0], $0xffff  }
0xe4: {  	v15 =	vld.idx.msk [tilespmem:v31+s17+$0x0], $0xffff  }
0xe5: {  	v13 =	vld.idx.msk [tilespmem:v13+s17+$0x0], $0xffff;
	_ =	sdelay $0x2  }
0xe6: {  	v32 =	vbroadcast v8, $0x9  }
0xe7: {  	v33 =	vbroadcast v9, $0x9  }
0xe8: {  	v34 =	vor.u32 v2, v32;
	v14 =	vmul.f32 v15, v14;
	v12 =	vmul.f32 v13, v12  }
0xe9: {  	v16 =	vor.u32 v3, v32  }
0xea: {  	v35 =	vor.u32 v2, v33;
	(v2sf) =	vpush v10, $0xC;
	v12 =	vadd.f32 v12, v14  }
0xeb: {  	v13 =	vor.u32 v3, v33  }
0xec: {  	(v2sf) =	vpush v11, $0xC;
	[tilespmem:s3+$0x0] =	vst v12  }
0xed: {  	v12 =	vld.idx.msk [tilespmem:v34+s16+$0x0], $0xffff  }
0xee: {  	(v2sf) =	vpush v10, $0xD;
	v36 =	vld.idx.msk [tilespmem:v16+s16+$0x0], $0xffff  }
0xef: {  	v14 =	vld.idx.msk [tilespmem:v35+s17+$0x0], $0xffff  }
0xf0: {  	(v2sf) =	vpush v11, $0xD;
	v13 =	vld.idx.msk [tilespmem:v13+s17+$0x0], $0xffff;
	_ =	sdelay $0x4  }
0xf1: {  	v12 =	vmul.f32 v14, v12;
	v13 =	vmul.f32 v13, v36;
	_ =	sdelay $0x1  }
0xf2: {  	v12 =	vadd.f32 v13, v12;
	_ =	sdelay $0x1  }
0xf3: {  	s7 =	spop (v2sf);
	[tilespmem:s3+$0x80] =	vst v12  }
0xf4: {  	[tilespmem:s16], [sflag:$0x1] =	stream.strided.gather [hbm4b:s7+s16], $0x1000, s15, s16, $0x38;
	[tilespmem:$0x18A00] =	vst v63  }
0xf5: {  	s14 =	spop (v2sf)  }
0xf6: {  	[tilespmem:s17], [sflag:$0x2] =	stream.strided.gather [hbm4b:s14+s16], $0x1000, s15, s16, $0x38;
	[tilespmem:$0x18A00] =	vst v63  }
0xf7: {  	s0 =	spop (v2sf)  }
0xf8: {  	[tilespmem:s18], [sflag:$0x1] =	stream.strided.gather [hbm4b:s0+s16], $0x1000, s15, s16, $0x38;
	[tilespmem:$0x18A00] =	vst v63  }
0xf9: {  	s7 =	spop (v2sf)  }
0xfa: {  	[tilespmem:s19], [sflag:$0x2] =	stream.strided.gather [hbm4b:s7+s16], $0x1000, s15, s16, $0x38;
	[tilespmem:$0x18A00] =	vst v63  }
0xfb: {  	_ =	swait.ge [sflag:s26], $0x1000  }
0xfc: {  	[sflag:s26] =	ssyncset.done $0x0  }
0xfd: {  	[sflag:s26] =	ssyncadd.s32 $0xFFFFF000  }
0xfe: {  	_ =	swait.ge [sflag:s28], $0x1000  }
0xff: {  	[sflag:s28] =	ssyncset.done $0x0  }
0x100: {  	v37 =	vbroadcast v8, $0xA;
	[sflag:s28] =	ssyncadd.s32 $0xFFFFF000  }
0x101: {  	_ =	swait.ge [sflag:s26], $0x1000  }
0x102: {  	v38 =	vbroadcast v9, $0xA;
	v39 =	vor.u32 v4, v37;
	[sflag:s26] =	ssyncset.done $0x0  }
0x103: {  	v12 =	vor.u32 v5, v37;
	[sflag:s26] =	ssyncadd.s32 $0xFFFFF000  }
0x104: {  	v40 =	vor.u32 v4, v38;
	_ =	swait.ge [sflag:s28], $0x1000  }
0x105: {  	v13 =	vor.u32 v5, v38;
	[sflag:s28] =	ssyncset.done $0x0  }
0x106: {  	[sflag:s28] =	ssyncadd.s32 $0xFFFFF000  }
0x107: {  	v14 =	vld.idx.msk [tilespmem:v39+s16+$0x0], $0xffff  }
0x108: {  	v12 =	vld.idx.msk [tilespmem:v12+s16+$0x0], $0xffff  }
0x109: {  	v15 =	vld.idx.msk [tilespmem:v40+s17+$0x0], $0xffff  }
0x10a: {  	v13 =	vld.idx.msk [tilespmem:v13+s17+$0x0], $0xffff;
	_ =	sdelay $0x2  }
0x10b: {  	v41 =	vbroadcast v8, $0xB  }
0x10c: {  	v42 =	vbroadcast v9, $0xB  }
0x10d: {  	v43 =	vor.u32 v6, v41;
	v14 =	vmul.f32 v15, v14;
	v12 =	vmul.f32 v13, v12  }
0x10e: {  	v16 =	vor.u32 v7, v41  }
0x10f: {  	v44 =	vor.u32 v6, v42;
	(v2sf) =	vpush v10, $0xE;
	v12 =	vadd.f32 v12, v14  }
0x110: {  	v13 =	vor.u32 v7, v42  }
0x111: {  	(v2sf) =	vpush v11, $0xE;
	[tilespmem:s3+$0x100] =	vst v12  }
0x112: {  	v12 =	vld.idx.msk [tilespmem:v43+s16+$0x0], $0xffff  }
0x113: {  	(v2sf) =	vpush v10, $0xF;
	v45 =	vld.idx.msk [tilespmem:v16+s16+$0x0], $0xffff  }
0x114: {  	v46 =	vld.idx.msk [tilespmem:v44+s17+$0x0], $0xffff  }
0x115: {  	(v2sf) =	vpush v11, $0xF;
	v13 =	vld.idx.msk [tilespmem:v13+s17+$0x0], $0xffff;
	_ =	sdelay $0x4  }
0x116: {  	v10 =	vmul.f32 v46, v12;
	v47 =	vmul.f32 v13, v45;
	_ =	sdelay $0x1  }
0x117: {  	v10 =	vadd.f32 v47, v10;
	_ =	sdelay $0x1  }
0x118: {  	s14 =	spop (v2sf);
	[tilespmem:s3+$0x180] =	vst v10  }
0x119: {  	[tilespmem:s20], [sflag:$0x3] =	stream.strided.gather [hbm4b:s14+s16], $0x1000, s15, s16, $0x38;
	[tilespmem:$0x18A00] =	vst v63  }
0x11a: {  	s0 =	spop (v2sf)  }
0x11b: {  	[tilespmem:s21], [sflag:$0x4] =	stream.strided.gather [hbm4b:s0+s16], $0x1000, s15, s16, $0x38;
	[tilespmem:$0x18A00] =	vst v63  }
0x11c: {  	s7 =	spop (v2sf)  }
0x11d: {  	[tilespmem:s22], [sflag:$0x3] =	stream.strided.gather [hbm4b:s7+s16], $0x1000, s15, s16, $0x38;
	[tilespmem:$0x18A00] =	vst v63  }
0x11e: {  	s14 =	spop (v2sf)  }
0x11f: {  	[tilespmem:s23], [sflag:$0x4] =	stream.strided.gather [hbm4b:s14+s16], $0x1000, s15, s16, $0x38;
	[tilespmem:$0x18A00] =	vst v63  }
0x120: {  	_ =	swait.ge [sflag:s24], $0x1000  }
0x121: {  	[sflag:s24] =	ssyncset.done $0x0  }
0x122: {  	[sflag:s24] =	ssyncadd.s32 $0xFFFFF000  }
0x123: {  	_ =	swait.ge [sflag:s25], $0x1000  }
0x124: {  	[sflag:s25] =	ssyncset.done $0x0  }
0x125: {  	v48 =	vbroadcast v8, $0xC;
	[sflag:s25] =	ssyncadd.s32 $0xFFFFF000  }
0x126: {  	_ =	swait.ge [sflag:s24], $0x1000  }
0x127: {  	v49 =	vbroadcast v9, $0xC;
	v50 =	vor.u32 v0, v48;
	[sflag:s24] =	ssyncset.done $0x0  }
0x128: {  	v10 =	vor.u32 v1, v48;
	[sflag:s24] =	ssyncadd.s32 $0xFFFFF000  }
0x129: {  	v51 =	vor.u32 v0, v49;
	_ =	swait.ge [sflag:s25], $0x1000  }
0x12a: {  	v11 =	vor.u32 v1, v49;
	[sflag:s25] =	ssyncset.done $0x0  }
0x12b: {  	[sflag:s25] =	ssyncadd.s32 $0xFFFFF000  }
0x12c: {  	v12 =	vld.idx.msk [tilespmem:v50+s16+$0x0], $0xffff  }
0x12d: {  	v10 =	vld.idx.msk [tilespmem:v10+s16+$0x0], $0xffff  }
0x12e: {  	v13 =	vld.idx.msk [tilespmem:v51+s17+$0x0], $0xffff  }
0x12f: {  	v11 =	vld.idx.msk [tilespmem:v11+s17+$0x0], $0xffff;
	_ =	sdelay $0x2  }
0x130: {  	v52 =	vbroadcast v8, $0xD  }
0x131: {  	v53 =	vbroadcast v9, $0xD  }
0x132: {  	v54 =	vor.u32 v2, v52;
	v12 =	vmul.f32 v13, v12;
	v10 =	vmul.f32 v11, v10  }
0x133: {  	v14 =	vor.u32 v3, v52  }
0x134: {  	v55 =	vor.u32 v2, v53;
	v10 =	vadd.f32 v10, v12  }
0x135: {  	v11 =	vor.u32 v3, v53  }
0x136: {  	[tilespmem:s3+$0x200] =	vst v10  }
0x137: {  	v10 =	vld.idx.msk [tilespmem:v54+s16+$0x0], $0xffff  }
0x138: {  	v56 =	vld.idx.msk [tilespmem:v14+s16+$0x0], $0xffff  }
0x139: {  	v12 =	vld.idx.msk [tilespmem:v55+s17+$0x0], $0xffff  }
0x13a: {  	v11 =	vld.idx.msk [tilespmem:v11+s17+$0x0], $0xffff;
	_ =	sdelay $0x4  }
0x13b: {  	v10 =	vmul.f32 v12, v10;
	v11 =	vmul.f32 v11, v56;
	_ =	sdelay $0x1  }
0x13c: {  	v10 =	vadd.f32 v11, v10  }
0x13d: {  	p0 =	seq.s32 s4, $0x7C0  }
0x13e: {  	s13 =	sshra.s32 @!p0 s4, $0x2;
	[tilespmem:s3+$0x280] =	vst v10  }
0x13f: {  	v10 =	vld @!p0 [tilespmem:s13+$0x10];
	_ =	sdelay $0x1  }
0x140: {  	v11 =	vld @!p0 [tilespmem:s13+$0x210];
	_ =	sdelay $0x2  }
0x141: {  	v10 =	vand.u32 @!p0 $0xFFFFFF80, v10  }
0x142: {  	v10 =	vadd.s32 @!p0 s1, v10  }
0x143: {  	v11 =	vand.u32 @!p0 $0xFFFFFF80, v11;
	(v2sf) =	vpush @!p0 v10, $0x0  }
0x144: {  	v11 =	vadd.s32 @!p0 s2, v11  }
0x145: {  	(v2sf) =	vpush @!p0 v11, $0x0;
	_ =	sdelay $0x1  }
0x146: {  	(v2sf) =	vpush @!p0 v10, $0x1;
	_ =	sdelay $0x1  }
0x147: {  	(v2sf) =	vpush @!p0 v11, $0x1;
	_ =	sdelay $0x8  }
0x148: {  	s0 =	simm.s32 @!p0 $0x400;
	s14 =	simm.s32 @!p0 $0x7A1400;
	s13 =	spop @!p0 (v2sf)  }
0x149: {  	[tilespmem:s0], [sflag:$0x1] =	stream.strided.gather @!p0 [hbm4b:s13+s0], $0x1000, s14, s0, $0x38;
	[tilespmem:$0x18A00] =	vst v63  }
0x14a: {  	s7 =	simm.s32 @!p0 $0x4400;
	s13 =	spop @!p0 (v2sf)  }
0x14b: {  	[tilespmem:s7], [sflag:$0x2] =	stream.strided.gather @!p0 [hbm4b:s13+s0], $0x1000, s14, s0, $0x38;
	[tilespmem:$0x18A00] =	vst v63  }
0x14c: {  	s7 =	spop @!p0 (v2sf);
	s13 =	simm.s32 @!p0 $0x1400  }
0x14d: {  	[tilespmem:s13], [sflag:$0x1] =	stream.strided.gather @!p0 [hbm4b:s7+s0], $0x1000, s14, s0, $0x38;
	[tilespmem:$0x18A00] =	vst v63  }
0x14e: {  	s7 =	spop @!p0 (v2sf);
	s13 =	simm.s32 @!p0 $0x5400  }
0x14f: {  	[tilespmem:s13], [sflag:$0x2] =	stream.strided.gather @!p0 [hbm4b:s7+s0], $0x1000, s14, s0, $0x38;
	[tilespmem:$0x18A00] =	vst v63  }
0x150: {  	_ =	swait.ge [sflag:s26], $0x1000  }
0x151: {  	[sflag:s26] =	ssyncset.done $0x0  }
0x152: {  	[sflag:s26] =	ssyncadd.s32 $0xFFFFF000  }
0x153: {  	_ =	swait.ge [sflag:s28], $0x1000  }
0x154: {  	[sflag:s28] =	ssyncset.done $0x0  }
0x155: {  	v57 =	vbroadcast v8, $0xE;
	[sflag:s28] =	ssyncadd.s32 $0xFFFFF000  }
0x156: {  	_ =	swait.ge [sflag:s26], $0x1000  }
0x157: {  	v58 =	vbroadcast v9, $0xE;
	v59 =	vor.u32 v4, v57;
	[sflag:s26] =	ssyncset.done $0x0  }
0x158: {  	v10 =	vor.u32 v5, v57;
	[sflag:s26] =	ssyncadd.s32 $0xFFFFF000  }
0x159: {  	v60 =	vor.u32 v4, v58;
	_ =	swait.ge [sflag:s28], $0x1000  }
0x15a: {  	v11 =	vor.u32 v5, v58;
	[sflag:s28] =	ssyncset.done $0x0  }
0x15b: {  	[sflag:s28] =	ssyncadd.s32 $0xFFFFF000  }
0x15c: {  	v12 =	vld.idx.msk [tilespmem:v59+s16+$0x0], $0xffff  }
0x15d: {  	v10 =	vld.idx.msk [tilespmem:v10+s16+$0x0], $0xffff  }
0x15e: {  	v13 =	vld.idx.msk [tilespmem:v60+s17+$0x0], $0xffff  }
0x15f: {  	v11 =	vld.idx.msk [tilespmem:v11+s17+$0x0], $0xffff;
	_ =	sdelay $0x2  }
0x160: {  	v8 =	vbroadcast v8, $0xF  }
0x161: {  	v9 =	vbroadcast v9, $0xF  }
0x162: {  	v61 =	vor.u32 v6, v8;
	v12 =	vmul.f32 v13, v12;
	v10 =	vmul.f32 v11, v10  }
0x163: {  	v8 =	vor.u32 v7, v8  }
0x164: {  	v62 =	vor.u32 v6, v9;
	v10 =	vadd.f32 v10, v12  }
0x165: {  	v9 =	vor.u32 v7, v9  }
0x166: {  	[tilespmem:s3+$0x300] =	vst v10  }
0x167: {  	v10 =	vld.idx.msk [tilespmem:v61+s16+$0x0], $0xffff  }
0x168: {  	v8 =	vld.idx.msk [tilespmem:v8+s16+$0x0], $0xffff  }
0x169: {  	v63 =	vld.idx.msk [tilespmem:v62+s17+$0x0], $0xffff  }
0x16a: {  	v9 =	vld.idx.msk [tilespmem:v9+s17+$0x0], $0xffff;
	_ =	sdelay $0x2  }
0x16b: {  	s4 =	sadd.s32 $0x40, s4  }
0x16c: {  	p0 =	sne.s32 s4, $0x800  }
.Ltmp0:
0x16d: {  	v10 =	vmul.f32 v63, v10;
	v8 =	vmul.f32 v9, v8;
	(pc) =	sbr.rel @p0 .LBB2_2-.Ltmp0, $3  }
0x16e: {  	_ = 	snop  }
0x16f: {  	v8 =	vadd.f32 v8, v10;
	_ =	sdelay $0x1  }
0x170: {  	[tilespmem:s3+$0x380] =	vst v8;
	s3 =	sadd.s32 $0x800, s3  }
0x171: {  	_ =	swait.ge [sflag:s29], $0x200  }
0x172: {  	s0 =	simm.s32 $0x0;
	[sflag:s29] =	ssyncset.done $0x0  }
0x173: {  	v8 =	vmov s0;
	[sflag:s29] =	ssyncadd.s32 $0xFFFFFE00  }
0x174: {  	v8 =	vshll.u32 v8, $0x7;
	_ =	swait.ge [sflag:s30], $0x200  }
0x175: {  	v8 =	vor.u32 v0, v8;
	[sflag:s30] =	ssyncset.done $0x0  }
0x176: {  	s7 =	simm.s32 $0x18600;
	[sflag:s30] =	ssyncadd.s32 $0xFFFFFE00  }
0x177: {  	s3 =	simm.s32 $0x18400;
	v9 =	vor.u32 $0x1, v8;
	v10 =	vld [tilespmem:s7+$0x0]  }
0x178: {  	v11 =	vld [tilespmem:s3+$0x0]  }
0x179: {  	v12 =	vor.u32 $0x2, v8  }
0x17a: {  	v13 =	vld.idx.msk [tilespmem:v8+s31+$0x0], $0xffff  }
0x17b: {  	v14 =	vor.u32 $0x3, v8  }
0x17c: {  	v9 =	vld.idx.msk [tilespmem:v9+s31+$0x0], $0xffff  }
0x17d: {  	v15 =	vor.u32 $0x4, v8;
	v10 =	vadd.f32 v10, v11  }
0x17e: {  	v11 =	vld.idx.msk [tilespmem:v12+s31+$0x0], $0xffff  }
0x17f: {  	v32 =	vor.u32 $0x5, v8;
	v10 =	vadd.f32 v13, v10  }
0x180: {  	v33 =	vld.idx.msk [tilespmem:v14+s31+$0x0], $0xffff  }
0x181: {  	v34 =	vor.u32 $0x6, v8;
	v9 =	vadd.f32 v9, v10  }
0x182: {  	v10 =	vld.idx.msk [tilespmem:v15+s31+$0x0], $0xffff  }
0x183: {  	v35 =	vor.u32 $0x7, v8;
	v9 =	vadd.f32 v11, v9  }
0x184: {  	v11 =	vld.idx.msk [tilespmem:v32+s31+$0x0], $0xffff  }
0x185: {  	v36 =	vor.u32 $0x8, v8;
	v9 =	vadd.f32 v33, v9  }
0x186: {  	v37 =	vld.idx.msk [tilespmem:v34+s31+$0x0], $0xffff  }
0x187: {  	v38 =	vor.u32 $0x9, v8;
	v9 =	vadd.f32 v10, v9  }
0x188: {  	v10 =	vld.idx.msk [tilespmem:v35+s31+$0x0], $0xffff  }
0x189: {  	v39 =	vor.u32 $0xA, v8;
	v9 =	vadd.f32 v11, v9  }
0x18a: {  	v11 =	vld.idx.msk [tilespmem:v36+s31+$0x0], $0xffff  }
0x18b: {  	v40 =	vor.u32 $0xB, v8;
	v9 =	vadd.f32 v37, v9  }
0x18c: {  	v41 =	vld.idx.msk [tilespmem:v38+s31+$0x0], $0xffff  }
0x18d: {  	v42 =	vor.u32 $0xC, v8;
	v9 =	vadd.f32 v10, v9  }
0x18e: {  	v10 =	vld.idx.msk [tilespmem:v39+s31+$0x0], $0xffff  }
0x18f: {  	v43 =	vor.u32 $0xD, v8;
	v9 =	vadd.f32 v11, v9  }
0x190: {  	v11 =	vld.idx.msk [tilespmem:v40+s31+$0x0], $0xffff  }
0x191: {  	v44 =	vor.u32 $0xE, v8;
	v9 =	vadd.f32 v41, v9  }
0x192: {  	v45 =	vld.idx.msk [tilespmem:v42+s31+$0x0], $0xffff  }
0x193: {  	v8 =	vor.u32 $0xF, v8;
	v9 =	vadd.f32 v10, v9  }
0x194: {  	v10 =	vld.idx.msk [tilespmem:v43+s31+$0x0], $0xffff  }
0x195: {  	v9 =	vadd.f32 v11, v9  }
0x196: {  	v11 =	vld.idx.msk [tilespmem:v44+s31+$0x0], $0xffff  }
0x197: {  	v9 =	vadd.f32 v45, v9  }
0x198: {  	v8 =	vld.idx.msk [tilespmem:v8+s31+$0x0], $0xffff  }
0x199: {  	v9 =	vadd.f32 v10, v9;
	_ =	sdelay $0x1  }
0x19a: {  	s13 =	simm.s32 $0x10;
	v9 =	vadd.f32 v11, v9  }
0x19b: {  	v10 =	vmov s13  }
0x19c: {  	v10 =	vshll.u32 v10, $0x7;
	v8 =	vadd.f32 v8, v9  }
0x19d: {  	s3 =	simm.s32 $0x18800;
	v9 =	vor.u32 v0, v10  }
0x19e: {  	s4 =	simm.s32 $0x18610;
	[tilespmem:s3+$0x0] =	vst v8  }
0x19f: {  	s13 =	simm.s32 $0x18410;
	v8 =	vor.u32 $0x1, v9;
	v10 =	vld [tilespmem:s4+$0x0]  }
0x1a0: {  	v11 =	vld [tilespmem:s13+$0x0]  }
0x1a1: {  	v46 =	vor.u32 $0x2, v9  }
0x1a2: {  	v47 =	vld.idx.msk [tilespmem:v9+s31+$0x0], $0xffff  }
0x1a3: {  	v48 =	vor.u32 $0x3, v9  }
0x1a4: {  	v8 =	vld.idx.msk [tilespmem:v8+s31+$0x0], $0xffff  }
0x1a5: {  	v49 =	vor.u32 $0x4, v9;
	v10 =	vadd.f32 v10, v11  }
0x1a6: {  	v11 =	vld.idx.msk [tilespmem:v46+s31+$0x0], $0xffff  }
0x1a7: {  	v50 =	vor.u32 $0x5, v9;
	v10 =	vadd.f32 v47, v10  }
0x1a8: {  	v51 =	vld.idx.msk [tilespmem:v48+s31+$0x0], $0xffff  }
0x1a9: {  	v52 =	vor.u32 $0x6, v9;
	v8 =	vadd.f32 v8, v10  }
0x1aa: {  	v10 =	vld.idx.msk [tilespmem:v49+s31+$0x0], $0xffff  }
0x1ab: {  	v53 =	vor.u32 $0x7, v9;
	v8 =	vadd.f32 v11, v8  }
0x1ac: {  	v11 =	vld.idx.msk [tilespmem:v50+s31+$0x0], $0xffff  }
0x1ad: {  	v54 =	vor.u32 $0x8, v9;
	v8 =	vadd.f32 v51, v8  }
0x1ae: {  	v55 =	vld.idx.msk [tilespmem:v52+s31+$0x0], $0xffff  }
0x1af: {  	v56 =	vor.u32 $0x9, v9;
	v8 =	vadd.f32 v10, v8  }
0x1b0: {  	v10 =	vld.idx.msk [tilespmem:v53+s31+$0x0], $0xffff  }
0x1b1: {  	v57 =	vor.u32 $0xA, v9;
	v8 =	vadd.f32 v11, v8  }
0x1b2: {  	v11 =	vld.idx.msk [tilespmem:v54+s31+$0x0], $0xffff  }
0x1b3: {  	v58 =	vor.u32 $0xB, v9;
	v8 =	vadd.f32 v55, v8  }
0x1b4: {  	v59 =	vld.idx.msk [tilespmem:v56+s31+$0x0], $0xffff  }
0x1b5: {  	v60 =	vor.u32 $0xC, v9;
	v8 =	vadd.f32 v10, v8  }
0x1b6: {  	v10 =	vld.idx.msk [tilespmem:v57+s31+$0x0], $0xffff  }
0x1b7: {  	v61 =	vor.u32 $0xD, v9;
	v8 =	vadd.f32 v11, v8  }
0x1b8: {  	v11 =	vld.idx.msk [tilespmem:v58+s31+$0x0], $0xffff  }
0x1b9: {  	v8 =	vadd.f32 v59, v8  }
0x1ba: {  	v62 =	vor.u32 $0xE, v9;
	v63 =	vld.idx.msk [tilespmem:v60+s31+$0x0], $0xffff  }
0x1bb: {  	v8 =	vadd.f32 v10, v8  }
0x1bc: {  	v9 =	vor.u32 $0xF, v9;
	v10 =	vld.idx.msk [tilespmem:v61+s31+$0x0], $0xffff  }
0x1bd: {  	v8 =	vadd.f32 v11, v8;
	_ =	sdelay $0x1  }
0x1be: {  	v11 =	vld.idx.msk [tilespmem:v62+s31+$0x0], $0xffff;
	v8 =	vadd.f32 v63, v8;
	_ =	sdelay $0x1  }
0x1bf: {  	v10 =	vadd.f32 v10, v8;
	v8 =	vld.idx.msk [tilespmem:v9+s31+$0x0], $0xffff;
	_ =	sdelay $0x1  }
0x1c0: {  	s14 =	simm.s32 $0x20  }
0x1c1: {  	v9 =	vmov s14;
	s14 =	simm.s32 $0x30;
	v10 =	vadd.f32 v11, v10  }
.LBB2_4:
0x1c2: {  	p0 =	sne.s32 s14, $0x1F0;
	v9 =	vshll.u32 v9, $0x7  }
0x1c3: {  	v9 =	vor.u32 v0, v9;
	v8 =	vadd.f32 v8, v10  }
0x1c4: {  	s3 =	sadd.s32 $0x10, s3  }
0x1c5: {  	s4 =	sadd.s32 $0x10, s4;
	v10 =	vor.u32 $0x1, v9;
	[tilespmem:s3+$0x0] =	vst v8  }
0x1c6: {  	s13 =	sadd.s32 $0x10, s13;
	v8 =	vld [tilespmem:s4+$0x0]  }
0x1c7: {  	v12 =	vor.u32 $0x2, v9;
	v11 =	vld [tilespmem:s13+$0x0]  }
0x1c8: {  	v13 =	vld.idx.msk [tilespmem:v9+s31+$0x0], $0xffff  }
0x1c9: {  	v14 =	vor.u32 $0x3, v9  }
0x1ca: {  	v10 =	vld.idx.msk [tilespmem:v10+s31+$0x0], $0xffff  }
0x1cb: {  	v15 =	vor.u32 $0x4, v9  }
0x1cc: {  	v8 =	vadd.f32 v8, v11;
	v11 =	vld.idx.msk [tilespmem:v12+s31+$0x0], $0xffff  }
0x1cd: {  	v12 =	vor.u32 $0x5, v9  }
0x1ce: {  	v8 =	vadd.f32 v13, v8;
	v13 =	vld.idx.msk [tilespmem:v14+s31+$0x0], $0xffff  }
0x1cf: {  	v14 =	vor.u32 $0x6, v9  }
0x1d0: {  	v8 =	vadd.f32 v10, v8;
	v10 =	vld.idx.msk [tilespmem:v15+s31+$0x0], $0xffff  }
0x1d1: {  	v15 =	vor.u32 $0x7, v9  }
0x1d2: {  	v8 =	vadd.f32 v11, v8;
	v11 =	vld.idx.msk [tilespmem:v12+s31+$0x0], $0xffff  }
0x1d3: {  	v12 =	vor.u32 $0x8, v9  }
0x1d4: {  	v8 =	vadd.f32 v13, v8;
	v13 =	vld.idx.msk [tilespmem:v14+s31+$0x0], $0xffff  }
0x1d5: {  	v14 =	vor.u32 $0x9, v9  }
0x1d6: {  	v8 =	vadd.f32 v10, v8;
	v10 =	vld.idx.msk [tilespmem:v15+s31+$0x0], $0xffff  }
0x1d7: {  	v15 =	vor.u32 $0xA, v9  }
0x1d8: {  	v8 =	vadd.f32 v11, v8;
	v11 =	vld.idx.msk [tilespmem:v12+s31+$0x0], $0xffff  }
0x1d9: {  	v12 =	vor.u32 $0xB, v9  }
0x1da: {  	v8 =	vadd.f32 v13, v8;
	v13 =	vld.idx.msk [tilespmem:v14+s31+$0x0], $0xffff  }
0x1db: {  	v14 =	vor.u32 $0xC, v9  }
0x1dc: {  	v8 =	vadd.f32 v10, v8;
	v10 =	vld.idx.msk [tilespmem:v15+s31+$0x0], $0xffff  }
0x1dd: {  	v15 =	vor.u32 $0xD, v9  }
0x1de: {  	v8 =	vadd.f32 v11, v8;
	v11 =	vld.idx.msk [tilespmem:v12+s31+$0x0], $0xffff  }
0x1df: {  	v12 =	vor.u32 $0xE, v9  }
0x1e0: {  	v8 =	vadd.f32 v13, v8;
	v13 =	vld.idx.msk [tilespmem:v14+s31+$0x0], $0xffff  }
0x1e1: {  	v9 =	vor.u32 $0xF, v9  }
0x1e2: {  	v8 =	vadd.f32 v10, v8;
	v10 =	vld.idx.msk [tilespmem:v15+s31+$0x0], $0xffff;
	_ =	sdelay $0x1  }
0x1e3: {  	v8 =	vadd.f32 v11, v8;
	v11 =	vld.idx.msk [tilespmem:v12+s31+$0x0], $0xffff;
	_ =	sdelay $0x1  }
.Ltmp1:
0x1e4: {  	v12 =	vadd.f32 v13, v8;
	v8 =	vld.idx.msk [tilespmem:v9+s31+$0x0], $0xffff;
	(pc) =	sbr.rel @p0 .LBB2_4-.Ltmp1, $3  }
0x1e5: {  	_ = 	snop  }
0x1e6: {  	v10 =	vadd.f32 v10, v12;
	_ =	sdelay $0x1  }
0x1e7: {  	v9 =	vmov s14;
	s14 =	sadd.s32 $0x10, s14;
	v10 =	vadd.f32 v11, v10  }
0x1e8: {  	_ = 	snop  }
0x1e9: {  	v9 =	vshll.u32 v9, $0x7;
	v8 =	vadd.f32 v8, v10  }
0x1ea: {  	s0 =	sadd.s32 $0x10, s3;
	v9 =	vor.u32 v0, v9  }
0x1eb: {  	s7 =	sadd.s32 $0x10, s4;
	[tilespmem:s0+$0x0] =	vst v8  }
0x1ec: {  	s13 =	sadd.s32 $0x10, s13;
	v8 =	vor.u32 $0x1, v9;
	v40 =	vld [tilespmem:s7+$0x0]  }
0x1ed: {  	v11 =	vld [tilespmem:s13+$0x0]  }
0x1ee: {  	v12 =	vor.u32 $0x2, v9  }
0x1ef: {  	v13 =	vld.idx.msk [tilespmem:v9+s31+$0x0], $0xffff  }
0x1f0: {  	v14 =	vor.u32 $0x3, v9  }
0x1f1: {  	v8 =	vld.idx.msk [tilespmem:v8+s31+$0x0], $0xffff  }
0x1f2: {  	v15 =	vor.u32 $0x4, v9;
	v10 =	vadd.f32 v40, v11  }
0x1f3: {  	v41 =	vld.idx.msk [tilespmem:v12+s31+$0x0], $0xffff  }
0x1f4: {  	v42 =	vor.u32 $0x5, v9;
	v10 =	vadd.f32 v13, v10  }
0x1f5: {  	v43 =	vld.idx.msk [tilespmem:v14+s31+$0x0], $0xffff  }
0x1f6: {  	v44 =	vor.u32 $0x6, v9;
	v8 =	vadd.f32 v8, v10  }
0x1f7: {  	v45 =	vld.idx.msk [tilespmem:v15+s31+$0x0], $0xffff  }
0x1f8: {  	v46 =	vor.u32 $0x7, v9;
	v8 =	vadd.f32 v41, v8  }
0x1f9: {  	v47 =	vld.idx.msk [tilespmem:v42+s31+$0x0], $0xffff  }
0x1fa: {  	v48 =	vor.u32 $0x8, v9;
	v8 =	vadd.f32 v43, v8  }
0x1fb: {  	v49 =	vld.idx.msk [tilespmem:v44+s31+$0x0], $0xffff  }
0x1fc: {  	v50 =	vor.u32 $0x9, v9;
	v8 =	vadd.f32 v45, v8  }
0x1fd: {  	v51 =	vld.idx.msk [tilespmem:v46+s31+$0x0], $0xffff  }
0x1fe: {  	v52 =	vor.u32 $0xA, v9;
	v8 =	vadd.f32 v47, v8  }
0x1ff: {  	v53 =	vld.idx.msk [tilespmem:v48+s31+$0x0], $0xffff  }
0x200: {  	v54 =	vor.u32 $0xB, v9;
	v8 =	vadd.f32 v49, v8  }
0x201: {  	v55 =	vld.idx.msk [tilespmem:v50+s31+$0x0], $0xffff  }
0x202: {  	v56 =	vor.u32 $0xC, v9;
	v8 =	vadd.f32 v51, v8  }
0x203: {  	v57 =	vld.idx.msk [tilespmem:v52+s31+$0x0], $0xffff  }
0x204: {  	v58 =	vor.u32 $0xD, v9;
	v8 =	vadd.f32 v53, v8  }
0x205: {  	v59 =	vld.idx.msk [tilespmem:v54+s31+$0x0], $0xffff  }
0x206: {  	v60 =	vor.u32 $0xE, v9;
	v8 =	vadd.f32 v55, v8  }
0x207: {  	v61 =	vld.idx.msk [tilespmem:v56+s31+$0x0], $0xffff  }
0x208: {  	v9 =	vor.u32 $0xF, v9;
	v8 =	vadd.f32 v57, v8  }
0x209: {  	v62 =	vld.idx.msk [tilespmem:v58+s31+$0x0], $0xffff  }
0x20a: {  	v8 =	vadd.f32 v59, v8  }
0x20b: {  	v63 =	vld.idx.msk [tilespmem:v60+s31+$0x0], $0xffff  }
0x20c: {  	v8 =	vadd.f32 v61, v8  }
0x20d: {  	v9 =	vld.idx.msk [tilespmem:v9+s31+$0x0], $0xffff  }
0x20e: {  	v8 =	vadd.f32 v62, v8;
	_ =	sdelay $0x1  }
0x20f: {  	v8 =	vadd.f32 v63, v8;
	_ =	sdelay $0x1  }
0x210: {  	s5 =	sadd.s32 $0x1, s5;
	v8 =	vadd.f32 v9, v8  }
0x211: {  	p0 =	sne.s32 s5, s10;
	s0 =	sadd.s32 $0x10, s0  }
.Ltmp2:
0x212: {  	s14 =	simm.s32 $0x18800;
	[tilespmem:s0+$0x0] =	vst v8;
	(pc) =	sbr.rel @p0 .LBB2_1-.Ltmp2, $4  }
0x213: {  	[hbm4b:s9+s6] =	stream.linear.scatter [tilespmem:s14], [sflag:$0x7], $0x200, $0x38;
	[tilespmem:$0x18A00] =	vst v63  }
0x214: {  	_ =	swait.ge [sflag:s11], $0x200  }
0x215: {  	[sflag:s11] =	ssyncset.done $0x0  }
0x216: {  	[sflag:s11] =	ssyncadd.s32 $0xFFFFFE00  }
0x217: {  	_ =	sfence.sel $0x180000  }
0x218: {  	[bflag:$0x0] =	sbarrier.arrive $0xFFFF  }
0x219: {  	_ =	strace $0x90000047  }
0x21a: {  	s0 =	stileid.u32;
	[bflag:$0x2] =	sbarrier.arrive $0xFFFF  }
0x21b: {  	p0 =	sne.s32 s0, $0x0;
	s0 =	rddreg [dreg:$0x7]  }
0x21c: {  	s0 =	sadd.s32 @!p0 $0x100000, s0  }
0x21d: {  	[sflag:s0] =	ssyncadd.tile.s32 @!p0 $0x1;
	_ =	shalt  }
.Lfunc_end2:
_tile_overlayer_lowered:
.L_overlay_start_2:
0x21e: {  	(tag) =	ssettag $0x2  }
0x21f: {  	s0 =	rddreg [dreg:$0x0];
	s2 =	stileid.u32  }
0x220: {  	s1 =	rddreg [dreg:$0x1];
	p0 =	sne.s32 s2, $0x0  }
0x221: {  	s3 =	rddreg [dreg:$0x2];
	[bflag:$0x3] =	sbarrier.arrive $0xFFFF;
	s2 =	simm.s32 @!p0 $0x1C07  }
0x222: {  	[timem:s3], [sflag:s2] =	dma.local @!p0 [hbm:s0], s1  }
0x223: {  	s0 =	simm.s32 @!p0 $0x7  }
0x224: {  	_ =	swait.ge @!p0 [sflag:s0], s1  }
0x225: {  	s1 =	ssub.s32 @!p0 $0x0, s1;
	[sflag:s0] =	ssyncset.done @!p0 $0x0  }
0x226: {  	[sflag:s0] =	ssyncadd.s32 @!p0 s1  }
0x227: {  	[bflag:$0x3] =	sbarrier.arrive $0xFFFF  }
0x228: {  	_ =	shalt  }

</sc_bundles>
